<compile_context>
chip_gen: v7x
topology: tpu7x:2x2x1
jax: 0.10.2.dev20260603
libtpu: 0.0.44.dev20260713+nightly
codegen_flags: <defaults>
</compile_context>

<pallas_src>
import functools

import jax
import jax.numpy as jnp
import numpy as np
from jax import lax
from jax.experimental import pallas as pl
from jax.experimental.pallas import tpu as pltpu
from jax.experimental.pallas import tpu_sc as plsc

INPUT_SIZE = 4096
OUTPUT_SIZE = 4096
N_GAUSS = 64
N_LOCAL = 8
N_GLOBAL = 8
TAU = 0.1
SIGMA_BOOST = 2.0
LOCAL1 = float(np.log2(INPUT_SIZE))
LOCAL2 = float(np.log2(INPUT_SIZE))
BATCH = 4096
N_POINTS = N_GAUSS * (4 + N_LOCAL + N_GLOBAL)

L = 16
N_CHUNK = N_POINTS // L
NW = 32
ROWS_PER_W = BATCH // NW


def _sample_weight(D_param, sigma_param, v_param):
    shape = jnp.array([INPUT_SIZE, OUTPUT_SIZE], dtype=jnp.float32)
    local_shape = jnp.array([LOCAL1, LOCAL2], dtype=jnp.float32)
    D = jax.nn.sigmoid(D_param) * shape
    sigma = jax.nn.softplus(sigma_param + SIGMA_BOOST)[:, None]
    sigma = jnp.repeat(sigma, 2, axis=1) * shape * 0.1 + TAU

    rkey = jax.random.key(1234)
    rk1, rk2 = jax.random.split(rkey, 2)
    select_nearest = jnp.tile(
        jnp.array([[0.0, 0.0], [0.0, 1.0], [1.0, 0.0], [1.0, 1.0]], dtype=jnp.float32),
        (N_GAUSS, 1),
    )
    select_local = (jax.random.uniform(rk1, (N_LOCAL * N_GAUSS, 2)) - 0.5) * local_shape
    part1 = jnp.repeat(D, 4, axis=0) + select_nearest
    part2 = jnp.repeat(D, N_LOCAL, axis=0) + select_local
    part3 = jax.random.uniform(rk2, (N_GLOBAL * N_GAUSS, 2)) * shape
    D_prime = jnp.concatenate([part1, part2, part3], axis=0)
    D_prime = jnp.round(D_prime)
    D_prime = jnp.stack(
        [
            jnp.clip(D_prime[:, 0], 0.0, shape[0] - 1.0),
            jnp.clip(D_prime[:, 1], 0.0, shape[1] - 1.0),
        ],
        axis=1,
    )
    D_prime = jax.lax.stop_gradient(D_prime)

    means = jnp.broadcast_to(D.T[None, :, :], (N_POINTS, 2, N_GAUSS))
    stds = jnp.broadcast_to(jnp.sqrt(sigma).T[None, :, :], (N_POINTS, 2, N_GAUSS))
    z = (D_prime[:, :, None] - means) / stds
    log_prob = -0.5 * z**2 - 0.5 * jnp.log(2.0 * jnp.pi)
    probs = jnp.exp(jnp.sum(log_prob - jnp.log(stds), axis=1))

    s = D_prime.sum(axis=1)
    cantor = s * (s + 1.0) / 2.0 + D_prime[:, 1]
    iota = jnp.arange(N_POINTS, dtype=jnp.int32)
    lt = cantor[None, :] < cantor[:, None]
    eqlow = (cantor[None, :] == cantor[:, None]) & (iota[None, :] < iota[:, None])
    rank = jnp.sum((lt | eqlow).astype(jnp.int32), axis=1)
    nf = (jnp.sum(eqlow.astype(jnp.int32), axis=1) > 0).astype(jnp.float32)
    perm = jnp.sum(jnp.where(rank[None, :] == iota[:, None], iota[None, :], 0), axis=1)
    perm2 = jnp.sum(jnp.where(rank[None, :] == perm[:, None], iota[None, :], 0), axis=1)
    mask = jnp.sum(jnp.where(iota[None, :] == perm2[:, None], nf[None, :], 0.0), axis=1)

    probs = probs * (1.0 - mask)[:, None]
    probs_intermediate = probs / probs.sum(axis=0, keepdims=True)
    v_prime = (probs_intermediate * v_param).sum(axis=1)
    return D_prime.astype(jnp.int32), v_prime


R_GROUP = 4
N_IN_BUF = 4
N_OUT_BUF = 2
N_GROUP = ROWS_PER_W // R_GROUP


def _sc_body(
    x_hbm, rows_hbm, cols_hbm, vals_hbm, pos_hbm, out_hbm,
    rows_u, cols_u, vals_u, pos_u, rows_v, cols_v, vals_v,
    xb0, xb1, xb2, xb3, ob0, ob1,
    sin0, sin1, sin2, sin3, sout0, sout1,
):
    cid = lax.axis_index("c")
    sid = lax.axis_index("s")
    wid = sid * 2 + cid
    base = wid * ROWS_PER_W

    pltpu.sync_copy(rows_hbm, rows_u)
    pltpu.sync_copy(cols_hbm, cols_u)
    pltpu.sync_copy(vals_hbm, vals_u)
    pltpu.sync_copy(pos_hbm, pos_u)

    zero = jnp.zeros((L,), jnp.float32)
    lane_row = [jnp.full((L,), rr, jnp.int32) for rr in range(R_GROUP)]

    def start_in(g, xb, sin):
        pltpu.async_copy(x_hbm.at[pl.ds(base + g * R_GROUP, R_GROUP)], xb, sin)

    def wait_in(xb, sin):
        pltpu.make_async_copy(x_hbm.at[pl.ds(base, R_GROUP)], xb, sin).wait()

    def start_out(g, ob, sout):
        pltpu.async_copy(ob, out_hbm.at[pl.ds(base + g * R_GROUP, R_GROUP)], sout)

    def wait_out(ob, sout):
        pltpu.make_async_copy(ob, out_hbm.at[pl.ds(base, R_GROUP)], sout).wait()

    def accumulate(xb, ob):
        @plsc.parallel_loop(0, N_CHUNK, unroll=8)
        def chunk_body(j):
            r = rows_v[pl.ds(j * L, L)]
            cc = cols_v[pl.ds(j * L, L)]
            vv = vals_v[pl.ds(j * L, L)]
            for rr in range(R_GROUP):
                xe = plsc.load_gather(xb, [lane_row[rr], r])
                plsc.addupdate_scatter(ob, [lane_row[rr], cc], xe * vv)

    def cleanup(ob):
        @plsc.parallel_loop(0, N_CHUNK, unroll=8)
        def chunk_body(j):
            cc = cols_v[pl.ds(j * L, L)]
            for rr in range(R_GROUP):
                plsc.store_scatter(ob, [lane_row[rr], cc], zero)

    in_bufs = ((xb0, sin0), (xb1, sin1), (xb2, sin2), (xb3, sin3))
    out_bufs = ((ob0, sout0), (ob1, sout1))

    for b, (xb, sin) in enumerate(in_bufs):
        start_in(b, xb, sin)

    @plsc.parallel_loop(0, N_CHUNK, unroll=2)
    def permute_body(j):
        sl = pl.ds(j * L, L)
        p = pos_u[sl]
        slot = (p % N_CHUNK) * L + p // N_CHUNK
        plsc.store_scatter(rows_v, [slot], rows_u[sl])
        plsc.store_scatter(cols_v, [slot], cols_u[sl])
        plsc.store_scatter(vals_v, [slot], vals_u[sl])

    @plsc.parallel_loop(0, OUTPUT_SIZE // L, unroll=4)
    def zero_body(j):
        for ob, _ in out_bufs:
            for rr in range(R_GROUP):
                ob[rr, pl.ds(j * L, L)] = zero

    def ring_body(h, carry):
        for q in range(N_IN_BUF):
            g = N_IN_BUF * h + q
            xb, sin = in_bufs[q]
            ob, sout = out_bufs[q % N_OUT_BUF]

            @pl.when(g >= N_OUT_BUF)
            def _():
                wait_out(ob, sout)
                cleanup(ob)

            wait_in(xb, sin)
            accumulate(xb, ob)
            start_out(g, ob, sout)

            @pl.when(g + N_IN_BUF <= N_GROUP - 1)
            def _():
                start_in(g + N_IN_BUF, xb, sin)

        return carry

    lax.fori_loop(0, N_GROUP // N_IN_BUF, ring_body, 0)

    for ob, sout in out_bufs:
        wait_out(ob, sout)


@jax.jit
def _sparse_mm_sc(x, rows, cols, vals, pos):
    kern = pl.kernel(
        _sc_body,
        out_type=jax.ShapeDtypeStruct((BATCH, OUTPUT_SIZE), jnp.float32),
        mesh=plsc.VectorSubcoreMesh(core_axis_name="c", subcore_axis_name="s"),
        scratch_types=[
            pltpu.VMEM((N_POINTS,), jnp.int32),
            pltpu.VMEM((N_POINTS,), jnp.int32),
            pltpu.VMEM((N_POINTS,), jnp.float32),
            pltpu.VMEM((N_POINTS,), jnp.int32),
            pltpu.VMEM((N_POINTS,), jnp.int32),
            pltpu.VMEM((N_POINTS,), jnp.int32),
            pltpu.VMEM((N_POINTS,), jnp.float32),
            *[pltpu.VMEM((R_GROUP, INPUT_SIZE), jnp.float32) for _ in range(N_IN_BUF)],
            *[pltpu.VMEM((R_GROUP, OUTPUT_SIZE), jnp.float32) for _ in range(N_OUT_BUF)],
            *[pltpu.SemaphoreType.DMA for _ in range(N_IN_BUF + N_OUT_BUF)],
        ],
        compiler_params=pltpu.CompilerParams(needs_layout_passes=False),
    )
    return kern(x, rows, cols, vals, pos)


def kernel(x, D, sigma, v):
    indices, values = _sample_weight(D, sigma, v)
    rows = indices[:, 0]
    cols = indices[:, 1]

    iota = jnp.arange(N_POINTS, dtype=jnp.int32)
    key = cols * jnp.int32(2048) + iota
    pos = jnp.sum((key[None, :] < key[:, None]).astype(jnp.int32), axis=1)

    return _sparse_mm_sc(x, rows, cols, values, pos)

# --- scband reference (transcript-rebuilt; emitter-appended) ---
"""Pipeline reference for scband-sparse-layer-34076270526745 (READ-ONLY COPY).

The authoritative reference and input builder live on the scoring server;
editing this copy changes nothing except your own understanding.
"""

import jax, jax.numpy as jnp
import numpy as np

INPUT_SIZE = 4096
OUTPUT_SIZE = 4096
N_GAUSS = 64
N_LOCAL = 8
N_GLOBAL = 8
TAU = 0.1
SIGMA_BOOST = 2.0
LOCAL1 = float(np.log2(INPUT_SIZE))
LOCAL2 = float(np.log2(INPUT_SIZE))
BATCH = 4096
N_POINTS = N_GAUSS * (4 + N_LOCAL + N_GLOBAL)


def setup_inputs(seed: int = 0) -> dict:
    key = jax.random.key(seed)
    k1, k2, k3, k4 = jax.random.split(key, 4)
    x = jax.random.normal(k1, (BATCH, INPUT_SIZE), dtype=jnp.float32)
    D = jax.random.normal(k2, (N_GAUSS, 2), dtype=jnp.float32)
    sigma = jax.random.normal(k3, (N_GAUSS,), dtype=jnp.float32)
    v = jax.random.normal(k4, (N_GAUSS,), dtype=jnp.float32)
    return {"x": x, "D": D, "sigma": sigma, "v": v}


def _sample_weight(D_param, sigma_param, v_param):
    shape = jnp.array([INPUT_SIZE, OUTPUT_SIZE], dtype=jnp.float32)
    local_shape = jnp.array([LOCAL1, LOCAL2], dtype=jnp.float32)
    D = jax.nn.sigmoid(D_param) * shape
    sigma = jax.nn.softplus(sigma_param + SIGMA_BOOST)[:, None]
    sigma = jnp.repeat(sigma, 2, axis=1) * shape * 0.1 + TAU

    rkey = jax.random.key(1234)
    rk1, rk2 = jax.random.split(rkey, 2)
    select_nearest = jnp.tile(
        jnp.array([[0.0, 0.0], [0.0, 1.0], [1.0, 0.0], [1.0, 1.0]], dtype=jnp.float32),
        (N_GAUSS, 1),
    )
    select_local = (jax.random.uniform(rk1, (N_LOCAL * N_GAUSS, 2)) - 0.5) * local_shape
    part1 = jnp.repeat(D, 4, axis=0) + select_nearest
    part2 = jnp.repeat(D, N_LOCAL, axis=0) + select_local
    part3 = jax.random.uniform(rk2, (N_GLOBAL * N_GAUSS, 2)) * shape
    D_prime = jnp.concatenate([part1, part2, part3], axis=0)
    D_prime = jnp.round(D_prime)
    D_prime = jnp.stack(
        [
            jnp.clip(D_prime[:, 0], 0.0, shape[0] - 1.0),
            jnp.clip(D_prime[:, 1], 0.0, shape[1] - 1.0),
        ],
        axis=1,
    )
    D_prime = jax.lax.stop_gradient(D_prime)

    means = jnp.broadcast_to(D.T[None, :, :], (N_POINTS, 2, N_GAUSS))
    stds = jnp.broadcast_to(jnp.sqrt(sigma).T[None, :, :], (N_POINTS, 2, N_GAUSS))
    z = (D_prime[:, :, None] - means) / stds
    log_prob = -0.5 * z ** 2 - 0.5 * jnp.log(2.0 * jnp.pi)
    probs = jnp.exp(jnp.sum(log_prob - jnp.log(stds), axis=1))

    s = D_prime.sum(axis=1)
    cantor = s * (s + 1.0) / 2.0 + D_prime[:, 1]
    cantor_indices = jnp.argsort(cantor)
    cantor_sort = cantor[cantor_indices]
    dup = jnp.concatenate(
        [jnp.zeros((1,), dtype=jnp.float32), (cantor_sort[1:] == cantor_sort[:-1]).astype(jnp.float32)]
    )
    mask = jax.lax.stop_gradient(dup[cantor_indices])

    probs = probs * (1.0 - mask)[:, None]
    probs_intermediate = probs / probs.sum(axis=0, keepdims=True)
    v_prime = (probs_intermediate * v_param).sum(axis=1)
    return D_prime.astype(jnp.int32), v_prime


def _sparse_mm(x, indices, values):
    rows = indices[:, 0]
    cols = indices[:, 1]
    contrib = x[:, rows] * values[None, :]
    out = jnp.zeros((x.shape[0], OUTPUT_SIZE), dtype=x.dtype)
    out = out.at[:, cols].add(contrib)
    return out


def reference(x, D, sigma, v):
    indices, values = _sample_weight(D, sigma, v)
    return _sparse_mm(x, indices, values)

if __name__ == "__main__":
    import jax
    _d = setup_inputs()
    print(jax.jit(kernel)(*tuple(_d.values())))

</pallas_src>

<mosaic_0001>
#map = affine_map<(d0, d1) -> (0, 0)>
#map1 = affine_map<(d0, d1) -> (0)>
module attributes {stable_mosaic.version = 14 : i64} {
  func.func @_sc_body(%arg0: i32, %arg1: i32, %arg2: memref<4096x4096xf32, #tpu.memory_space<hbm>>, %arg3: memref<1280xi32, #tpu.memory_space<hbm>>, %arg4: memref<1280xi32, #tpu.memory_space<hbm>>, %arg5: memref<1280xf32, #tpu.memory_space<hbm>>, %arg6: memref<1280xi32, #tpu.memory_space<hbm>>, %arg7: memref<4096x4096xf32, #tpu.memory_space<hbm>>, %arg8: memref<1280xi32, #tpu.memory_space<vmem>>, %arg9: memref<1280xi32, #tpu.memory_space<vmem>>, %arg10: memref<1280xf32, #tpu.memory_space<vmem>>, %arg11: memref<1280xi32, #tpu.memory_space<vmem>>, %arg12: memref<1280xi32, #tpu.memory_space<vmem>>, %arg13: memref<1280xi32, #tpu.memory_space<vmem>>, %arg14: memref<1280xf32, #tpu.memory_space<vmem>>, %arg15: memref<4x4096xf32, #tpu.memory_space<vmem>>, %arg16: memref<4x4096xf32, #tpu.memory_space<vmem>>, %arg17: memref<4x4096xf32, #tpu.memory_space<vmem>>, %arg18: memref<4x4096xf32, #tpu.memory_space<vmem>>, %arg19: memref<4x4096xf32, #tpu.memory_space<vmem>>, %arg20: memref<4x4096xf32, #tpu.memory_space<vmem>>, %arg21: memref<!tpu.dma_semaphore, #tpu.memory_space<semaphore_mem>>, %arg22: memref<!tpu.dma_semaphore, #tpu.memory_space<semaphore_mem>>, %arg23: memref<!tpu.dma_semaphore, #tpu.memory_space<semaphore_mem>>, %arg24: memref<!tpu.dma_semaphore, #tpu.memory_space<semaphore_mem>>, %arg25: memref<!tpu.dma_semaphore, #tpu.memory_space<semaphore_mem>>, %arg26: memref<!tpu.dma_semaphore, #tpu.memory_space<semaphore_mem>>) attributes {dimension_semantics = [#tpu.dimension_semantics<core_parallel>, #tpu.dimension_semantics<subcore_parallel>], iteration_bounds = array<i64: 2, 16>, scalar_prefetch = 0 : i64, scratch_operands = 19 : i64, tpu.core_type = #tpu.core_type<sc_vector_subcore>, window_params = [{transform_indices = #map}, {transform_indices = #map1}, {transform_indices = #map1}, {transform_indices = #map1}, {transform_indices = #map1}, {transform_indices = #map}]} {
    %mul3A = arith.constant 2 : i32
    %mul3A_0 = arith.muli %arg1, %mul3A : i32
    %add3A = arith.addi %mul3A_0, %arg0 : i32
    %mul3A_1 = arith.constant 128 : i32
    %mul3A_2 = arith.muli %add3A, %mul3A_1 : i32
    "tpu.region"() ({
      %run_scoped3A = tpu.sem_alloc : memref<!tpu.dma_semaphore, #tpu.memory_space<semaphore_mem>>
      tpu.enqueue_dma source(%arg3 : memref<1280xi32, #tpu.memory_space<hbm>>) target(%arg8 : memref<1280xi32, #tpu.memory_space<vmem>>) target_semaphore(%run_scoped3A : memref<!tpu.dma_semaphore, #tpu.memory_space<semaphore_mem>>)
      tpu.wait_dma2 semaphore(%run_scoped3A : memref<!tpu.dma_semaphore, #tpu.memory_space<semaphore_mem>>) src(%arg3 : memref<1280xi32, #tpu.memory_space<hbm>>) dst(%arg8 : memref<1280xi32, #tpu.memory_space<vmem>>)
      tpu.yield
    }) : () -> ()
    "tpu.region"() ({
      %run_scoped3A = tpu.sem_alloc : memref<!tpu.dma_semaphore, #tpu.memory_space<semaphore_mem>>
      tpu.enqueue_dma source(%arg4 : memref<1280xi32, #tpu.memory_space<hbm>>) target(%arg9 : memref<1280xi32, #tpu.memory_space<vmem>>) target_semaphore(%run_scoped3A : memref<!tpu.dma_semaphore, #tpu.memory_space<semaphore_mem>>)
      tpu.wait_dma2 semaphore(%run_scoped3A : memref<!tpu.dma_semaphore, #tpu.memory_space<semaphore_mem>>) src(%arg4 : memref<1280xi32, #tpu.memory_space<hbm>>) dst(%arg9 : memref<1280xi32, #tpu.memory_space<vmem>>)
      tpu.yield
    }) : () -> ()
    "tpu.region"() ({
      %run_scoped3A = tpu.sem_alloc : memref<!tpu.dma_semaphore, #tpu.memory_space<semaphore_mem>>
      tpu.enqueue_dma source(%arg5 : memref<1280xf32, #tpu.memory_space<hbm>>) target(%arg10 : memref<1280xf32, #tpu.memory_space<vmem>>) target_semaphore(%run_scoped3A : memref<!tpu.dma_semaphore, #tpu.memory_space<semaphore_mem>>)
      tpu.wait_dma2 semaphore(%run_scoped3A : memref<!tpu.dma_semaphore, #tpu.memory_space<semaphore_mem>>) src(%arg5 : memref<1280xf32, #tpu.memory_space<hbm>>) dst(%arg10 : memref<1280xf32, #tpu.memory_space<vmem>>)
      tpu.yield
    }) : () -> ()
    "tpu.region"() ({
      %run_scoped3A = tpu.sem_alloc : memref<!tpu.dma_semaphore, #tpu.memory_space<semaphore_mem>>
      tpu.enqueue_dma source(%arg6 : memref<1280xi32, #tpu.memory_space<hbm>>) target(%arg11 : memref<1280xi32, #tpu.memory_space<vmem>>) target_semaphore(%run_scoped3A : memref<!tpu.dma_semaphore, #tpu.memory_space<semaphore_mem>>)
      tpu.wait_dma2 semaphore(%run_scoped3A : memref<!tpu.dma_semaphore, #tpu.memory_space<semaphore_mem>>) src(%arg6 : memref<1280xi32, #tpu.memory_space<hbm>>) dst(%arg11 : memref<1280xi32, #tpu.memory_space<vmem>>)
      tpu.yield
    }) : () -> ()
    %broadcast_in_dim3A = arith.constant 0.000000e+00 : f32
    %broadcast_in_dim3A_3 = vector.broadcast %broadcast_in_dim3A : f32 to vector<16xf32>
    %broadcast_in_dim3A_4 = arith.constant 0 : i32
    %broadcast_in_dim3A_5 = vector.broadcast %broadcast_in_dim3A_4 : i32 to vector<16xi32>
    %broadcast_in_dim3A_6 = arith.constant 1 : i32
    %broadcast_in_dim3A_7 = vector.broadcast %broadcast_in_dim3A_6 : i32 to vector<16xi32>
    %broadcast_in_dim3A_8 = arith.constant 2 : i32
    %broadcast_in_dim3A_9 = vector.broadcast %broadcast_in_dim3A_8 : i32 to vector<16xi32>
    %broadcast_in_dim3A_10 = arith.constant 3 : i32
    %broadcast_in_dim3A_11 = vector.broadcast %broadcast_in_dim3A_10 : i32 to vector<16xi32>
    %add3A_12 = arith.constant 0 : i32
    %add3A_13 = arith.addi %mul3A_2, %add3A_12 : i32
    %dma_start3A = arith.constant 0 : i32
    %dma_start3A_14 = tpu.memref_slice %arg2[%add3A_13, %dma_start3A] : memref<4096x4096xf32, #tpu.memory_space<hbm>> -> memref<4x4096xf32, #tpu.memory_space<hbm>>
    %dma_start3A_15 = arith.constant 0 : i32
    %dma_start3A_16 = tpu.memref_slice %arg2[%add3A_13, %dma_start3A_15] : memref<4096x4096xf32, #tpu.memory_space<hbm>> -> memref<4x4096xf32, #tpu.memory_space<hbm>>
    tpu.enqueue_dma source(%dma_start3A_16 : memref<4x4096xf32, #tpu.memory_space<hbm>>) target(%arg15 : memref<4x4096xf32, #tpu.memory_space<vmem>>) target_semaphore(%arg21 : memref<!tpu.dma_semaphore, #tpu.memory_space<semaphore_mem>>)
    %add3A_17 = arith.constant 4 : i32
    %add3A_18 = arith.addi %mul3A_2, %add3A_17 : i32
    %dma_start3A_19 = arith.constant 0 : i32
    %dma_start3A_20 = tpu.memref_slice %arg2[%add3A_18, %dma_start3A_19] : memref<4096x4096xf32, #tpu.memory_space<hbm>> -> memref<4x4096xf32, #tpu.memory_space<hbm>>
    %dma_start3A_21 = arith.constant 0 : i32
    %dma_start3A_22 = tpu.memref_slice %arg2[%add3A_18, %dma_start3A_21] : memref<4096x4096xf32, #tpu.memory_space<hbm>> -> memref<4x4096xf32, #tpu.memory_space<hbm>>
    tpu.enqueue_dma source(%dma_start3A_22 : memref<4x4096xf32, #tpu.memory_space<hbm>>) target(%arg16 : memref<4x4096xf32, #tpu.memory_space<vmem>>) target_semaphore(%arg22 : memref<!tpu.dma_semaphore, #tpu.memory_space<semaphore_mem>>)
    %add3A_23 = arith.constant 8 : i32
    %add3A_24 = arith.addi %mul3A_2, %add3A_23 : i32
    %dma_start3A_25 = arith.constant 0 : i32
    %dma_start3A_26 = tpu.memref_slice %arg2[%add3A_24, %dma_start3A_25] : memref<4096x4096xf32, #tpu.memory_space<hbm>> -> memref<4x4096xf32, #tpu.memory_space<hbm>>
    %dma_start3A_27 = arith.constant 0 : i32
    %dma_start3A_28 = tpu.memref_slice %arg2[%add3A_24, %dma_start3A_27] : memref<4096x4096xf32, #tpu.memory_space<hbm>> -> memref<4x4096xf32, #tpu.memory_space<hbm>>
    tpu.enqueue_dma source(%dma_start3A_28 : memref<4x4096xf32, #tpu.memory_space<hbm>>) target(%arg17 : memref<4x4096xf32, #tpu.memory_space<vmem>>) target_semaphore(%arg23 : memref<!tpu.dma_semaphore, #tpu.memory_space<semaphore_mem>>)
    %add3A_29 = arith.constant 12 : i32
    %add3A_30 = arith.addi %mul3A_2, %add3A_29 : i32
    %dma_start3A_31 = arith.constant 0 : i32
    %dma_start3A_32 = tpu.memref_slice %arg2[%add3A_30, %dma_start3A_31] : memref<4096x4096xf32, #tpu.memory_space<hbm>> -> memref<4x4096xf32, #tpu.memory_space<hbm>>
    %dma_start3A_33 = arith.constant 0 : i32
    %dma_start3A_34 = tpu.memref_slice %arg2[%add3A_30, %dma_start3A_33] : memref<4096x4096xf32, #tpu.memory_space<hbm>> -> memref<4x4096xf32, #tpu.memory_space<hbm>>
    tpu.enqueue_dma source(%dma_start3A_34 : memref<4x4096xf32, #tpu.memory_space<hbm>>) target(%arg18 : memref<4x4096xf32, #tpu.memory_space<vmem>>) target_semaphore(%arg24 : memref<!tpu.dma_semaphore, #tpu.memory_space<semaphore_mem>>)
    %parallel_loop3A = arith.constant 0 : i32
    %parallel_loop3A_35 = arith.constant 80 : i32
    %parallel_loop3A_36 = arith.constant 1 : i32
    scf.for %parallel_loop3A_52 = %parallel_loop3A to %parallel_loop3A_35 step %parallel_loop3A_36  : i32 {
      %parallel_loop3A_53 = arith.constant 16 : i32
      %parallel_loop3A_54 = arith.muli %parallel_loop3A_52, %parallel_loop3A_53 : i32
      %parallel_loop3A_55 = arith.index_cast %parallel_loop3A_54 : i32 to index
      %parallel_loop3A_56 = tpu.vector_load %arg11[%parallel_loop3A_55] {strides = array<i32>} : memref<1280xi32, #tpu.memory_space<vmem>>, vector<16xi32>,
      %parallel_loop3A_57 = arith.constant 80 : i32
      %parallel_loop3A_58 = arith.constant 0 : i32
      %parallel_loop3A_59 = arith.cmpi eq, %parallel_loop3A_57, %parallel_loop3A_58 : i32
      %parallel_loop3A_60 = arith.constant 1 : i32
      %parallel_loop3A_61 = arith.select %parallel_loop3A_59, %parallel_loop3A_60, %parallel_loop3A_57 : i32
      %parallel_loop3A_62 = vector.broadcast %parallel_loop3A_61 : i32 to vector<16xi32>
      %parallel_loop3A_63 = arith.remsi %parallel_loop3A_56, %parallel_loop3A_62 : vector<16xi32>
      %parallel_loop3A_64 = arith.constant 0 : i32
      %parallel_loop3A_65 = vector.broadcast %parallel_loop3A_64 : i32 to vector<16xi32>
      %parallel_loop3A_66 = arith.cmpi ne, %parallel_loop3A_63, %parallel_loop3A_65 : vector<16xi32>
      %parallel_loop3A_67 = arith.constant 0 : i32
      %parallel_loop3A_68 = vector.broadcast %parallel_loop3A_67 : i32 to vector<16xi32>
      %parallel_loop3A_69 = arith.cmpi slt, %parallel_loop3A_63, %parallel_loop3A_68 : vector<16xi32>
      %parallel_loop3A_70 = arith.constant 0 : i32
      %parallel_loop3A_71 = arith.cmpi slt, %parallel_loop3A_61, %parallel_loop3A_70 : i32
      %parallel_loop3A_72 = vector.broadcast %parallel_loop3A_71 : i1 to vector<16xi1>
      %parallel_loop3A_73 = vector.broadcast %parallel_loop3A_72 : vector<16xi1> to vector<16xi1>
      %parallel_loop3A_74 = arith.xori %parallel_loop3A_69, %parallel_loop3A_73 : vector<16xi1>
      %parallel_loop3A_75 = arith.andi %parallel_loop3A_74, %parallel_loop3A_66 : vector<16xi1>
      %parallel_loop3A_76 = vector.broadcast %parallel_loop3A_61 : i32 to vector<16xi32>
      %parallel_loop3A_77 = arith.addi %parallel_loop3A_63, %parallel_loop3A_76 : vector<16xi32>
      %parallel_loop3A_78 = arith.select %parallel_loop3A_75, %parallel_loop3A_77, %parallel_loop3A_63 : vector<16xi1>, vector<16xi32>
      %parallel_loop3A_79 = arith.constant 16 : i32
      %parallel_loop3A_80 = vector.broadcast %parallel_loop3A_79 : i32 to vector<16xi32>
      %parallel_loop3A_81 = arith.muli %parallel_loop3A_78, %parallel_loop3A_80 : vector<16xi32>
      %parallel_loop3A_82 = arith.constant 80 : i32
      %parallel_loop3A_83 = vector.broadcast %parallel_loop3A_82 : i32 to vector<16xi32>
      %parallel_loop3A_84 = arith.divsi %parallel_loop3A_56, %parallel_loop3A_83 : vector<16xi32>
      %parallel_loop3A_85 = arith.constant 0 : i32
      %parallel_loop3A_86 = vector.broadcast %parallel_loop3A_85 : i32 to vector<16xi32>
      %parallel_loop3A_87 = arith.cmpi sgt, %parallel_loop3A_56, %parallel_loop3A_86 : vector<16xi32>
      %parallel_loop3A_88 = arith.extui %parallel_loop3A_87 : vector<16xi1> to vector<16xi32>
      %parallel_loop3A_89 = arith.constant 0 : i32
      %parallel_loop3A_90 = vector.broadcast %parallel_loop3A_89 : i32 to vector<16xi32>
      %parallel_loop3A_91 = arith.cmpi slt, %parallel_loop3A_56, %parallel_loop3A_90 : vector<16xi32>
      %parallel_loop3A_92 = arith.extui %parallel_loop3A_91 : vector<16xi1> to vector<16xi32>
      %parallel_loop3A_93 = arith.subi %parallel_loop3A_88, %parallel_loop3A_92 : vector<16xi32>
      %parallel_loop3A_94 = arith.constant 0 : i32
      %parallel_loop3A_95 = arith.cmpi sgt, %parallel_loop3A_82, %parallel_loop3A_94 : i32
      %parallel_loop3A_96 = arith.extui %parallel_loop3A_95 : i1 to i32
      %parallel_loop3A_97 = arith.constant 0 : i32
      %parallel_loop3A_98 = arith.cmpi slt, %parallel_loop3A_82, %parallel_loop3A_97 : i32
      %parallel_loop3A_99 = arith.extui %parallel_loop3A_98 : i1 to i32
      %parallel_loop3A_100 = arith.subi %parallel_loop3A_96, %parallel_loop3A_99 : i32
      %parallel_loop3A_101 = vector.broadcast %parallel_loop3A_100 : i32 to vector<16xi32>
      %parallel_loop3A_102 = arith.cmpi ne, %parallel_loop3A_93, %parallel_loop3A_101 : vector<16xi32>
      %parallel_loop3A_103 = vector.broadcast %parallel_loop3A_82 : i32 to vector<16xi32>
      %parallel_loop3A_104 = arith.remsi %parallel_loop3A_56, %parallel_loop3A_103 : vector<16xi32>
      %parallel_loop3A_105 = arith.constant 0 : i32
      %parallel_loop3A_106 = vector.broadcast %parallel_loop3A_105 : i32 to vector<16xi32>
      %parallel_loop3A_107 = arith.cmpi ne, %parallel_loop3A_104, %parallel_loop3A_106 : vector<16xi32>
      %parallel_loop3A_108 = arith.andi %parallel_loop3A_102, %parallel_loop3A_107 : vector<16xi1>
      %parallel_loop3A_109 = arith.constant 1 : i32
      %parallel_loop3A_110 = vector.broadcast %parallel_loop3A_109 : i32 to vector<16xi32>
      %parallel_loop3A_111 = arith.subi %parallel_loop3A_84, %parallel_loop3A_110 : vector<16xi32>
      %parallel_loop3A_112 = arith.select %parallel_loop3A_108, %parallel_loop3A_111, %parallel_loop3A_84 : vector<16xi1>, vector<16xi32>
      %parallel_loop3A_113 = arith.addi %parallel_loop3A_81, %parallel_loop3A_112 : vector<16xi32>
      %parallel_loop3A_114 = arith.index_cast %parallel_loop3A_54 : i32 to index
      %parallel_loop3A_115 = tpu.vector_load %arg8[%parallel_loop3A_114] {strides = array<i32>} : memref<1280xi32, #tpu.memory_space<vmem>>, vector<16xi32>,
      tpu.vector_store_idx %arg12[%parallel_loop3A_113], %parallel_loop3A_115 : memref<1280xi32, #tpu.memory_space<vmem>>[vector<16xi32>], vector<16xi32>,
      %parallel_loop3A_116 = arith.index_cast %parallel_loop3A_54 : i32 to index
      %parallel_loop3A_117 = tpu.vector_load %arg9[%parallel_loop3A_116] {strides = array<i32>} : memref<1280xi32, #tpu.memory_space<vmem>>, vector<16xi32>,
      tpu.vector_store_idx %arg13[%parallel_loop3A_113], %parallel_loop3A_117 : memref<1280xi32, #tpu.memory_space<vmem>>[vector<16xi32>], vector<16xi32>,
      %parallel_loop3A_118 = arith.index_cast %parallel_loop3A_54 : i32 to index
      %parallel_loop3A_119 = tpu.vector_load %arg10[%parallel_loop3A_118] {strides = array<i32>} : memref<1280xf32, #tpu.memory_space<vmem>>, vector<16xf32>,
      tpu.vector_store_idx %arg14[%parallel_loop3A_113], %parallel_loop3A_119 : memref<1280xf32, #tpu.memory_space<vmem>>[vector<16xi32>], vector<16xf32>,
    } {sc.loop_unroll_factor = 2 : i64, sc.parallel_access}
    %parallel_loop3A_37 = arith.constant 0 : i32
    %parallel_loop3A_38 = arith.constant 256 : i32
    %parallel_loop3A_39 = arith.constant 1 : i32
    scf.for %parallel_loop3A_52 = %parallel_loop3A_37 to %parallel_loop3A_38 step %parallel_loop3A_39  : i32 {
      %parallel_loop3A_53 = arith.constant 16 : i32
      %parallel_loop3A_54 = arith.muli %parallel_loop3A_52, %parallel_loop3A_53 : i32
      %parallel_loop3A_55 = arith.constant 0 : i32
      %parallel_loop3A_56 = arith.index_cast %parallel_loop3A_55 : i32 to index
      %parallel_loop3A_57 = arith.index_cast %parallel_loop3A_54 : i32 to index
      %parallel_loop3A_58 = tpu.vector_load %arg19[%parallel_loop3A_56, %parallel_loop3A_57] {strides = array<i32>} : memref<4x4096xf32, #tpu.memory_space<vmem>>, vector<16xf32>,
      tpu.vector_store %arg19[%parallel_loop3A_56, %parallel_loop3A_57], %broadcast_in_dim3A_3 {strides = array<i32>} : memref<4x4096xf32, #tpu.memory_space<vmem>>, vector<16xf32>,
      %parallel_loop3A_59 = arith.constant 16 : i32
      %parallel_loop3A_60 = arith.muli %parallel_loop3A_52, %parallel_loop3A_59 : i32
      %parallel_loop3A_61 = arith.constant 1 : i32
      %parallel_loop3A_62 = arith.index_cast %parallel_loop3A_61 : i32 to index
      %parallel_loop3A_63 = arith.index_cast %parallel_loop3A_60 : i32 to index
      %parallel_loop3A_64 = tpu.vector_load %arg19[%parallel_loop3A_62, %parallel_loop3A_63] {strides = array<i32>} : memref<4x4096xf32, #tpu.memory_space<vmem>>, vector<16xf32>,
      tpu.vector_store %arg19[%parallel_loop3A_62, %parallel_loop3A_63], %broadcast_in_dim3A_3 {strides = array<i32>} : memref<4x4096xf32, #tpu.memory_space<vmem>>, vector<16xf32>,
      %parallel_loop3A_65 = arith.constant 16 : i32
      %parallel_loop3A_66 = arith.muli %parallel_loop3A_52, %parallel_loop3A_65 : i32
      %parallel_loop3A_67 = arith.constant 2 : i32
      %parallel_loop3A_68 = arith.index_cast %parallel_loop3A_67 : i32 to index
      %parallel_loop3A_69 = arith.index_cast %parallel_loop3A_66 : i32 to index
      %parallel_loop3A_70 = tpu.vector_load %arg19[%parallel_loop3A_68, %parallel_loop3A_69] {strides = array<i32>} : memref<4x4096xf32, #tpu.memory_space<vmem>>, vector<16xf32>,
      tpu.vector_store %arg19[%parallel_loop3A_68, %parallel_loop3A_69], %broadcast_in_dim3A_3 {strides = array<i32>} : memref<4x4096xf32, #tpu.memory_space<vmem>>, vector<16xf32>,
      %parallel_loop3A_71 = arith.constant 16 : i32
      %parallel_loop3A_72 = arith.muli %parallel_loop3A_52, %parallel_loop3A_71 : i32
      %parallel_loop3A_73 = arith.constant 3 : i32
      %parallel_loop3A_74 = arith.index_cast %parallel_loop3A_73 : i32 to index
      %parallel_loop3A_75 = arith.index_cast %parallel_loop3A_72 : i32 to index
      %parallel_loop3A_76 = tpu.vector_load %arg19[%parallel_loop3A_74, %parallel_loop3A_75] {strides = array<i32>} : memref<4x4096xf32, #tpu.memory_space<vmem>>, vector<16xf32>,
      tpu.vector_store %arg19[%parallel_loop3A_74, %parallel_loop3A_75], %broadcast_in_dim3A_3 {strides = array<i32>} : memref<4x4096xf32, #tpu.memory_space<vmem>>, vector<16xf32>,
      %parallel_loop3A_77 = arith.constant 16 : i32
      %parallel_loop3A_78 = arith.muli %parallel_loop3A_52, %parallel_loop3A_77 : i32
      %parallel_loop3A_79 = arith.constant 0 : i32
      %parallel_loop3A_80 = arith.index_cast %parallel_loop3A_79 : i32 to index
      %parallel_loop3A_81 = arith.index_cast %parallel_loop3A_78 : i32 to index
      %parallel_loop3A_82 = tpu.vector_load %arg20[%parallel_loop3A_80, %parallel_loop3A_81] {strides = array<i32>} : memref<4x4096xf32, #tpu.memory_space<vmem>>, vector<16xf32>,
      tpu.vector_store %arg20[%parallel_loop3A_80, %parallel_loop3A_81], %broadcast_in_dim3A_3 {strides = array<i32>} : memref<4x4096xf32, #tpu.memory_space<vmem>>, vector<16xf32>,
      %parallel_loop3A_83 = arith.constant 16 : i32
      %parallel_loop3A_84 = arith.muli %parallel_loop3A_52, %parallel_loop3A_83 : i32
      %parallel_loop3A_85 = arith.constant 1 : i32
      %parallel_loop3A_86 = arith.index_cast %parallel_loop3A_85 : i32 to index
      %parallel_loop3A_87 = arith.index_cast %parallel_loop3A_84 : i32 to index
      %parallel_loop3A_88 = tpu.vector_load %arg20[%parallel_loop3A_86, %parallel_loop3A_87] {strides = array<i32>} : memref<4x4096xf32, #tpu.memory_space<vmem>>, vector<16xf32>,
      tpu.vector_store %arg20[%parallel_loop3A_86, %parallel_loop3A_87], %broadcast_in_dim3A_3 {strides = array<i32>} : memref<4x4096xf32, #tpu.memory_space<vmem>>, vector<16xf32>,
      %parallel_loop3A_89 = arith.constant 16 : i32
      %parallel_loop3A_90 = arith.muli %parallel_loop3A_52, %parallel_loop3A_89 : i32
      %parallel_loop3A_91 = arith.constant 2 : i32
      %parallel_loop3A_92 = arith.index_cast %parallel_loop3A_91 : i32 to index
      %parallel_loop3A_93 = arith.index_cast %parallel_loop3A_90 : i32 to index
      %parallel_loop3A_94 = tpu.vector_load %arg20[%parallel_loop3A_92, %parallel_loop3A_93] {strides = array<i32>} : memref<4x4096xf32, #tpu.memory_space<vmem>>, vector<16xf32>,
      tpu.vector_store %arg20[%parallel_loop3A_92, %parallel_loop3A_93], %broadcast_in_dim3A_3 {strides = array<i32>} : memref<4x4096xf32, #tpu.memory_space<vmem>>, vector<16xf32>,
      %parallel_loop3A_95 = arith.constant 16 : i32
      %parallel_loop3A_96 = arith.muli %parallel_loop3A_52, %parallel_loop3A_95 : i32
      %parallel_loop3A_97 = arith.constant 3 : i32
      %parallel_loop3A_98 = arith.index_cast %parallel_loop3A_97 : i32 to index
      %parallel_loop3A_99 = arith.index_cast %parallel_loop3A_96 : i32 to index
      %parallel_loop3A_100 = tpu.vector_load %arg20[%parallel_loop3A_98, %parallel_loop3A_99] {strides = array<i32>} : memref<4x4096xf32, #tpu.memory_space<vmem>>, vector<16xf32>,
      tpu.vector_store %arg20[%parallel_loop3A_98, %parallel_loop3A_99], %broadcast_in_dim3A_3 {strides = array<i32>} : memref<4x4096xf32, #tpu.memory_space<vmem>>, vector<16xf32>,
    } {sc.loop_unroll_factor = 4 : i64, sc.parallel_access}
    %scan3A = arith.constant 0 : i32
    %scan3A_40 = arith.constant 0 : i32
    %scan3A_41 = arith.constant 8 : i32
    %scan3A_42 = arith.addi %scan3A_40, %scan3A_41 : i32
    %scan3A_43 = arith.constant 1 : i32
    scf.for %scan3A_52 = %scan3A_40 to %scan3A_42 step %scan3A_43  : i32 {
      %mul3A_53 = arith.constant 4 : i32
      %mul3A_54 = arith.muli %mul3A_53, %scan3A_52 : i32
      %add3A_55 = arith.constant 0 : i32
      %add3A_56 = arith.addi %mul3A_54, %add3A_55 : i32
      %ge3A = arith.constant 2 : i32
      %ge3A_57 = arith.cmpi sge, %add3A_56, %ge3A : i32
      %convert_element_type3A = arith.extui %ge3A_57 : i1 to i32
      %cond3A = arith.constant 0 : i32
      %cond3A_58 = arith.cmpi ne, %convert_element_type3A, %cond3A : i32
      scf.if %cond3A_58 {
        %dma_wait3A_169 = arith.constant 0 : i32
        %dma_wait3A_170 = tpu.memref_slice %arg7[%mul3A_2, %dma_wait3A_169] : memref<4096x4096xf32, #tpu.memory_space<hbm>> -> memref<4x4096xf32, #tpu.memory_space<hbm>>
        %dma_wait3A_171 = arith.constant 0 : i32
        %dma_wait3A_172 = tpu.memref_slice %arg7[%mul3A_2, %dma_wait3A_171] : memref<4096x4096xf32, #tpu.memory_space<hbm>> -> memref<4x4096xf32, #tpu.memory_space<hbm>>
        tpu.wait_dma2 semaphore(%arg25 : memref<!tpu.dma_semaphore, #tpu.memory_space<semaphore_mem>>) src(%arg19 : memref<4x4096xf32, #tpu.memory_space<vmem>>) dst(%dma_wait3A_172 : memref<4x4096xf32, #tpu.memory_space<hbm>>)
        %parallel_loop3A_173 = arith.constant 0 : i32
        %parallel_loop3A_174 = arith.constant 80 : i32
        %parallel_loop3A_175 = arith.constant 1 : i32
        scf.for %parallel_loop3A_176 = %parallel_loop3A_173 to %parallel_loop3A_174 step %parallel_loop3A_175  : i32 {
          %parallel_loop3A_177 = arith.constant 16 : i32
          %parallel_loop3A_178 = arith.muli %parallel_loop3A_176, %parallel_loop3A_177 : i32
          %parallel_loop3A_179 = arith.index_cast %parallel_loop3A_178 : i32 to index
          %parallel_loop3A_180 = tpu.vector_load %arg13[%parallel_loop3A_179] {strides = array<i32>} : memref<1280xi32, #tpu.memory_space<vmem>>, vector<16xi32>,
          tpu.vector_store_idx %arg19[%broadcast_in_dim3A_5, %parallel_loop3A_180], %broadcast_in_dim3A_3 : memref<4x4096xf32, #tpu.memory_space<vmem>>[vector<16xi32>, vector<16xi32>], vector<16xf32>,
          tpu.vector_store_idx %arg19[%broadcast_in_dim3A_7, %parallel_loop3A_180], %broadcast_in_dim3A_3 : memref<4x4096xf32, #tpu.memory_space<vmem>>[vector<16xi32>, vector<16xi32>], vector<16xf32>,
          tpu.vector_store_idx %arg19[%broadcast_in_dim3A_9, %parallel_loop3A_180], %broadcast_in_dim3A_3 : memref<4x4096xf32, #tpu.memory_space<vmem>>[vector<16xi32>, vector<16xi32>], vector<16xf32>,
          tpu.vector_store_idx %arg19[%broadcast_in_dim3A_11, %parallel_loop3A_180], %broadcast_in_dim3A_3 : memref<4x4096xf32, #tpu.memory_space<vmem>>[vector<16xi32>, vector<16xi32>], vector<16xf32>,
        } {sc.loop_unroll_factor = 8 : i64, sc.parallel_access}
      } else {
      }
      %dma_wait3A_59 = arith.constant 0 : i32
      %dma_wait3A_60 = tpu.memref_slice %arg2[%mul3A_2, %dma_wait3A_59] : memref<4096x4096xf32, #tpu.memory_space<hbm>> -> memref<4x4096xf32, #tpu.memory_space<hbm>>
      %dma_wait3A_61 = arith.constant 0 : i32
      %dma_wait3A_62 = tpu.memref_slice %arg2[%mul3A_2, %dma_wait3A_61] : memref<4096x4096xf32, #tpu.memory_space<hbm>> -> memref<4x4096xf32, #tpu.memory_space<hbm>>
      tpu.wait_dma2 semaphore(%arg21 : memref<!tpu.dma_semaphore, #tpu.memory_space<semaphore_mem>>) src(%dma_wait3A_62 : memref<4x4096xf32, #tpu.memory_space<hbm>>) dst(%arg15 : memref<4x4096xf32, #tpu.memory_space<vmem>>)
      %parallel_loop3A_63 = arith.constant 0 : i32
      %parallel_loop3A_64 = arith.constant 80 : i32
      %parallel_loop3A_65 = arith.constant 1 : i32
      scf.for %parallel_loop3A_169 = %parallel_loop3A_63 to %parallel_loop3A_64 step %parallel_loop3A_65  : i32 {
        %parallel_loop3A_170 = arith.constant 16 : i32
        %parallel_loop3A_171 = arith.muli %parallel_loop3A_169, %parallel_loop3A_170 : i32
        %parallel_loop3A_172 = arith.index_cast %parallel_loop3A_171 : i32 to index
        %parallel_loop3A_173 = tpu.vector_load %arg12[%parallel_loop3A_172] {strides = array<i32>} : memref<1280xi32, #tpu.memory_space<vmem>>, vector<16xi32>,
        %parallel_loop3A_174 = arith.constant 16 : i32
        %parallel_loop3A_175 = arith.muli %parallel_loop3A_169, %parallel_loop3A_174 : i32
        %parallel_loop3A_176 = arith.index_cast %parallel_loop3A_175 : i32 to index
        %parallel_loop3A_177 = tpu.vector_load %arg13[%parallel_loop3A_176] {strides = array<i32>} : memref<1280xi32, #tpu.memory_space<vmem>>, vector<16xi32>,
        %parallel_loop3A_178 = arith.constant 16 : i32
        %parallel_loop3A_179 = arith.muli %parallel_loop3A_169, %parallel_loop3A_178 : i32
        %parallel_loop3A_180 = arith.index_cast %parallel_loop3A_179 : i32 to index
        %parallel_loop3A_181 = tpu.vector_load %arg14[%parallel_loop3A_180] {strides = array<i32>} : memref<1280xf32, #tpu.memory_space<vmem>>, vector<16xf32>,
        %parallel_loop3A_182 = tpu.vector_load_idx %arg15[%broadcast_in_dim3A_5, %parallel_loop3A_173] : memref<4x4096xf32, #tpu.memory_space<vmem>>[vector<16xi32>, vector<16xi32>], vector<16xf32>,
        %parallel_loop3A_183 = arith.mulf %parallel_loop3A_182, %parallel_loop3A_181 : vector<16xf32>
        tpu.vector_store_idx %arg19[%broadcast_in_dim3A_5, %parallel_loop3A_177], %parallel_loop3A_183 {add = true} : memref<4x4096xf32, #tpu.memory_space<vmem>>[vector<16xi32>, vector<16xi32>], vector<16xf32>,
        %parallel_loop3A_184 = tpu.vector_load_idx %arg15[%broadcast_in_dim3A_7, %parallel_loop3A_173] : memref<4x4096xf32, #tpu.memory_space<vmem>>[vector<16xi32>, vector<16xi32>], vector<16xf32>,
        %parallel_loop3A_185 = arith.mulf %parallel_loop3A_184, %parallel_loop3A_181 : vector<16xf32>
        tpu.vector_store_idx %arg19[%broadcast_in_dim3A_7, %parallel_loop3A_177], %parallel_loop3A_185 {add = true} : memref<4x4096xf32, #tpu.memory_space<vmem>>[vector<16xi32>, vector<16xi32>], vector<16xf32>,
        %parallel_loop3A_186 = tpu.vector_load_idx %arg15[%broadcast_in_dim3A_9, %parallel_loop3A_173] : memref<4x4096xf32, #tpu.memory_space<vmem>>[vector<16xi32>, vector<16xi32>], vector<16xf32>,
        %parallel_loop3A_187 = arith.mulf %parallel_loop3A_186, %parallel_loop3A_181 : vector<16xf32>
        tpu.vector_store_idx %arg19[%broadcast_in_dim3A_9, %parallel_loop3A_177], %parallel_loop3A_187 {add = true} : memref<4x4096xf32, #tpu.memory_space<vmem>>[vector<16xi32>, vector<16xi32>], vector<16xf32>,
        %parallel_loop3A_188 = tpu.vector_load_idx %arg15[%broadcast_in_dim3A_11, %parallel_loop3A_173] : memref<4x4096xf32, #tpu.memory_space<vmem>>[vector<16xi32>, vector<16xi32>], vector<16xf32>,
        %parallel_loop3A_189 = arith.mulf %parallel_loop3A_188, %parallel_loop3A_181 : vector<16xf32>
        tpu.vector_store_idx %arg19[%broadcast_in_dim3A_11, %parallel_loop3A_177], %parallel_loop3A_189 {add = true} : memref<4x4096xf32, #tpu.memory_space<vmem>>[vector<16xi32>, vector<16xi32>], vector<16xf32>,
      } {sc.loop_unroll_factor = 8 : i64, sc.parallel_access}
      %mul3A_66 = arith.constant 4 : i32
      %mul3A_67 = arith.muli %add3A_56, %mul3A_66 : i32
      %add3A_68 = arith.addi %mul3A_2, %mul3A_67 : i32
      %dma_start3A_69 = arith.constant 0 : i32
      %dma_start3A_70 = tpu.memref_slice %arg7[%add3A_68, %dma_start3A_69] : memref<4096x4096xf32, #tpu.memory_space<hbm>> -> memref<4x4096xf32, #tpu.memory_space<hbm>>
      %dma_start3A_71 = arith.constant 0 : i32
      %dma_start3A_72 = tpu.memref_slice %arg7[%add3A_68, %dma_start3A_71] : memref<4096x4096xf32, #tpu.memory_space<hbm>> -> memref<4x4096xf32, #tpu.memory_space<hbm>>
      tpu.enqueue_dma source(%arg19 : memref<4x4096xf32, #tpu.memory_space<vmem>>) target(%dma_start3A_72 : memref<4x4096xf32, #tpu.memory_space<hbm>>) target_semaphore(%arg25 : memref<!tpu.dma_semaphore, #tpu.memory_space<semaphore_mem>>)
      %add3A_73 = arith.constant 4 : i32
      %add3A_74 = arith.addi %add3A_56, %add3A_73 : i32
      %le3A = arith.constant 31 : i32
      %le3A_75 = arith.cmpi sle, %add3A_74, %le3A : i32
      %convert_element_type3A_76 = arith.extui %le3A_75 : i1 to i32
      %cond3A_77 = arith.constant 0 : i32
      %cond3A_78 = arith.cmpi ne, %convert_element_type3A_76, %cond3A_77 : i32
      scf.if %cond3A_78 {
        %add3A_169 = arith.constant 4 : i32
        %add3A_170 = arith.addi %add3A_56, %add3A_169 : i32
        %mul3A_171 = arith.constant 4 : i32
        %mul3A_172 = arith.muli %add3A_170, %mul3A_171 : i32
        %add3A_173 = arith.addi %mul3A_2, %mul3A_172 : i32
        %dma_start3A_174 = arith.constant 0 : i32
        %dma_start3A_175 = tpu.memref_slice %arg2[%add3A_173, %dma_start3A_174] : memref<4096x4096xf32, #tpu.memory_space<hbm>> -> memref<4x4096xf32, #tpu.memory_space<hbm>>
        %dma_start3A_176 = arith.constant 0 : i32
        %dma_start3A_177 = tpu.memref_slice %arg2[%add3A_173, %dma_start3A_176] : memref<4096x4096xf32, #tpu.memory_space<hbm>> -> memref<4x4096xf32, #tpu.memory_space<hbm>>
        tpu.enqueue_dma source(%dma_start3A_177 : memref<4x4096xf32, #tpu.memory_space<hbm>>) target(%arg15 : memref<4x4096xf32, #tpu.memory_space<vmem>>) target_semaphore(%arg21 : memref<!tpu.dma_semaphore, #tpu.memory_space<semaphore_mem>>)
      } else {
      }
      %mul3A_79 = arith.constant 4 : i32
      %mul3A_80 = arith.muli %mul3A_79, %scan3A_52 : i32
      %add3A_81 = arith.constant 1 : i32
      %add3A_82 = arith.addi %mul3A_80, %add3A_81 : i32
      %ge3A_83 = arith.constant 2 : i32
      %ge3A_84 = arith.cmpi sge, %add3A_82, %ge3A_83 : i32
      %convert_element_type3A_85 = arith.extui %ge3A_84 : i1 to i32
      %cond3A_86 = arith.constant 0 : i32
      %cond3A_87 = arith.cmpi ne, %convert_element_type3A_85, %cond3A_86 : i32
      scf.if %cond3A_87 {
        %dma_wait3A_169 = arith.constant 0 : i32
        %dma_wait3A_170 = tpu.memref_slice %arg7[%mul3A_2, %dma_wait3A_169] : memref<4096x4096xf32, #tpu.memory_space<hbm>> -> memref<4x4096xf32, #tpu.memory_space<hbm>>
        %dma_wait3A_171 = arith.constant 0 : i32
        %dma_wait3A_172 = tpu.memref_slice %arg7[%mul3A_2, %dma_wait3A_171] : memref<4096x4096xf32, #tpu.memory_space<hbm>> -> memref<4x4096xf32, #tpu.memory_space<hbm>>
        tpu.wait_dma2 semaphore(%arg26 : memref<!tpu.dma_semaphore, #tpu.memory_space<semaphore_mem>>) src(%arg20 : memref<4x4096xf32, #tpu.memory_space<vmem>>) dst(%dma_wait3A_172 : memref<4x4096xf32, #tpu.memory_space<hbm>>)
        %parallel_loop3A_173 = arith.constant 0 : i32
        %parallel_loop3A_174 = arith.constant 80 : i32
        %parallel_loop3A_175 = arith.constant 1 : i32
        scf.for %parallel_loop3A_176 = %parallel_loop3A_173 to %parallel_loop3A_174 step %parallel_loop3A_175  : i32 {
          %parallel_loop3A_177 = arith.constant 16 : i32
          %parallel_loop3A_178 = arith.muli %parallel_loop3A_176, %parallel_loop3A_177 : i32
          %parallel_loop3A_179 = arith.index_cast %parallel_loop3A_178 : i32 to index
          %parallel_loop3A_180 = tpu.vector_load %arg13[%parallel_loop3A_179] {strides = array<i32>} : memref<1280xi32, #tpu.memory_space<vmem>>, vector<16xi32>,
          tpu.vector_store_idx %arg20[%broadcast_in_dim3A_5, %parallel_loop3A_180], %broadcast_in_dim3A_3 : memref<4x4096xf32, #tpu.memory_space<vmem>>[vector<16xi32>, vector<16xi32>], vector<16xf32>,
          tpu.vector_store_idx %arg20[%broadcast_in_dim3A_7, %parallel_loop3A_180], %broadcast_in_dim3A_3 : memref<4x4096xf32, #tpu.memory_space<vmem>>[vector<16xi32>, vector<16xi32>], vector<16xf32>,
          tpu.vector_store_idx %arg20[%broadcast_in_dim3A_9, %parallel_loop3A_180], %broadcast_in_dim3A_3 : memref<4x4096xf32, #tpu.memory_space<vmem>>[vector<16xi32>, vector<16xi32>], vector<16xf32>,
          tpu.vector_store_idx %arg20[%broadcast_in_dim3A_11, %parallel_loop3A_180], %broadcast_in_dim3A_3 : memref<4x4096xf32, #tpu.memory_space<vmem>>[vector<16xi32>, vector<16xi32>], vector<16xf32>,
        } {sc.loop_unroll_factor = 8 : i64, sc.parallel_access}
      } else {
      }
      %dma_wait3A_88 = arith.constant 0 : i32
      %dma_wait3A_89 = tpu.memref_slice %arg2[%mul3A_2, %dma_wait3A_88] : memref<4096x4096xf32, #tpu.memory_space<hbm>> -> memref<4x4096xf32, #tpu.memory_space<hbm>>
      %dma_wait3A_90 = arith.constant 0 : i32
      %dma_wait3A_91 = tpu.memref_slice %arg2[%mul3A_2, %dma_wait3A_90] : memref<4096x4096xf32, #tpu.memory_space<hbm>> -> memref<4x4096xf32, #tpu.memory_space<hbm>>
      tpu.wait_dma2 semaphore(%arg22 : memref<!tpu.dma_semaphore, #tpu.memory_space<semaphore_mem>>) src(%dma_wait3A_91 : memref<4x4096xf32, #tpu.memory_space<hbm>>) dst(%arg16 : memref<4x4096xf32, #tpu.memory_space<vmem>>)
      %parallel_loop3A_92 = arith.constant 0 : i32
      %parallel_loop3A_93 = arith.constant 80 : i32
      %parallel_loop3A_94 = arith.constant 1 : i32
      scf.for %parallel_loop3A_169 = %parallel_loop3A_92 to %parallel_loop3A_93 step %parallel_loop3A_94  : i32 {
        %parallel_loop3A_170 = arith.constant 16 : i32
        %parallel_loop3A_171 = arith.muli %parallel_loop3A_169, %parallel_loop3A_170 : i32
        %parallel_loop3A_172 = arith.index_cast %parallel_loop3A_171 : i32 to index
        %parallel_loop3A_173 = tpu.vector_load %arg12[%parallel_loop3A_172] {strides = array<i32>} : memref<1280xi32, #tpu.memory_space<vmem>>, vector<16xi32>,
        %parallel_loop3A_174 = arith.constant 16 : i32
        %parallel_loop3A_175 = arith.muli %parallel_loop3A_169, %parallel_loop3A_174 : i32
        %parallel_loop3A_176 = arith.index_cast %parallel_loop3A_175 : i32 to index
        %parallel_loop3A_177 = tpu.vector_load %arg13[%parallel_loop3A_176] {strides = array<i32>} : memref<1280xi32, #tpu.memory_space<vmem>>, vector<16xi32>,
        %parallel_loop3A_178 = arith.constant 16 : i32
        %parallel_loop3A_179 = arith.muli %parallel_loop3A_169, %parallel_loop3A_178 : i32
        %parallel_loop3A_180 = arith.index_cast %parallel_loop3A_179 : i32 to index
        %parallel_loop3A_181 = tpu.vector_load %arg14[%parallel_loop3A_180] {strides = array<i32>} : memref<1280xf32, #tpu.memory_space<vmem>>, vector<16xf32>,
        %parallel_loop3A_182 = tpu.vector_load_idx %arg16[%broadcast_in_dim3A_5, %parallel_loop3A_173] : memref<4x4096xf32, #tpu.memory_space<vmem>>[vector<16xi32>, vector<16xi32>], vector<16xf32>,
        %parallel_loop3A_183 = arith.mulf %parallel_loop3A_182, %parallel_loop3A_181 : vector<16xf32>
        tpu.vector_store_idx %arg20[%broadcast_in_dim3A_5, %parallel_loop3A_177], %parallel_loop3A_183 {add = true} : memref<4x4096xf32, #tpu.memory_space<vmem>>[vector<16xi32>, vector<16xi32>], vector<16xf32>,
        %parallel_loop3A_184 = tpu.vector_load_idx %arg16[%broadcast_in_dim3A_7, %parallel_loop3A_173] : memref<4x4096xf32, #tpu.memory_space<vmem>>[vector<16xi32>, vector<16xi32>], vector<16xf32>,
        %parallel_loop3A_185 = arith.mulf %parallel_loop3A_184, %parallel_loop3A_181 : vector<16xf32>
        tpu.vector_store_idx %arg20[%broadcast_in_dim3A_7, %parallel_loop3A_177], %parallel_loop3A_185 {add = true} : memref<4x4096xf32, #tpu.memory_space<vmem>>[vector<16xi32>, vector<16xi32>], vector<16xf32>,
        %parallel_loop3A_186 = tpu.vector_load_idx %arg16[%broadcast_in_dim3A_9, %parallel_loop3A_173] : memref<4x4096xf32, #tpu.memory_space<vmem>>[vector<16xi32>, vector<16xi32>], vector<16xf32>,
        %parallel_loop3A_187 = arith.mulf %parallel_loop3A_186, %parallel_loop3A_181 : vector<16xf32>
        tpu.vector_store_idx %arg20[%broadcast_in_dim3A_9, %parallel_loop3A_177], %parallel_loop3A_187 {add = true} : memref<4x4096xf32, #tpu.memory_space<vmem>>[vector<16xi32>, vector<16xi32>], vector<16xf32>,
        %parallel_loop3A_188 = tpu.vector_load_idx %arg16[%broadcast_in_dim3A_11, %parallel_loop3A_173] : memref<4x4096xf32, #tpu.memory_space<vmem>>[vector<16xi32>, vector<16xi32>], vector<16xf32>,
        %parallel_loop3A_189 = arith.mulf %parallel_loop3A_188, %parallel_loop3A_181 : vector<16xf32>
        tpu.vector_store_idx %arg20[%broadcast_in_dim3A_11, %parallel_loop3A_177], %parallel_loop3A_189 {add = true} : memref<4x4096xf32, #tpu.memory_space<vmem>>[vector<16xi32>, vector<16xi32>], vector<16xf32>,
      } {sc.loop_unroll_factor = 8 : i64, sc.parallel_access}
      %mul3A_95 = arith.constant 4 : i32
      %mul3A_96 = arith.muli %add3A_82, %mul3A_95 : i32
      %add3A_97 = arith.addi %mul3A_2, %mul3A_96 : i32
      %dma_start3A_98 = arith.constant 0 : i32
      %dma_start3A_99 = tpu.memref_slice %arg7[%add3A_97, %dma_start3A_98] : memref<4096x4096xf32, #tpu.memory_space<hbm>> -> memref<4x4096xf32, #tpu.memory_space<hbm>>
      %dma_start3A_100 = arith.constant 0 : i32
      %dma_start3A_101 = tpu.memref_slice %arg7[%add3A_97, %dma_start3A_100] : memref<4096x4096xf32, #tpu.memory_space<hbm>> -> memref<4x4096xf32, #tpu.memory_space<hbm>>
      tpu.enqueue_dma source(%arg20 : memref<4x4096xf32, #tpu.memory_space<vmem>>) target(%dma_start3A_101 : memref<4x4096xf32, #tpu.memory_space<hbm>>) target_semaphore(%arg26 : memref<!tpu.dma_semaphore, #tpu.memory_space<semaphore_mem>>)
      %add3A_102 = arith.constant 4 : i32
      %add3A_103 = arith.addi %add3A_82, %add3A_102 : i32
      %le3A_104 = arith.constant 31 : i32
      %le3A_105 = arith.cmpi sle, %add3A_103, %le3A_104 : i32
      %convert_element_type3A_106 = arith.extui %le3A_105 : i1 to i32
      %cond3A_107 = arith.constant 0 : i32
      %cond3A_108 = arith.cmpi ne, %convert_element_type3A_106, %cond3A_107 : i32
      scf.if %cond3A_108 {
        %add3A_169 = arith.constant 4 : i32
        %add3A_170 = arith.addi %add3A_82, %add3A_169 : i32
        %mul3A_171 = arith.constant 4 : i32
        %mul3A_172 = arith.muli %add3A_170, %mul3A_171 : i32
        %add3A_173 = arith.addi %mul3A_2, %mul3A_172 : i32
        %dma_start3A_174 = arith.constant 0 : i32
        %dma_start3A_175 = tpu.memref_slice %arg2[%add3A_173, %dma_start3A_174] : memref<4096x4096xf32, #tpu.memory_space<hbm>> -> memref<4x4096xf32, #tpu.memory_space<hbm>>
        %dma_start3A_176 = arith.constant 0 : i32
        %dma_start3A_177 = tpu.memref_slice %arg2[%add3A_173, %dma_start3A_176] : memref<4096x4096xf32, #tpu.memory_space<hbm>> -> memref<4x4096xf32, #tpu.memory_space<hbm>>
        tpu.enqueue_dma source(%dma_start3A_177 : memref<4x4096xf32, #tpu.memory_space<hbm>>) target(%arg16 : memref<4x4096xf32, #tpu.memory_space<vmem>>) target_semaphore(%arg22 : memref<!tpu.dma_semaphore, #tpu.memory_space<semaphore_mem>>)
      } else {
      }
      %mul3A_109 = arith.constant 4 : i32
      %mul3A_110 = arith.muli %mul3A_109, %scan3A_52 : i32
      %add3A_111 = arith.constant 2 : i32
      %add3A_112 = arith.addi %mul3A_110, %add3A_111 : i32
      %ge3A_113 = arith.constant 2 : i32
      %ge3A_114 = arith.cmpi sge, %add3A_112, %ge3A_113 : i32
      %convert_element_type3A_115 = arith.extui %ge3A_114 : i1 to i32
      %cond3A_116 = arith.constant 0 : i32
      %cond3A_117 = arith.cmpi ne, %convert_element_type3A_115, %cond3A_116 : i32
      scf.if %cond3A_117 {
        %dma_wait3A_169 = arith.constant 0 : i32
        %dma_wait3A_170 = tpu.memref_slice %arg7[%mul3A_2, %dma_wait3A_169] : memref<4096x4096xf32, #tpu.memory_space<hbm>> -> memref<4x4096xf32, #tpu.memory_space<hbm>>
        %dma_wait3A_171 = arith.constant 0 : i32
        %dma_wait3A_172 = tpu.memref_slice %arg7[%mul3A_2, %dma_wait3A_171] : memref<4096x4096xf32, #tpu.memory_space<hbm>> -> memref<4x4096xf32, #tpu.memory_space<hbm>>
        tpu.wait_dma2 semaphore(%arg25 : memref<!tpu.dma_semaphore, #tpu.memory_space<semaphore_mem>>) src(%arg19 : memref<4x4096xf32, #tpu.memory_space<vmem>>) dst(%dma_wait3A_172 : memref<4x4096xf32, #tpu.memory_space<hbm>>)
        %parallel_loop3A_173 = arith.constant 0 : i32
        %parallel_loop3A_174 = arith.constant 80 : i32
        %parallel_loop3A_175 = arith.constant 1 : i32
        scf.for %parallel_loop3A_176 = %parallel_loop3A_173 to %parallel_loop3A_174 step %parallel_loop3A_175  : i32 {
          %parallel_loop3A_177 = arith.constant 16 : i32
          %parallel_loop3A_178 = arith.muli %parallel_loop3A_176, %parallel_loop3A_177 : i32
          %parallel_loop3A_179 = arith.index_cast %parallel_loop3A_178 : i32 to index
          %parallel_loop3A_180 = tpu.vector_load %arg13[%parallel_loop3A_179] {strides = array<i32>} : memref<1280xi32, #tpu.memory_space<vmem>>, vector<16xi32>,
          tpu.vector_store_idx %arg19[%broadcast_in_dim3A_5, %parallel_loop3A_180], %broadcast_in_dim3A_3 : memref<4x4096xf32, #tpu.memory_space<vmem>>[vector<16xi32>, vector<16xi32>], vector<16xf32>,
          tpu.vector_store_idx %arg19[%broadcast_in_dim3A_7, %parallel_loop3A_180], %broadcast_in_dim3A_3 : memref<4x4096xf32, #tpu.memory_space<vmem>>[vector<16xi32>, vector<16xi32>], vector<16xf32>,
          tpu.vector_store_idx %arg19[%broadcast_in_dim3A_9, %parallel_loop3A_180], %broadcast_in_dim3A_3 : memref<4x4096xf32, #tpu.memory_space<vmem>>[vector<16xi32>, vector<16xi32>], vector<16xf32>,
          tpu.vector_store_idx %arg19[%broadcast_in_dim3A_11, %parallel_loop3A_180], %broadcast_in_dim3A_3 : memref<4x4096xf32, #tpu.memory_space<vmem>>[vector<16xi32>, vector<16xi32>], vector<16xf32>,
        } {sc.loop_unroll_factor = 8 : i64, sc.parallel_access}
      } else {
      }
      %dma_wait3A_118 = arith.constant 0 : i32
      %dma_wait3A_119 = tpu.memref_slice %arg2[%mul3A_2, %dma_wait3A_118] : memref<4096x4096xf32, #tpu.memory_space<hbm>> -> memref<4x4096xf32, #tpu.memory_space<hbm>>
      %dma_wait3A_120 = arith.constant 0 : i32
      %dma_wait3A_121 = tpu.memref_slice %arg2[%mul3A_2, %dma_wait3A_120] : memref<4096x4096xf32, #tpu.memory_space<hbm>> -> memref<4x4096xf32, #tpu.memory_space<hbm>>
      tpu.wait_dma2 semaphore(%arg23 : memref<!tpu.dma_semaphore, #tpu.memory_space<semaphore_mem>>) src(%dma_wait3A_121 : memref<4x4096xf32, #tpu.memory_space<hbm>>) dst(%arg17 : memref<4x4096xf32, #tpu.memory_space<vmem>>)
      %parallel_loop3A_122 = arith.constant 0 : i32
      %parallel_loop3A_123 = arith.constant 80 : i32
      %parallel_loop3A_124 = arith.constant 1 : i32
      scf.for %parallel_loop3A_169 = %parallel_loop3A_122 to %parallel_loop3A_123 step %parallel_loop3A_124  : i32 {
        %parallel_loop3A_170 = arith.constant 16 : i32
        %parallel_loop3A_171 = arith.muli %parallel_loop3A_169, %parallel_loop3A_170 : i32
        %parallel_loop3A_172 = arith.index_cast %parallel_loop3A_171 : i32 to index
        %parallel_loop3A_173 = tpu.vector_load %arg12[%parallel_loop3A_172] {strides = array<i32>} : memref<1280xi32, #tpu.memory_space<vmem>>, vector<16xi32>,
        %parallel_loop3A_174 = arith.constant 16 : i32
        %parallel_loop3A_175 = arith.muli %parallel_loop3A_169, %parallel_loop3A_174 : i32
        %parallel_loop3A_176 = arith.index_cast %parallel_loop3A_175 : i32 to index
        %parallel_loop3A_177 = tpu.vector_load %arg13[%parallel_loop3A_176] {strides = array<i32>} : memref<1280xi32, #tpu.memory_space<vmem>>, vector<16xi32>,
        %parallel_loop3A_178 = arith.constant 16 : i32
        %parallel_loop3A_179 = arith.muli %parallel_loop3A_169, %parallel_loop3A_178 : i32
        %parallel_loop3A_180 = arith.index_cast %parallel_loop3A_179 : i32 to index
        %parallel_loop3A_181 = tpu.vector_load %arg14[%parallel_loop3A_180] {strides = array<i32>} : memref<1280xf32, #tpu.memory_space<vmem>>, vector<16xf32>,
        %parallel_loop3A_182 = tpu.vector_load_idx %arg17[%broadcast_in_dim3A_5, %parallel_loop3A_173] : memref<4x4096xf32, #tpu.memory_space<vmem>>[vector<16xi32>, vector<16xi32>], vector<16xf32>,
        %parallel_loop3A_183 = arith.mulf %parallel_loop3A_182, %parallel_loop3A_181 : vector<16xf32>
        tpu.vector_store_idx %arg19[%broadcast_in_dim3A_5, %parallel_loop3A_177], %parallel_loop3A_183 {add = true} : memref<4x4096xf32, #tpu.memory_space<vmem>>[vector<16xi32>, vector<16xi32>], vector<16xf32>,
        %parallel_loop3A_184 = tpu.vector_load_idx %arg17[%broadcast_in_dim3A_7, %parallel_loop3A_173] : memref<4x4096xf32, #tpu.memory_space<vmem>>[vector<16xi32>, vector<16xi32>], vector<16xf32>,
        %parallel_loop3A_185 = arith.mulf %parallel_loop3A_184, %parallel_loop3A_181 : vector<16xf32>
        tpu.vector_store_idx %arg19[%broadcast_in_dim3A_7, %parallel_loop3A_177], %parallel_loop3A_185 {add = true} : memref<4x4096xf32, #tpu.memory_space<vmem>>[vector<16xi32>, vector<16xi32>], vector<16xf32>,
        %parallel_loop3A_186 = tpu.vector_load_idx %arg17[%broadcast_in_dim3A_9, %parallel_loop3A_173] : memref<4x4096xf32, #tpu.memory_space<vmem>>[vector<16xi32>, vector<16xi32>], vector<16xf32>,
        %parallel_loop3A_187 = arith.mulf %parallel_loop3A_186, %parallel_loop3A_181 : vector<16xf32>
        tpu.vector_store_idx %arg19[%broadcast_in_dim3A_9, %parallel_loop3A_177], %parallel_loop3A_187 {add = true} : memref<4x4096xf32, #tpu.memory_space<vmem>>[vector<16xi32>, vector<16xi32>], vector<16xf32>,
        %parallel_loop3A_188 = tpu.vector_load_idx %arg17[%broadcast_in_dim3A_11, %parallel_loop3A_173] : memref<4x4096xf32, #tpu.memory_space<vmem>>[vector<16xi32>, vector<16xi32>], vector<16xf32>,
        %parallel_loop3A_189 = arith.mulf %parallel_loop3A_188, %parallel_loop3A_181 : vector<16xf32>
        tpu.vector_store_idx %arg19[%broadcast_in_dim3A_11, %parallel_loop3A_177], %parallel_loop3A_189 {add = true} : memref<4x4096xf32, #tpu.memory_space<vmem>>[vector<16xi32>, vector<16xi32>], vector<16xf32>,
      } {sc.loop_unroll_factor = 8 : i64, sc.parallel_access}
      %mul3A_125 = arith.constant 4 : i32
      %mul3A_126 = arith.muli %add3A_112, %mul3A_125 : i32
      %add3A_127 = arith.addi %mul3A_2, %mul3A_126 : i32
      %dma_start3A_128 = arith.constant 0 : i32
      %dma_start3A_129 = tpu.memref_slice %arg7[%add3A_127, %dma_start3A_128] : memref<4096x4096xf32, #tpu.memory_space<hbm>> -> memref<4x4096xf32, #tpu.memory_space<hbm>>
      %dma_start3A_130 = arith.constant 0 : i32
      %dma_start3A_131 = tpu.memref_slice %arg7[%add3A_127, %dma_start3A_130] : memref<4096x4096xf32, #tpu.memory_space<hbm>> -> memref<4x4096xf32, #tpu.memory_space<hbm>>
      tpu.enqueue_dma source(%arg19 : memref<4x4096xf32, #tpu.memory_space<vmem>>) target(%dma_start3A_131 : memref<4x4096xf32, #tpu.memory_space<hbm>>) target_semaphore(%arg25 : memref<!tpu.dma_semaphore, #tpu.memory_space<semaphore_mem>>)
      %add3A_132 = arith.constant 4 : i32
      %add3A_133 = arith.addi %add3A_112, %add3A_132 : i32
      %le3A_134 = arith.constant 31 : i32
      %le3A_135 = arith.cmpi sle, %add3A_133, %le3A_134 : i32
      %convert_element_type3A_136 = arith.extui %le3A_135 : i1 to i32
      %cond3A_137 = arith.constant 0 : i32
      %cond3A_138 = arith.cmpi ne, %convert_element_type3A_136, %cond3A_137 : i32
      scf.if %cond3A_138 {
        %add3A_169 = arith.constant 4 : i32
        %add3A_170 = arith.addi %add3A_112, %add3A_169 : i32
        %mul3A_171 = arith.constant 4 : i32
        %mul3A_172 = arith.muli %add3A_170, %mul3A_171 : i32
        %add3A_173 = arith.addi %mul3A_2, %mul3A_172 : i32
        %dma_start3A_174 = arith.constant 0 : i32
        %dma_start3A_175 = tpu.memref_slice %arg2[%add3A_173, %dma_start3A_174] : memref<4096x4096xf32, #tpu.memory_space<hbm>> -> memref<4x4096xf32, #tpu.memory_space<hbm>>
        %dma_start3A_176 = arith.constant 0 : i32
        %dma_start3A_177 = tpu.memref_slice %arg2[%add3A_173, %dma_start3A_176] : memref<4096x4096xf32, #tpu.memory_space<hbm>> -> memref<4x4096xf32, #tpu.memory_space<hbm>>
        tpu.enqueue_dma source(%dma_start3A_177 : memref<4x4096xf32, #tpu.memory_space<hbm>>) target(%arg17 : memref<4x4096xf32, #tpu.memory_space<vmem>>) target_semaphore(%arg23 : memref<!tpu.dma_semaphore, #tpu.memory_space<semaphore_mem>>)
      } else {
      }
      %mul3A_139 = arith.constant 4 : i32
      %mul3A_140 = arith.muli %mul3A_139, %scan3A_52 : i32
      %add3A_141 = arith.constant 3 : i32
      %add3A_142 = arith.addi %mul3A_140, %add3A_141 : i32
      %ge3A_143 = arith.constant 2 : i32
      %ge3A_144 = arith.cmpi sge, %add3A_142, %ge3A_143 : i32
      %convert_element_type3A_145 = arith.extui %ge3A_144 : i1 to i32
      %cond3A_146 = arith.constant 0 : i32
      %cond3A_147 = arith.cmpi ne, %convert_element_type3A_145, %cond3A_146 : i32
      scf.if %cond3A_147 {
        %dma_wait3A_169 = arith.constant 0 : i32
        %dma_wait3A_170 = tpu.memref_slice %arg7[%mul3A_2, %dma_wait3A_169] : memref<4096x4096xf32, #tpu.memory_space<hbm>> -> memref<4x4096xf32, #tpu.memory_space<hbm>>
        %dma_wait3A_171 = arith.constant 0 : i32
        %dma_wait3A_172 = tpu.memref_slice %arg7[%mul3A_2, %dma_wait3A_171] : memref<4096x4096xf32, #tpu.memory_space<hbm>> -> memref<4x4096xf32, #tpu.memory_space<hbm>>
        tpu.wait_dma2 semaphore(%arg26 : memref<!tpu.dma_semaphore, #tpu.memory_space<semaphore_mem>>) src(%arg20 : memref<4x4096xf32, #tpu.memory_space<vmem>>) dst(%dma_wait3A_172 : memref<4x4096xf32, #tpu.memory_space<hbm>>)
        %parallel_loop3A_173 = arith.constant 0 : i32
        %parallel_loop3A_174 = arith.constant 80 : i32
        %parallel_loop3A_175 = arith.constant 1 : i32
        scf.for %parallel_loop3A_176 = %parallel_loop3A_173 to %parallel_loop3A_174 step %parallel_loop3A_175  : i32 {
          %parallel_loop3A_177 = arith.constant 16 : i32
          %parallel_loop3A_178 = arith.muli %parallel_loop3A_176, %parallel_loop3A_177 : i32
          %parallel_loop3A_179 = arith.index_cast %parallel_loop3A_178 : i32 to index
          %parallel_loop3A_180 = tpu.vector_load %arg13[%parallel_loop3A_179] {strides = array<i32>} : memref<1280xi32, #tpu.memory_space<vmem>>, vector<16xi32>,
          tpu.vector_store_idx %arg20[%broadcast_in_dim3A_5, %parallel_loop3A_180], %broadcast_in_dim3A_3 : memref<4x4096xf32, #tpu.memory_space<vmem>>[vector<16xi32>, vector<16xi32>], vector<16xf32>,
          tpu.vector_store_idx %arg20[%broadcast_in_dim3A_7, %parallel_loop3A_180], %broadcast_in_dim3A_3 : memref<4x4096xf32, #tpu.memory_space<vmem>>[vector<16xi32>, vector<16xi32>], vector<16xf32>,
          tpu.vector_store_idx %arg20[%broadcast_in_dim3A_9, %parallel_loop3A_180], %broadcast_in_dim3A_3 : memref<4x4096xf32, #tpu.memory_space<vmem>>[vector<16xi32>, vector<16xi32>], vector<16xf32>,
          tpu.vector_store_idx %arg20[%broadcast_in_dim3A_11, %parallel_loop3A_180], %broadcast_in_dim3A_3 : memref<4x4096xf32, #tpu.memory_space<vmem>>[vector<16xi32>, vector<16xi32>], vector<16xf32>,
        } {sc.loop_unroll_factor = 8 : i64, sc.parallel_access}
      } else {
      }
      %dma_wait3A_148 = arith.constant 0 : i32
      %dma_wait3A_149 = tpu.memref_slice %arg2[%mul3A_2, %dma_wait3A_148] : memref<4096x4096xf32, #tpu.memory_space<hbm>> -> memref<4x4096xf32, #tpu.memory_space<hbm>>
      %dma_wait3A_150 = arith.constant 0 : i32
      %dma_wait3A_151 = tpu.memref_slice %arg2[%mul3A_2, %dma_wait3A_150] : memref<4096x4096xf32, #tpu.memory_space<hbm>> -> memref<4x4096xf32, #tpu.memory_space<hbm>>
      tpu.wait_dma2 semaphore(%arg24 : memref<!tpu.dma_semaphore, #tpu.memory_space<semaphore_mem>>) src(%dma_wait3A_151 : memref<4x4096xf32, #tpu.memory_space<hbm>>) dst(%arg18 : memref<4x4096xf32, #tpu.memory_space<vmem>>)
      %parallel_loop3A_152 = arith.constant 0 : i32
      %parallel_loop3A_153 = arith.constant 80 : i32
      %parallel_loop3A_154 = arith.constant 1 : i32
      scf.for %parallel_loop3A_169 = %parallel_loop3A_152 to %parallel_loop3A_153 step %parallel_loop3A_154  : i32 {
        %parallel_loop3A_170 = arith.constant 16 : i32
        %parallel_loop3A_171 = arith.muli %parallel_loop3A_169, %parallel_loop3A_170 : i32
        %parallel_loop3A_172 = arith.index_cast %parallel_loop3A_171 : i32 to index
        %parallel_loop3A_173 = tpu.vector_load %arg12[%parallel_loop3A_172] {strides = array<i32>} : memref<1280xi32, #tpu.memory_space<vmem>>, vector<16xi32>,
        %parallel_loop3A_174 = arith.constant 16 : i32
        %parallel_loop3A_175 = arith.muli %parallel_loop3A_169, %parallel_loop3A_174 : i32
        %parallel_loop3A_176 = arith.index_cast %parallel_loop3A_175 : i32 to index
        %parallel_loop3A_177 = tpu.vector_load %arg13[%parallel_loop3A_176] {strides = array<i32>} : memref<1280xi32, #tpu.memory_space<vmem>>, vector<16xi32>,
        %parallel_loop3A_178 = arith.constant 16 : i32
        %parallel_loop3A_179 = arith.muli %parallel_loop3A_169, %parallel_loop3A_178 : i32
        %parallel_loop3A_180 = arith.index_cast %parallel_loop3A_179 : i32 to index
        %parallel_loop3A_181 = tpu.vector_load %arg14[%parallel_loop3A_180] {strides = array<i32>} : memref<1280xf32, #tpu.memory_space<vmem>>, vector<16xf32>,
        %parallel_loop3A_182 = tpu.vector_load_idx %arg18[%broadcast_in_dim3A_5, %parallel_loop3A_173] : memref<4x4096xf32, #tpu.memory_space<vmem>>[vector<16xi32>, vector<16xi32>], vector<16xf32>,
        %parallel_loop3A_183 = arith.mulf %parallel_loop3A_182, %parallel_loop3A_181 : vector<16xf32>
        tpu.vector_store_idx %arg20[%broadcast_in_dim3A_5, %parallel_loop3A_177], %parallel_loop3A_183 {add = true} : memref<4x4096xf32, #tpu.memory_space<vmem>>[vector<16xi32>, vector<16xi32>], vector<16xf32>,
        %parallel_loop3A_184 = tpu.vector_load_idx %arg18[%broadcast_in_dim3A_7, %parallel_loop3A_173] : memref<4x4096xf32, #tpu.memory_space<vmem>>[vector<16xi32>, vector<16xi32>], vector<16xf32>,
        %parallel_loop3A_185 = arith.mulf %parallel_loop3A_184, %parallel_loop3A_181 : vector<16xf32>
        tpu.vector_store_idx %arg20[%broadcast_in_dim3A_7, %parallel_loop3A_177], %parallel_loop3A_185 {add = true} : memref<4x4096xf32, #tpu.memory_space<vmem>>[vector<16xi32>, vector<16xi32>], vector<16xf32>,
        %parallel_loop3A_186 = tpu.vector_load_idx %arg18[%broadcast_in_dim3A_9, %parallel_loop3A_173] : memref<4x4096xf32, #tpu.memory_space<vmem>>[vector<16xi32>, vector<16xi32>], vector<16xf32>,
        %parallel_loop3A_187 = arith.mulf %parallel_loop3A_186, %parallel_loop3A_181 : vector<16xf32>
        tpu.vector_store_idx %arg20[%broadcast_in_dim3A_9, %parallel_loop3A_177], %parallel_loop3A_187 {add = true} : memref<4x4096xf32, #tpu.memory_space<vmem>>[vector<16xi32>, vector<16xi32>], vector<16xf32>,
        %parallel_loop3A_188 = tpu.vector_load_idx %arg18[%broadcast_in_dim3A_11, %parallel_loop3A_173] : memref<4x4096xf32, #tpu.memory_space<vmem>>[vector<16xi32>, vector<16xi32>], vector<16xf32>,
        %parallel_loop3A_189 = arith.mulf %parallel_loop3A_188, %parallel_loop3A_181 : vector<16xf32>
        tpu.vector_store_idx %arg20[%broadcast_in_dim3A_11, %parallel_loop3A_177], %parallel_loop3A_189 {add = true} : memref<4x4096xf32, #tpu.memory_space<vmem>>[vector<16xi32>, vector<16xi32>], vector<16xf32>,
      } {sc.loop_unroll_factor = 8 : i64, sc.parallel_access}
      %mul3A_155 = arith.constant 4 : i32
      %mul3A_156 = arith.muli %add3A_142, %mul3A_155 : i32
      %add3A_157 = arith.addi %mul3A_2, %mul3A_156 : i32
      %dma_start3A_158 = arith.constant 0 : i32
      %dma_start3A_159 = tpu.memref_slice %arg7[%add3A_157, %dma_start3A_158] : memref<4096x4096xf32, #tpu.memory_space<hbm>> -> memref<4x4096xf32, #tpu.memory_space<hbm>>
      %dma_start3A_160 = arith.constant 0 : i32
      %dma_start3A_161 = tpu.memref_slice %arg7[%add3A_157, %dma_start3A_160] : memref<4096x4096xf32, #tpu.memory_space<hbm>> -> memref<4x4096xf32, #tpu.memory_space<hbm>>
      tpu.enqueue_dma source(%arg20 : memref<4x4096xf32, #tpu.memory_space<vmem>>) target(%dma_start3A_161 : memref<4x4096xf32, #tpu.memory_space<hbm>>) target_semaphore(%arg26 : memref<!tpu.dma_semaphore, #tpu.memory_space<semaphore_mem>>)
      %add3A_162 = arith.constant 4 : i32
      %add3A_163 = arith.addi %add3A_142, %add3A_162 : i32
      %le3A_164 = arith.constant 31 : i32
      %le3A_165 = arith.cmpi sle, %add3A_163, %le3A_164 : i32
      %convert_element_type3A_166 = arith.extui %le3A_165 : i1 to i32
      %cond3A_167 = arith.constant 0 : i32
      %cond3A_168 = arith.cmpi ne, %convert_element_type3A_166, %cond3A_167 : i32
      scf.if %cond3A_168 {
        %add3A_169 = arith.constant 4 : i32
        %add3A_170 = arith.addi %add3A_142, %add3A_169 : i32
        %mul3A_171 = arith.constant 4 : i32
        %mul3A_172 = arith.muli %add3A_170, %mul3A_171 : i32
        %add3A_173 = arith.addi %mul3A_2, %mul3A_172 : i32
        %dma_start3A_174 = arith.constant 0 : i32
        %dma_start3A_175 = tpu.memref_slice %arg2[%add3A_173, %dma_start3A_174] : memref<4096x4096xf32, #tpu.memory_space<hbm>> -> memref<4x4096xf32, #tpu.memory_space<hbm>>
        %dma_start3A_176 = arith.constant 0 : i32
        %dma_start3A_177 = tpu.memref_slice %arg2[%add3A_173, %dma_start3A_176] : memref<4096x4096xf32, #tpu.memory_space<hbm>> -> memref<4x4096xf32, #tpu.memory_space<hbm>>
        tpu.enqueue_dma source(%dma_start3A_177 : memref<4x4096xf32, #tpu.memory_space<hbm>>) target(%arg18 : memref<4x4096xf32, #tpu.memory_space<vmem>>) target_semaphore(%arg24 : memref<!tpu.dma_semaphore, #tpu.memory_space<semaphore_mem>>)
      } else {
      }
    }
    %scan3A_44 = arith.constant 8 : i32
    %dma_wait3A = arith.constant 0 : i32
    %dma_wait3A_45 = tpu.memref_slice %arg7[%mul3A_2, %dma_wait3A] : memref<4096x4096xf32, #tpu.memory_space<hbm>> -> memref<4x4096xf32, #tpu.memory_space<hbm>>
    %dma_wait3A_46 = arith.constant 0 : i32
    %dma_wait3A_47 = tpu.memref_slice %arg7[%mul3A_2, %dma_wait3A_46] : memref<4096x4096xf32, #tpu.memory_space<hbm>> -> memref<4x4096xf32, #tpu.memory_space<hbm>>
    tpu.wait_dma2 semaphore(%arg25 : memref<!tpu.dma_semaphore, #tpu.memory_space<semaphore_mem>>) src(%arg19 : memref<4x4096xf32, #tpu.memory_space<vmem>>) dst(%dma_wait3A_47 : memref<4x4096xf32, #tpu.memory_space<hbm>>)
    %dma_wait3A_48 = arith.constant 0 : i32
    %dma_wait3A_49 = tpu.memref_slice %arg7[%mul3A_2, %dma_wait3A_48] : memref<4096x4096xf32, #tpu.memory_space<hbm>> -> memref<4x4096xf32, #tpu.memory_space<hbm>>
    %dma_wait3A_50 = arith.constant 0 : i32
    %dma_wait3A_51 = tpu.memref_slice %arg7[%mul3A_2, %dma_wait3A_50] : memref<4096x4096xf32, #tpu.memory_space<hbm>> -> memref<4x4096xf32, #tpu.memory_space<hbm>>
    tpu.wait_dma2 semaphore(%arg26 : memref<!tpu.dma_semaphore, #tpu.memory_space<semaphore_mem>>) src(%arg20 : memref<4x4096xf32, #tpu.memory_space<vmem>>) dst(%dma_wait3A_51 : memref<4x4096xf32, #tpu.memory_space<hbm>>)
    return
  }
}

</mosaic_0001>

<sc_bundles>
// kernel: _sparse_mm_sc.3.cloned.1.call-start
scs
__scs_entry_jumppad:
0x0: {  	(pc) =	sbr.rel $0x88, $3  }
0x1: {  	(tag) =	ssettag $0x0;
	lr =	simm.s32 $0x1  }
0x2: {  	[smem:$0x3F9C] =	sst lr;
	_ =	strace $0xD0000000  }
0x3: {  	_ = 	snop  }
0x4: {  	_ = 	snop  }
0x5: {  	_ = 	snop  }
0x6: {  	_ = 	snop  }
0x7: {  	_ = 	snop  }
__scs_overlays_trampoline_lowered:
0x8: {  	[smem:$0x3FAB] =	sst s0  }
0x9: {  	[smem:$0x3FAC] =	sst s1  }
0xa: {  	[smem:$0x3FAD] =	sst s2  }
0xb: {  	[smem:$0x3FAE] =	sst s3  }
0xc: {  	[smem:$0x3FAF] =	sst s4  }
0xd: {  	[smem:$0x3FB0] =	sst s5  }
0xe: {  	[smem:$0x3FB1] =	sst s6  }
0xf: {  	[smem:$0x3FB2] =	sst s7  }
0x10: {  	[smem:$0x3FB3] =	sst s8  }
0x11: {  	[smem:$0x3FB4] =	sst s9;
	s0 =	simm.s32 @!p0 $0x0  }
0x12: {  	s1 =	sld [smem:$0x3F9A];
	s0 =	simm.s32 @p0 $0x1  }
0x13: {  	[smem:$0x3FB5] =	sst s0;
	s0 =	simm.s32 @!p1 $0x0  }
0x14: {  	s2 =	sld [smem:$0x3F99];
	s0 =	simm.s32 @p1 $0x1  }
0x15: {  	[smem:$0x3FB6] =	sst s0;
	s0 =	simm.s32 @!p2 $0x0  }
0x16: {  	s3 =	sld [smem:$0x3FDB];
	s0 =	simm.s32 @p2 $0x1  }
0x17: {  	s4 =	simm.s32 $0x1BF5;
	[smem:$0x3FB8] =	sst s0  }
0x18: {  	s0 =	sld [smem:$0x3F9B];
	_ =	swait.ge [sflag:s4], $0x0  }
0x19: {  	s7 =	sld [smem:$0x3F9C]  }
0x1a: {  	s8 =	sadd.s32 $0xFFFFE003, lr  }
0x1b: {  	s9 =	sadd.s32 $0xFFFFFEF7, lr;
	s5 =	simm.s32 $0xFFFFFFFF;
	p2 =	slt.u32 s8, $0xFFFFF086  }
0x1c: {  	p1 =	slt.u32 s9, $0xF7A;
	s5 =	simm.s32 @!p2 $0x0  }
0x1d: {  	s5 =	simm.s32 @p1 $0x1;
	p0 =	seq.s32 s7, s2  }
0x1e: {  	s7 =	smul.u32 @!p0 $0xF7A, s2;
	p2 =	seq.s32 @!p0 s5, $0x0  }
0x1f: {  	s9 =	smul.u32 $0xF7A, s1;
	s8 =	simm.s32 @!p0 $0x1BF5;
	p2 =	por !p2, p0  }
0x20: {  	[sflag:s8] =	ssyncset.s32 @!p0 $0xFFFFF086;
	s6 =	sadd.s32 @!p0 s3, s7;
	s7 =	simm.s32 @!p0 $0x108  }
0x21: {  	s3 =	sadd.s32 s3, s9;
	s6 =	sadd.s32 @!p0 $0x88, s6;
	s7 =	simm.s32 @p2 $0x1082  }
0x22: {  	[simem:s7], [sflag:s8] =	dma.local @!p0 [hbm:s6], $0xF7A  }
0x23: {  	s9 =	sor.u32 $0xD0000000, s2;
	s6 =	simm.s32 $0x108;
	_ =	swait.ge @!p0 [sflag:s8], $0x0  }
0x24: {  	s3 =	sadd.s32 $0x88, s3;
	s6 =	simm.s32 @!p1 $0x1082;
	[sflag:s4] =	ssyncset.s32 $0xFFFFF086  }
0x25: {  	[simem:s6], [sflag:s4] =	dma.local [hbm:s3], $0xF7A  }
0x26: {  	[smem:$0x3F9C] =	sst s1;
	(tag) =	ssettag s2;
	_ =	strace s9  }
0x27: {  	s1 =	sld [smem:$0x3FAC]  }
0x28: {  	s2 =	sld [smem:$0x3FAD]  }
0x29: {  	s4 =	sld [smem:$0x3FAF]  }
0x2a: {  	p0 =	seq.s32 s5, $0x0;
	s5 =	sld [smem:$0x3FB0]  }
0x2b: {  	s6 =	sld [smem:$0x3FB1]  }
0x2c: {  	s7 =	sld [smem:$0x3FB2]  }
0x2d: {  	s3 =	simm.s32 $0x108;
	s8 =	sld [smem:$0x3FB3]  }
0x2e: {  	s3 =	simm.s32 @!p0 $0x1082;
	s9 =	sld [smem:$0x3FB4]  }
0x2f: {  	lr =	sadd.s32 s0, s3;
	s0 =	sld [smem:$0x3FAB]  }
0x30: {  	s3 =	sld [smem:$0x3FAE]  }
0x31: {  	[smem:$0x3FB7] =	sst s10  }
0x32: {  	s10 =	sld [smem:$0x3FB5];
	_ =	sdelay $0x3  }
0x33: {  	p0 =	seq.s32 s10, $0x1;
	s10 =	sld [smem:$0x3FB7];
	_ =	sdelay $0x3  }
0x34: {  	[smem:$0x3FB7] =	sst s10  }
0x35: {  	s10 =	sld [smem:$0x3FB6];
	_ =	sdelay $0x3  }
0x36: {  	p1 =	seq.s32 s10, $0x1;
	s10 =	sld [smem:$0x3FB7];
	_ =	sdelay $0x3  }
0x37: {  	[smem:$0x3FB7] =	sst s10  }
0x38: {  	s10 =	sld [smem:$0x3FB8]  }
0x39: {  	_ = 	snop;
	(pc) =	sbr.ind lr, $3  }
0x3a: {  	_ = 	snop  }
0x3b: {  	_ = 	snop  }
0x3c: {  	p2 =	seq.s32 s10, $0x1;
	s10 =	sld [smem:$0x3FB7]  }
0x3d: {  	_ =	shalt  }
0x3e: {  	_ =	shalt  }
0x3f: {  	_ =	shalt  }
0x40: {  	_ =	shalt  }
0x41: {  	_ =	shalt  }
0x42: {  	_ =	shalt  }
0x43: {  	_ =	shalt  }
0x44: {  	_ =	shalt  }
0x45: {  	_ =	shalt  }
0x46: {  	_ =	shalt  }
0x47: {  	_ =	shalt  }
0x48: {  	_ =	shalt  }
0x49: {  	_ =	shalt  }
0x4a: {  	_ =	shalt  }
0x4b: {  	_ =	shalt  }
0x4c: {  	_ =	shalt  }
0x4d: {  	_ =	shalt  }
0x4e: {  	_ =	shalt  }
0x4f: {  	_ =	shalt  }
0x50: {  	_ =	shalt  }
0x51: {  	_ =	shalt  }
0x52: {  	_ =	shalt  }
0x53: {  	_ =	shalt  }
0x54: {  	_ =	shalt  }
0x55: {  	_ =	shalt  }
0x56: {  	_ =	shalt  }
0x57: {  	_ =	shalt  }
0x58: {  	_ =	shalt  }
0x59: {  	_ =	shalt  }
0x5a: {  	_ =	shalt  }
0x5b: {  	_ =	shalt  }
0x5c: {  	_ =	shalt  }
0x5d: {  	_ =	shalt  }
0x5e: {  	_ =	shalt  }
0x5f: {  	_ =	shalt  }
0x60: {  	_ =	shalt  }
0x61: {  	_ =	shalt  }
0x62: {  	_ =	shalt  }
0x63: {  	_ =	shalt  }
0x64: {  	_ =	shalt  }
0x65: {  	_ =	shalt  }
0x66: {  	_ =	shalt  }
0x67: {  	_ =	shalt  }
0x68: {  	_ =	shalt  }
0x69: {  	_ =	shalt  }
0x6a: {  	_ =	shalt  }
0x6b: {  	_ =	shalt  }
0x6c: {  	_ =	shalt  }
0x6d: {  	_ =	shalt  }
0x6e: {  	_ =	shalt  }
0x6f: {  	_ =	shalt  }
0x70: {  	_ =	shalt  }
0x71: {  	_ =	shalt  }
0x72: {  	_ =	shalt  }
0x73: {  	_ =	shalt  }
0x74: {  	_ =	shalt  }
0x75: {  	_ =	shalt  }
0x76: {  	_ =	shalt  }
0x77: {  	_ =	shalt  }
0x78: {  	_ =	shalt  }
0x79: {  	_ =	shalt  }
0x7a: {  	_ =	shalt  }
0x7b: {  	_ =	shalt  }
0x7c: {  	_ =	shalt  }
0x7d: {  	_ =	shalt  }
0x7e: {  	_ =	shalt  }
0x7f: {  	_ =	shalt  }
0x80: {  	_ =	shalt  }
0x81: {  	_ =	shalt  }
0x82: {  	_ =	shalt  }
0x83: {  	_ =	shalt  }
0x84: {  	_ =	shalt  }
0x85: {  	_ =	shalt  }
0x86: {  	_ =	shalt  }
0x87: {  	_ =	shalt  }
.Lfunc_end0:
.L_simem_size_0:
called_computation_lowered:
.L_overlay_start_0:
0x88: {  	s2 =	sld [smem:$0x3FD9]  }
0x89: {  	s3 =	sld [smem:$0x3FFE];
	_ =	sdelay $0x1  }
0x8a: {  	s1 =	srdreg.scid  }
0x8b: {  	s0 =	sand.u32 $0x1, s1  }
0x8c: {  	s18 =	sshll.u32 s0, $0xA;
	s2 =	sadd.s32 s3, s2  }
0x8d: {  	s2 =	sadd.s32 s2, s18  }
0x8e: {  	[smem:$0x3FC3] =	sst s2  }
0x8f: {  	_ = 	snop  }
0x90: {  	s2 =	sld [smem:$0x3FC9]  }
0x91: {  	s19 =	sld [smem:$0x3FC8]  }
0x92: {  	s4 =	sld [smem:$0x3FC7]  }
0x93: {  	s5 =	sld [smem:$0x3FC6]  }
0x94: {  	s6 =	sld [smem:$0x3FC5]  }
0x95: {  	s7 =	sld [smem:$0x3FD0];
	(tm) =	ssettm $0x1  }
0x96: {  	s8 =	sld [smem:$0x3FFB];
	_ =	sdelay $0x3  }
0x97: {  	_ =	strace s8  }
0x98: {  	s8 =	sld [smem:$0x3FFC];
	_ =	sdelay $0x3  }
0x99: {  	_ =	strace s8  }
0x9a: {  	s8 =	sld [smem:$0x3FFD];
	_ =	sdelay $0x3  }
0x9b: {  	_ =	strace s8  }
0x9c: {  	_ =	strace $0x8FFFFFFF  }
0x9d: {  	s20 =	sld [smem:$0x3FDB];
	_ =	sdelay $0x1  }
0x9e: {  	s9 =	simm.s32 $_scs_section_size  }
0x9f: {  	s10 =	simm.s32 $_size__tile_overlayer_lowered;
	s11 =	simm.s32 $_tile_overlayer_lowered  }
0xa0: {  	s23 =	simm.s32 $0x1BFF;
	s22 =	sshll.u32 s11, $0x1;
	s8 =	sadd.s32 s9, s20  }
0xa1: {  	s12 =	simm.s32 $0x0;
	s21 =	sshll.u32 s10, $0x1;
	s10 =	sadd.s32 s22, s8  }
0xa2: {  	[timem:s12], [sflag:s23] =	dma.local [hbm:s10], s21  }
0xa3: {  	_ =	swait.ge [sflag:s23], s21  }
0xa4: {  	s9 =	ssub.s32 $0x0, s21;
	[sflag:s23] =	ssyncset.done $0x0  }
0xa5: {  	[sflag:s23] =	ssyncadd.s32 s9;
	_ =	sdelay $0x1  }
0xa6: {  	s24 =	simm.s32 $0x1B8B  }
0xa7: {  	_ =	swait.ge [sflag:s24], $0x1  }
0xa8: {  	[sflag:s24] =	ssyncset.done $0x0  }
0xa9: {  	s25 =	simm.s32 $0x1B8E;
	[sflag:s24] =	ssyncadd.s32 $0xFFFFFFFF  }
0xaa: {  	s26 =	simm.s32 $execute0_lowered;
	[smem:$0x3FD2] =	sst s25  }
0xab: {  	s9 =	sshll.u32 s26, $0x1;
	_ =	strace $0x80000046;
	[dreg:$0x1] =	wrdreg $0xFFFFFFFF  }
0xac: {  	s28 =	simm.s32 $_size_execute0_lowered;
	s8 =	sadd.s32 s8, s9;
	[dreg:$0x0] =	wrdreg $0x0  }
0xad: {  	s9 =	sshll.u32 s28, $0x1;
	[dreg:$0x2] =	wrdreg s8  }
0xae: {  	[dreg:$0x3] =	wrdreg s9  }
0xaf: {  	[dreg:$0x4] =	wrdreg $0xC0  }
0xb0: {  	_ =	task [dreg:s12], $0x5FFFF  }
0xb1: {  	[dreg:$0x1] =	wrdreg $0xFFFFFFFF  }
0xb2: {  	[dreg:$0x0] =	wrdreg $0x60  }
0xb3: {  	[dreg:$0x2] =	wrdreg s2  }
0xb4: {  	[dreg:$0x3] =	wrdreg s19  }
0xb5: {  	[dreg:$0x4] =	wrdreg s4  }
0xb6: {  	[dreg:$0x5] =	wrdreg s5  }
0xb7: {  	[dreg:$0x6] =	wrdreg s6  }
0xb8: {  	[dreg:$0x7] =	wrdreg s7  }
0xb9: {  	[dreg:$0x8] =	wrdreg $0x9  }
0xba: {  	_ =	task.clear_ibuf [dreg:s12], $0x9FFFF;
	_ =	strace $0x90000046  }
0xbb: {  	s29 =	simm.s32 $0x9;
	_ =	strace $0x80000048  }
0xbc: {  	_ =	swait.ge [sflag:s29], $0x1  }
0xbd: {  	[sflag:s29] =	ssyncadd.s32 $0xFFFFFFFF  }
0xbe: {  	_ =	strace $0x90000048  }
0xbf: {  	_ =	sfence  }
0xc0: {  	s30 =	sld [smem:$0x0];
	_ =	sdelay $0x2  }
0xc1: {  	s31 =	sshll.u32 s1, $0xD;
	s1 =	sshrl.u32 s1, $0x2  }
0xc2: {  	s3 =	sand.u32 $0x4000, s31;
	s1 =	sadd.s32 s1, s30  }
0xc3: {  	s0 =	sor.u32 s3, s0;
	s1 =	sshll.u32 s1, $0x11  }
0xc4: {  	s0 =	sor.u32 s1, s0  }
0xc5: {  	s0 =	sadd.s32 $0x8F2B, s0  }
0xc6: {  	[sflag:s0] =	ssyncadd.remote.s32 $0x1  }
0xc7: {  	_ =	sfence.sel $0xFFFF  }
0xc8: {  	[dreg:$0x0] =	wrdreg $0xFFFFFFFF;
	(pc) =	sbr.abs _section_cstart, $3  }
0xc9: {  	[dreg:$0x1] =	wrdreg $0xFFFFFFFF  }
0xca: {  	_ =	task.clear_ibuf [dreg:s12], $0x2FFFF;
	_ =	strace $0x9FFFFFFF  }
0xcb: {  	(tm) =	ssettm $0x7FFFFFFF  }
tec
execute0_lowered:
.L_overlay_start_1:
0x0: {  	(tag) =	ssettag $0x1  }
0x1: {  	s0 =	rddreg [dreg:$0x0]  }
0x2: {  	s4 =	rddreg [dreg:$0x5]  }
0x3: {  	s1 =	srdreg.scid;
	s2 =	stileid.u32;
	s5 =	simm.s32 $0x0  }
0x4: {  	s16 =	simm.s32 $0x200;
	s1 =	sand.u32 $0x1, s1;
	s2 =	sshll.u32 s2, $0x11  }
0x5: {  	[smem:$0x7FF] =	sst s5;
	s11 =	sadd.s32 $0x40, s4;
	s3 =	sshll.u32 s1, $0x10  }
0x6: {  	_ =	strace $0x80000047;
	[smem:$0x7F9] =	sst s11;
	s8 =	sor.u32 s3, s2  }
0x7: {  	s17 =	simm.s32 $0x400;
	s3 =	sadd.s32 s0, s8;
	[smem:$0x7F7] =	sst s8  }
0x8: {  	s28 =	simm.s32 $0x6300;
	s15 =	sor.u32 $0x1000, s8;
	[smem:$0x7F5] =	sst s3  }
0x9: {  	s1 =	ssub.s32 $0x2, s1;
	s25 =	sadd.s32 $0x40, s3;
	[smem:$0x7FD] =	sst s15  }
0xa: {  	v0 =	vimm.s32 $0xECA86420;
	vm0 =	vcmask $0xB08;
	s23 =	sshrl.u32 s1, $0x1;
	s26 =	sadd.s32 $0x1000, s3;
	[smem:$0x7F2] =	sst s25  }
0xb: {  	vm1 =	vcmask $0x1310;
	vm2 =	vcmask $0x1B18;
	vm3 =	vcmask $0x300;
	s24 =	ssub.s32 s1, s23;
	s31 =	sadd.s32 $0x1040, s3;
	[smem:$0x7F3] =	sst s26  }
0xc: {  	vm4 =	vcmask $0x2320;
	vm5 =	vcmask $0x2B28;
	vm6 =	vcmask $0x3330;
	s29 =	simm.s32 $0xA300;
	s0 =	smax.u32 s24, $0x1;
	[smem:$0x7F4] =	sst s31  }
.Ltmp0:
0xd: {  	v1 =	vlaneseq.u32;
	vm7 =	vcmask $0x3B38;
	vm8 =	vmmov $0xff;
	s10 =	sadd.s32 $0x2000, s3;
	[smem:$0x7F6] =	sst s0;
	(pc) =	sbr.rel .LBB2_1-.Ltmp0, $4  }
0xe: {  	s30 =	simm.s32 $0xE300;
	vm12 =	vcmask $0x704;
	vm13 =	vcmask $0xF0C;
	vm14 =	vcmask $0x1714;
	s12 =	sadd.s32 $0x2040, s3;
	[smem:$0x7F8] =	sst s10  }
0xf: {  	vm15 =	vcmask $0x1F1C;
	vm9 =	vcmask $0x2724;
	v0 =	vunpack.c.l.s4.s8 v0;
	s5 =	simm.s32 $0x16300;
	s13 =	sadd.s32 $0x3000, s3;
	[smem:$0x7FA] =	sst s12  }
0x10: {  	vm10 =	vcmask $0x2F2C;
	vm11 =	vcmask $0x3734;
	v2 =	vimm.s32 $0x0;
	s2 =	simm.s32 $0x12300;
	s14 =	sadd.s32 $0x3040, s3;
	[smem:$0x7FB] =	sst s13  }
0x11: {  	v3 =	vimm.f32 $0.0e+00;
	v1 =	vmul.u32 $0x2, v1;
	v0 =	vunpack.c.0.s8.s32 v0;
	s1 =	simm.s32 $0x0;
	s26 =	simm.s32 $0x2300;
	[smem:$0x7FC] =	sst s14  }
.LBB2_28:
0x12: {  	_ =	swait.ge [sflag:s22], $0x4000  }
0x13: {  	[sflag:s22] =	ssyncset.done $0x0  }
0x14: {  	[sflag:s22] =	ssyncadd.s32 $0xFFFFC000  }
0x15: {  	_ =	swait.ge [sflag:s24], $0x4000  }
0x16: {  	s1 =	sld [smem:$0x7B9]  }
0x17: {  	s0 =	sld [smem:$0x7F6];
	_ =	sdelay $0x1  }
0x18: {  	s1 =	sadd.s32 $0x1, s1  }
0x19: {  	p0 =	sne.s32 s1, s0  }
.Ltmp1:
0x1a: {  	_ = 	snop;
	(pc) =	sbr.rel @!p0 .LBB2_29-.Ltmp1, $3  }
0x1b: {  	_ =	sdelay $0x1  }
0x1c: {  	[sflag:s24] =	ssyncset.done $0x0  }
0x1d: {  	[sflag:s24] =	ssyncadd.s32 $0xFFFFC000  }
.LBB2_1:
0x1e: {  	[smem:$0x7B9] =	sst s1  }
0x1f: {  	s0 =	rddreg [dreg:$0x1];
	s13 =	simm.s32 $0x0;
	s3 =	simm.s32 $0x7  }
0x20: {  	[tilespmem:s13], [sflag:$0x7] =	stream.linear.gather [hbm4b:s0+s13], $0x500, $0x38;
	[tilespmem:$0x1A300] =	vst v63  }
0x21: {  	_ =	swait.ge [sflag:s3], $0x500  }
0x22: {  	[sflag:s3] =	ssyncset.done $0x0  }
0x23: {  	[sflag:s3] =	ssyncadd.s32 $0xFFFFFB00  }
0x24: {  	s4 =	simm.s32 $0x500;
	s14 =	rddreg [dreg:$0x2]  }
0x25: {  	[tilespmem:s4], [sflag:$0x7] =	stream.linear.gather [hbm4b:s14+s13], $0x500, $0x38;
	[tilespmem:$0x1A300] =	vst v63  }
0x26: {  	_ =	swait.ge [sflag:s3], $0x500  }
0x27: {  	[sflag:s3] =	ssyncset.done $0x0  }
0x28: {  	[sflag:s3] =	ssyncadd.s32 $0xFFFFFB00  }
0x29: {  	s18 =	simm.s32 $0xA00;
	s15 =	rddreg [dreg:$0x3]  }
0x2a: {  	[tilespmem:s18], [sflag:$0x7] =	stream.linear.gather [hbm4b:s15+s13], $0x500, $0x38;
	[tilespmem:$0x1A300] =	vst v63  }
0x2b: {  	_ =	swait.ge [sflag:s3], $0x500  }
0x2c: {  	[sflag:s3] =	ssyncset.done $0x0  }
0x2d: {  	[sflag:s3] =	ssyncadd.s32 $0xFFFFFB00  }
0x2e: {  	s20 =	simm.s32 $0xF00;
	s19 =	rddreg [dreg:$0x4]  }
0x2f: {  	[tilespmem:s20], [sflag:$0x7] =	stream.linear.gather [hbm4b:s19+s13], $0x500, $0x38;
	[tilespmem:$0x1A300] =	vst v63  }
0x30: {  	_ =	swait.ge [sflag:s3], $0x500  }
0x31: {  	s21 =	sld [smem:$0x7F5]  }
0x32: {  	[sflag:s3] =	ssyncset.done $0x0  }
0x33: {  	s22 =	sld [smem:$0x7F2];
	[sflag:s3] =	ssyncadd.s32 $0xFFFFFB00  }
0x34: {  	[tilespmem:s26], [sflag:$0x1] =	stream.strided.gather [hbm4b:s21+s16], $0x4000, s17, s16, $0x38;
	[tilespmem:$0x1A300] =	vst v63  }
0x35: {  	s23 =	sld [smem:$0x7F3]  }
0x36: {  	[tilespmem:s28], [sflag:$0x2] =	stream.strided.gather [hbm4b:s22+s16], $0x4000, s17, s16, $0x38;
	[tilespmem:$0x1A300] =	vst v63  }
0x37: {  	s24 =	sld [smem:$0x7F4]  }
0x38: {  	[tilespmem:s29], [sflag:$0x3] =	stream.strided.gather [hbm4b:s23+s16], $0x4000, s17, s16, $0x38;
	[tilespmem:$0x1A300] =	vst v63  }
0x39: {  	s25 =	simm.s32 $0xF10  }
0x3a: {  	[tilespmem:s30], [sflag:$0x4] =	stream.strided.gather [hbm4b:s24+s16], $0x4000, s17, s16, $0x38;
	[tilespmem:$0x1A300] =	vst v63  }
0x3b: {  	v7 =	vld [tilespmem:s25+$0x0];
	_ =	sdelay $0x4  }
0x3c: {  	(v2sf) =	vpush v7, $0xF  }
0x3d: {  	(v2sf) =	vpush v7, $0xB  }
0x3e: {  	(v2sf) =	vpush v7, $0x6;
	_ =	sdelay $0x1  }
0x3f: {  	(v2sf) =	vpush v7, $0xE;
	_ =	sdelay $0x1  }
0x40: {  	(v2sf) =	vpush v7, $0xA;
	_ =	sdelay $0x1  }
0x41: {  	(v2sf) =	vpush v7, $0xD  }
0x42: {  	(v2sf) =	vpush v7, $0x9  }
0x43: {  	(v2sf) =	vpush v7, $0x5  }
0x44: {  	(v2sf) =	vpush v7, $0xC  }
0x45: {  	(v2sf) =	vpush v7, $0x8;
	_ =	sdelay $0x2  }
0x46: {  	s1 =	spop (v2sf)  }
0x47: {  	s13 =	smulhi.u32 $0x66666667, s1;
	s3 =	spop (v2sf)  }
0x48: {  	s15 =	smulhi.u32 $0x66666667, s3;
	s4 =	spop (v2sf)  }
0x49: {  	s3 =	sshra.s32 s3, $0x1F;
	s24 =	smulhi.u32 $0x66666667, s4  }
0x4a: {  	(v2sf) =	vpush v7, $0x4;
	s6 =	spop (v2sf);
	s3 =	smul.u32 $0x66666667, s3  }
0x4b: {  	s4 =	sshra.s32 s4, $0x1F;
	s7 =	smulhi.u32 $0x66666667, s6  }
0x4c: {  	(v2sf) =	vpush v7, $0x3;
	s12 =	spop (v2sf);
	s4 =	smul.u32 $0x66666667, s4  }
0x4d: {  	s8 =	smulhi.u32 $0x66666667, s12  }
0x4e: {  	s14 =	spop (v2sf);
	[smem:$0x7BA] =	sst s7  }
0x4f: {  	s17 =	smulhi.u32 $0x66666667, s14;
	s10 =	spop (v2sf)  }
0x50: {  	(v2sf) =	vpush v7, $0x2;
	[smem:$0x7BB] =	sst s8;
	s11 =	spop (v2sf)  }
0x51: {  	s9 =	smulhi.u32 $0x66666667, s11;
	s16 =	spop (v2sf)  }
0x52: {  	s20 =	smulhi.u32 $0x66666667, s16;
	s18 =	spop (v2sf)  }
0x53: {  	[smem:$0x7BD] =	sst s9;
	s21 =	smulhi.u32 $0x66666667, s18  }
0x54: {  	(v2sf) =	vpush v7, $0x1;
	s7 =	sshra.s32 s12, $0x1F;
	s31 =	smulhi.u32 $0x66666667, s10;
	[smem:$0x7BC] =	sst s20  }
0x55: {  	s1 =	sshra.s32 s1, $0x1F;
	(v2sf) =	vpush v7, $0x0;
	s12 =	smul.u32 $0x66666667, s7;
	[smem:$0x7BE] =	sst s21  }
0x56: {  	s8 =	sshra.s32 s14, $0x1F;
	s9 =	smul.u32 $0x66666667, s1;
	v6 =	vld [tilespmem:s25+$0xFFFFFFF0]  }
0x57: {  	s14 =	sshra.s32 s11, $0x1F;
	s1 =	smul.u32 $0x66666667, s8  }
0x58: {  	(v2sf) =	vpush v7, $0x7;
	s16 =	sshra.s32 s16, $0x1F;
	s8 =	smul.u32 $0x66666667, s14  }
0x59: {  	s19 =	spop (v2sf);
	s11 =	smul.u32 $0x66666667, s16  }
0x5a: {  	s10 =	sshra.s32 s10, $0x1F;
	s22 =	smulhi.u32 $0x66666667, s19  }
0x5b: {  	s18 =	sshra.s32 s18, $0x1F;
	s0 =	spop (v2sf);
	s20 =	smul.u32 $0x66666667, s10;
	(v2sf) =	vpush v6, $0x7  }
0x5c: {  	s10 =	smul.u32 $0x66666667, s18;
	s1 =	sadd.s32 s1, s17;
	s17 =	sld [smem:$0x7BA];
	(v2sf) =	vpush v6, $0x0  }
0x5d: {  	s6 =	sshra.s32 s6, $0x1F;
	s23 =	smulhi.u32 $0x66666667, s0;
	[smem:$0x7BF] =	sst s22;
	(v2sf) =	vpush v6, $0x1  }
0x5e: {  	s3 =	sadd.s32 s3, s15;
	s21 =	smul.u32 $0x66666667, s6;
	[smem:$0x7C6] =	sst s4  }
0x5f: {  	s22 =	spop (v2sf);
	[smem:$0x7DD] =	sst s3  }
0x60: {  	s0 =	sshra.s32 s0, $0x1F;
	[smem:$0x7D8] =	sst s1;
	s25 =	smulhi.u32 $0x66666667, s22  }
0x61: {  	[smem:$0x7C5] =	sst s23;
	s23 =	sshra.s32 s19, $0x1F;
	s19 =	smul.u32 $0x66666667, s0  }
0x62: {  	s4 =	smul.u32 $0x66666667, s23;
	[smem:$0x7C1] =	sst s25;
	s25 =	sshra.s32 s22, $0x1F;
	(v2sf) =	vpush v6, $0x2  }
0x63: {  	s7 =	spop (v2sf);
	s6 =	smul.u32 $0x66666667, s25;
	(v2sf) =	vpush v6, $0x3  }
0x64: {  	s14 =	smulhi.u32 $0x66666667, s7;
	s16 =	spop (v2sf)  }
0x65: {  	s1 =	sadd.s32 s21, s17;
	s0 =	sshra.s32 s7, $0x1F;
	s22 =	smulhi.u32 $0x66666667, s16  }
0x66: {  	[smem:$0x7DA] =	sst s1;
	s0 =	smul.u32 $0x66666667, s0  }
0x67: {  	s18 =	spop (v2sf);
	[smem:$0x7C2] =	sst s6  }
0x68: {  	[smem:$0x7C3] =	sst s14;
	s6 =	sshra.s32 s16, $0x1F;
	s14 =	smulhi.u32 $0x66666667, s18  }
0x69: {  	[smem:$0x7C0] =	sst s4;
	s7 =	sshra.s32 s18, $0x1F;
	s23 =	smul.u32 $0x66666667, s6;
	(v2sf) =	vpush v6, $0x4  }
0x6a: {  	s6 =	smul.u32 $0x66666667, s7;
	s25 =	spop (v2sf)  }
0x6b: {  	s4 =	sshra.s32 s25, $0x1F;
	s7 =	spop (v2sf);
	s25 =	smulhi.u32 $0x66666667, s25  }
0x6c: {  	s18 =	smul.u32 $0x66666667, s4;
	s16 =	spop (v2sf)  }
0x6d: {  	s4 =	sshra.s32 s7, $0x1F;
	[smem:$0x7C8] =	sst s25;
	s25 =	smulhi.u32 $0x66666667, s7  }
0x6e: {  	[smem:$0x7C7] =	sst s18;
	s18 =	smul.u32 $0x66666667, s4;
	s4 =	sshra.s32 s16, $0x1F  }
0x6f: {  	[smem:$0x7C4] =	sst s0;
	(v2sf) =	vpush v6, $0xC;
	s7 =	smul.u32 $0x66666667, s4  }
0x70: {  	[smem:$0x7CA] =	sst s25;
	s25 =	smulhi.u32 $0x66666667, s16  }
0x71: {  	[smem:$0x7C9] =	sst s18;
	s18 =	spop (v2sf)  }
0x72: {  	[smem:$0x7CB] =	sst s7;
	s7 =	sadd.s32 s9, s13;
	s15 =	spop (v2sf)  }
0x73: {  	s9 =	sshra.s32 s18, $0x1F;
	s0 =	smulhi.u32 $0x66666667, s18;
	[smem:$0x7DC] =	sst s7  }
0x74: {  	s13 =	smul.u32 $0x66666667, s9;
	s9 =	sld [smem:$0x7BB]  }
0x75: {  	s16 =	sshra.s32 s15, $0x1F;
	s21 =	smulhi.u32 $0x66666667, s15;
	[smem:$0x7CD] =	sst s0  }
0x76: {  	s0 =	smul.u32 $0x66666667, s16;
	s16 =	sld [smem:$0x7BC]  }
0x77: {  	[smem:$0x7CC] =	sst s13  }
0x78: {  	s18 =	spop (v2sf);
	[smem:$0x7CF] =	sst s21  }
0x79: {  	(v2sf) =	vpush v6, $0x8;
	s3 =	sshra.s32 s18, $0x1F;
	s21 =	sld [smem:$0x7BE]  }
0x7a: {  	s1 =	smul.u32 $0x66666667, s3;
	[smem:$0x7CE] =	sst s0;
	s4 =	sadd.s32 s12, s9  }
0x7b: {  	s0 =	smulhi.u32 $0x66666667, s18;
	s18 =	sadd.s32 s20, s31;
	s20 =	sld [smem:$0x7BD]  }
0x7c: {  	(v2sf) =	vpush v6, $0xD;
	[smem:$0x7DB] =	sst s4  }
0x7d: {  	(v2sf) =	vpush v6, $0x9;
	[smem:$0x7D0] =	sst s1  }
0x7e: {  	s12 =	spop (v2sf);
	s4 =	sadd.s32 s11, s16;
	s11 =	sld [smem:$0x7BF]  }
0x7f: {  	(v2sf) =	vpush v6, $0x5;
	s15 =	sshra.s32 s12, $0x1F;
	s1 =	smulhi.u32 $0x66666667, s12;
	s12 =	sld [smem:$0x7C0]  }
0x80: {  	s7 =	simm.s32 $0xF30;
	s16 =	sld [smem:$0x7C2]  }
0x81: {  	v5 =	vld [tilespmem:s7+$0x0];
	[smem:$0x7D1] =	sst s0  }
0x82: {  	[smem:$0x7D5] =	sst s4  }
0x83: {  	s14 =	sadd.s32 s6, s14;
	[smem:$0x7D9] =	sst s18  }
0x84: {  	[smem:$0x7D7] =	sst s14  }
0x85: {  	(v2sf) =	vpush v6, $0xE;
	s3 =	smul.u32 $0x66666667, s15;
	s15 =	sld [smem:$0x7C1]  }
0x86: {  	(v2sf) =	vpush v6, $0xA;
	s14 =	sld [smem:$0x7C8]  }
0x87: {  	[smem:$0x7D3] =	sst s1  }
0x88: {  	s13 =	spop (v2sf);
	s4 =	sadd.s32 s8, s20;
	s20 =	sld [smem:$0x7C4]  }
0x89: {  	s17 =	sshra.s32 s13, $0x1F;
	s31 =	smulhi.u32 $0x66666667, s13;
	[smem:$0x7D2] =	sst s3  }
0x8a: {  	(v2sf) =	vpush v6, $0xF;
	[smem:$0x7DF] =	sst s4;
	s3 =	smul.u32 $0x66666667, s17  }
0x8b: {  	s4 =	spop (v2sf);
	s0 =	sadd.s32 s12, s11;
	s17 =	sld [smem:$0x7C3]  }
0x8c: {  	s6 =	sadd.s32 s23, s22;
	s9 =	spop (v2sf);
	[smem:$0x7DE] =	sst s0  }
0x8d: {  	s23 =	sadd.s32 s16, s15;
	s12 =	smulhi.u32 $0x66666667, s4;
	s16 =	sld [smem:$0x7C9]  }
0x8e: {  	s7 =	sshra.s32 s4, $0x1F;
	[smem:$0x7D4] =	sst s3;
	s8 =	spop (v2sf)  }
0x8f: {  	s13 =	sshra.s32 s8, $0x1F;
	s15 =	smulhi.u32 $0x66666667, s8;
	s8 =	sld [smem:$0x7C6]  }
0x90: {  	s3 =	sadd.s32 s10, s21;
	s22 =	smul.u32 $0x66666667, s13;
	s13 =	sld [smem:$0x7C7]  }
0x91: {  	s21 =	smul.u32 $0x66666667, s7;
	s10 =	sshra.s32 s9, $0x1F;
	[smem:$0x7D6] =	sst s3  }
0x92: {  	s18 =	smul.u32 $0x66666667, s10;
	s10 =	sadd.s32 s20, s17;
	s3 =	sld [smem:$0x7C5]  }
0x93: {  	s20 =	sadd.s32 s8, s24;
	s24 =	sld [smem:$0x7CA];
	s4 =	sadd.s32 s13, s14  }
0x94: {  	(v2sf) =	vpush v6, $0xB;
	s0 =	spop (v2sf);
	[smem:$0x7E0] =	sst s4  }
0x95: {  	s1 =	spop (v2sf);
	s4 =	sld [smem:$0x7CB]  }
0x96: {  	(v2sf) =	vpush v6, $0x6;
	s11 =	smulhi.u32 $0x66666667, s9;
	s9 =	sshra.s32 s1, $0x1F  }
0x97: {  	s19 =	sadd.s32 s19, s3;
	s8 =	sld [smem:$0x7CC];
	s24 =	sadd.s32 s16, s24  }
0x98: {  	s16 =	smul.u32 $0x66666667, s9;
	s3 =	sadd.s32 s4, s25;
	s25 =	sld [smem:$0x7CD]  }
0x99: {  	s7 =	sshra.s32 s0, $0x1F;
	s9 =	smulhi.u32 $0x66666667, s0;
	s0 =	spop (v2sf)  }
0x9a: {  	s17 =	smul.u32 $0x66666667, s7;
	s7 =	sshra.s32 s0, $0x1F  }
0x9b: {  	s14 =	smul.u32 $0x66666667, s7;
	s7 =	sadd.s32 s8, s25;
	s25 =	sld [smem:$0x7CF]  }
0x9c: {  	[smem:$0x7E2] =	sst s7  }
0x9d: {  	s7 =	sld [smem:$0x7CE]  }
0x9e: {  	(v2sf) =	vpush v5, $0xF;
	s18 =	sadd.s32 s18, s11  }
0x9f: {  	[smem:$0x7E6] =	sst s18  }
0xa0: {  	(v2sf) =	vpush v5, $0xB;
	s7 =	sadd.s32 s7, s25;
	s25 =	sld [smem:$0x7D1]  }
0xa1: {  	(v2sf) =	vpush v5, $0x6;
	[smem:$0x7E5] =	sst s7  }
0xa2: {  	s12 =	sadd.s32 s21, s12;
	(v2sf) =	vpush v5, $0xE;
	s13 =	smulhi.u32 $0x66666667, s1;
	s7 =	sld [smem:$0x7D0]  }
0xa3: {  	(v2sf) =	vpush v5, $0xA;
	s1 =	spop (v2sf);
	s9 =	sadd.s32 s17, s9;
	[smem:$0x7E1] =	sst s3  }
0xa4: {  	s4 =	sshra.s32 s1, $0x1F;
	s21 =	smulhi.u32 $0x66666667, s1;
	[smem:$0x7E8] =	sst s9  }
0xa5: {  	s3 =	spop (v2sf);
	s7 =	sadd.s32 s7, s25;
	s25 =	sld [smem:$0x7D3]  }
0xa6: {  	s8 =	smul.u32 $0x66666667, s4;
	s4 =	sshra.s32 s3, $0x1F;
	[smem:$0x7E7] =	sst s7  }
0xa7: {  	(v2sf) =	vpush v5, $0xD;
	s13 =	sadd.s32 s16, s13;
	s7 =	smul.u32 $0x66666667, s4;
	s4 =	sld [smem:$0x7D2]  }
0xa8: {  	[smem:$0x7EA] =	sst s13;
	s17 =	sadd.s32 s8, s21  }
0xa9: {  	s18 =	smulhi.u32 $0x66666667, s3;
	[smem:$0x7EC] =	sst s17  }
0xaa: {  	s4 =	sadd.s32 s4, s25;
	s25 =	sld [smem:$0x7D4]  }
0xab: {  	s7 =	sadd.s32 s7, s18;
	s18 =	sld [smem:$0x7D7]  }
0xac: {  	[smem:$0x7EE] =	sst s7  }
0xad: {  	s1 =	spop (v2sf);
	[smem:$0x7E3] =	sst s4;
	s4 =	sadd.s32 s25, s31  }
0xae: {  	[smem:$0x7E4] =	sst s4;
	s4 =	smulhi.u32 $0x66666667, s0  }
0xaf: {  	s25 =	spop (v2sf);
	s31 =	sshra.s32 s1, $0x1F;
	s0 =	smulhi.u32 $0x66666667, s1  }
0xb0: {  	s11 =	spop (v2sf);
	s1 =	sadd.s32 s22, s15;
	s22 =	smul.u32 $0x66666667, s31  }
0xb1: {  	s31 =	smulhi.u32 $0x66666667, s25;
	s15 =	spop (v2sf)  }
0xb2: {  	s3 =	sshra.s32 s25, $0x1F;
	[smem:$0x7ED] =	sst s11;
	s25 =	spop (v2sf)  }
0xb3: {  	s8 =	sshra.s32 s6, $0x5;
	s4 =	sadd.s32 s14, s4;
	[smem:$0x7E9] =	sst s25  }
0xb4: {  	s3 =	smul.u32 $0x66666667, s3;
	s0 =	sadd.s32 s22, s0;
	[smem:$0x7EB] =	sst s4  }
0xb5: {  	s7 =	sshra.s32 s6, $0x1F;
	s6 =	sshrl.u32 s6, $0x1F;
	[smem:$0x7F0] =	sst s0  }
0xb6: {  	s11 =	spop (v2sf);
	s22 =	sadd.s32 s3, s31;
	s0 =	sld [smem:$0x7D5]  }
0xb7: {  	s16 =	smulhi.u32 $0x66666667, s11;
	s9 =	sshra.s32 s11, $0x1F;
	[smem:$0x7F1] =	sst s22  }
0xb8: {  	s14 =	sshra.s32 s18, $0x1F;
	s22 =	sld [smem:$0x7D6];
	s21 =	smul.u32 $0x66666667, s9  }
0xb9: {  	s13 =	sshrl.u32 s23, $0x1F;
	v11 =	vmov s6;
	s6 =	sshra.s32 s10, $0x5;
	v4 =	vmov s14;
	s31 =	sld [smem:$0x7EB]  }
0xba: {  	v4 =	vsel vm3, s8, v4;
	s11 =	sshra.s32 s10, $0x1F;
	s25 =	sadd.s32 s21, s16;
	s16 =	sld [smem:$0x7D8]  }
0xbb: {  	v4 =	vsel vm12, s7, v4;
	s7 =	sshrl.u32 s10, $0x1F;
	s4 =	sshrl.u32 s0, $0x1F;
	s21 =	sld [smem:$0x7D9]  }
0xbc: {  	v11 =	vnsel vm3, $0x0, v11;
	s3 =	sshra.s32 s0, $0x5;
	[smem:$0x7EF] =	sst s25;
	s25 =	sshrl.u32 s22, $0x1F  }
0xbd: {  	v11 =	vsel vm0, s7, v11;
	s7 =	sshrl.u32 s24, $0x1F;
	s9 =	sshra.s32 s22, $0x5;
	v9 =	vmov s25;
	s25 =	sld [smem:$0x7DA]  }
0xbe: {  	v4 =	vsel vm0, s6, v4;
	v8 =	vmov s4;
	s17 =	sshrl.u32 s16, $0x1F;
	s22 =	sshrl.u32 s21, $0x1F;
	s0 =	sshra.s32 s21, $0x5  }
0xbf: {  	v4 =	vsel vm13, s11, v4;
	s21 =	sshra.s32 s23, $0x5;
	v8 =	vsel vm0, s17, v8;
	s17 =	sld [smem:$0x7DB];
	v9 =	vsel vm0, s22, v9;
	s22 =	sshra.s32 s23, $0x1F  }
0xc0: {  	v4 =	vsel vm1, s21, v4;
	s4 =	sshrl.u32 s25, $0x1F;
	s8 =	sshra.s32 s25, $0x5;
	s25 =	sld [smem:$0x7DC]  }
0xc1: {  	(v2sf) =	vpush v5, $0x9;
	s11 =	sshra.s32 s19, $0x5;
	s14 =	sshra.s32 s16, $0x5;
	v4 =	vsel vm14, s22, v4;
	s22 =	sld [smem:$0x7DE]  }
0xc2: {  	v10 =	vmov s3;
	v12 =	vmov s9;
	v8 =	vsel vm1, s4, v8;
	s4 =	sshra.s32 s20, $0x5;
	s3 =	sshrl.u32 s17, $0x1F;
	s9 =	sshra.s32 s17, $0x5  }
0xc3: {  	v11 =	vsel vm1, s13, v11;
	v4 =	vsel vm2, s11, v4;
	s17 =	sshra.s32 s19, $0x1F;
	v9 =	vsel vm1, s3, v9;
	s3 =	sshrl.u32 s19, $0x1F;
	s19 =	sld [smem:$0x7DD]  }
0xc4: {  	v10 =	vsel vm0, s14, v10;
	v12 =	vsel vm0, s0, v12;
	s14 =	sshrl.u32 s25, $0x1F;
	s0 =	sshra.s32 s25, $0x5;
	v4 =	vsel vm15, s17, v4;
	s17 =	sld [smem:$0x7DF]  }
0xc5: {  	(v2sf) =	vpush v5, $0x5;
	s23 =	sshra.s32 s22, $0x5;
	s25 =	sshra.s32 s22, $0x1F;
	v11 =	vsel vm2, s3, v11;
	s3 =	sshra.s32 s24, $0x1F  }
0xc6: {  	(v2sf) =	vpush v5, $0xC;
	v4 =	vsel vm4, s23, v4;
	s23 =	sld [smem:$0x7E1];
	s21 =	sshrl.u32 s19, $0x1F;
	s16 =	sshra.s32 s19, $0x5  }
0xc7: {  	v10 =	vsel vm1, s8, v10;
	v4 =	vsel vm9, s25, v4;
	s19 =	sshra.s32 s17, $0x5;
	v9 =	vsel vm2, s21, v9;
	s21 =	sshra.s32 s24, $0x5;
	s24 =	sld [smem:$0x7E0]  }
0xc8: {  	s8 =	sshrl.u32 s22, $0x1F;
	v12 =	vsel vm1, s9, v12;
	v8 =	vsel vm2, s14, v8;
	s10 =	sshra.s32 s17, $0x1F;
	s14 =	sshrl.u32 s17, $0x1F;
	v4 =	vsel vm5, s19, v4  }
0xc9: {  	v14 =	vmov s7;
	s17 =	sshra.s32 s20, $0x1F;
	v12 =	vsel vm2, s16, v12;
	s25 =	sshra.s32 s23, $0x5;
	s16 =	sshra.s32 s23, $0x1F;
	v4 =	vsel vm10, s10, v4  }
0xca: {  	v14 =	vnsel vm3, $0x0, v14;
	s19 =	sshrl.u32 s23, $0x1F;
	s23 =	sld [smem:$0x7E4];
	v4 =	vsel vm6, s4, v4;
	s22 =	sshra.s32 s24, $0x1F  }
0xcb: {  	v10 =	vsel vm2, s0, v10;
	s0 =	sshra.s32 s18, $0x5;
	v4 =	vsel vm11, s17, v4;
	v13 =	vmov s22;
	s22 =	sld [smem:$0x7E3]  }
0xcc: {  	v15 =	vsel vm7, s0, v4;
	v4 =	vsel vm0, s19, v14;
	s19 =	sld [smem:$0x7EA]  }
0xcd: {  	s6 =	sshrl.u32 s20, $0x1F;
	s4 =	sshra.s32 s23, $0x5;
	v13 =	vsel vm3, s21, v13;
	s21 =	sld [smem:$0x7E2]  }
0xce: {  	s13 =	sshrl.u32 s18, $0x1F;
	s17 =	smulhi.u32 $0x66666667, s15;
	v19 =	vmov s4;
	s4 =	sld [smem:$0x7EC];
	v13 =	vsel vm12, s3, v13  }
0xcf: {  	(v2sf) =	vpush v5, $0x8;
	s3 =	sshrl.u32 s22, $0x1F;
	s10 =	sshra.s32 s22, $0x5;
	v13 =	vsel vm0, s25, v13;
	s25 =	sld [smem:$0x7E5]  }
0xd0: {  	v11 =	vsel vm4, s8, v11;
	s22 =	sld [smem:$0x7E6];
	s0 =	sshrl.u32 s19, $0x1F;
	s8 =	sshra.s32 s21, $0x5  }
0xd1: {  	s18 =	sshra.s32 s21, $0x1F;
	s20 =	sshrl.u32 s21, $0x1F;
	s21 =	sshrl.u32 s23, $0x1F  }
0xd2: {  	(v2sf) =	vpush v5, $0x4;
	v11 =	vsel vm5, s14, v11;
	v13 =	vsel vm13, s16, v13;
	s16 =	sshrl.u32 s12, $0x1F;
	s12 =	sshra.s32 s12, $0x5;
	s9 =	sshra.s32 s25, $0x5  }
0xd3: {  	(v2sf) =	vpush v5, $0x3;
	v11 =	vsel vm6, s6, v11;
	v13 =	vsel vm1, s8, v13;
	s14 =	sshra.s32 s25, $0x1F;
	s6 =	sshrl.u32 s25, $0x1F;
	s25 =	sld [smem:$0x7E7]  }
0xd4: {  	s23 =	sshra.s32 s15, $0x1F;
	v18 =	vmov s10;
	s10 =	sshra.s32 s1, $0x1F;
	v17 =	vsel vm1, s20, v4;
	s20 =	sshra.s32 s1, $0x5;
	v13 =	vsel vm14, s18, v13  }
0xd5: {  	v32 =	vmov s3;
	s8 =	sshrl.u32 s22, $0x1F;
	v13 =	vsel vm2, s9, v13;
	s9 =	smul.u32 $0x66666667, s23;
	v17 =	vsel vm2, s6, v17;
	s6 =	spop (v2sf)  }
0xd6: {  	(v2sf) =	vpush v5, $0x2;
	v14 =	vsel vm0, s16, v32;
	s23 =	sld [smem:$0x7E8];
	s16 =	spop (v2sf);
	s15 =	sshra.s32 s25, $0x5  }
0xd7: {  	(v2sf) =	vpush v5, $0x1;
	v16 =	vmov s21;
	s18 =	sshra.s32 s25, $0x1F;
	s7 =	sshrl.u32 s25, $0x1F;
	s25 =	sld [smem:$0x7E9]  }
0xd8: {  	(v2sf) =	vpush v5, $0x0;
	v18 =	vsel vm0, s12, v18;
	v16 =	vsel vm0, s8, v16;
	s12 =	smulhi.u32 $0x66666667, s6;
	s6 =	sshra.s32 s6, $0x1F;
	s8 =	spop (v2sf)  }
0xd9: {  	(v2sf) =	vpush v5, $0x7;
	v11 =	vsel vm7, s13, v11;
	v13 =	vsel vm15, s14, v13;
	s6 =	smul.u32 $0x66666667, s6;
	s13 =	sshrl.u32 s23, $0x1F;
	s14 =	sshra.s32 s23, $0x5  }
0xda: {  	v8 =	vcombine.low v9, v8;
	v13 =	vsel vm4, s15, v13;
	s15 =	sshra.s32 s19, $0x5;
	v35 =	vsel vm4, s7, v17;
	s7 =	smulhi.u32 $0x66666667, s8;
	s23 =	sshra.s32 s25, $0x1F  }
0xdb: {  	s8 =	sshra.s32 s8, $0x1F;
	s19 =	smul.u32 $0x66666667, s23;
	s23 =	simm.s32 $0xF30  }
0xdc: {  	v10 =	vcombine.low v12, v10;
	v8 =	vperm.xlane v8, v0;
	s21 =	sshrl.u32 s4, $0x1F;
	s11 =	sshra.s32 s22, $0x5;
	s8 =	smul.u32 $0x66666667, s8;
	v4 =	vld [tilespmem:s23+$0xFFFFFFF0]  }
0xdd: {  	v11 =	vperm.xlane v11, v1;
	v13 =	vsel vm9, s18, v13;
	s18 =	sshrl.u32 s31, $0x1F;
	v33 =	vsel vm1, s13, v14;
	s13 =	sshra.s32 s4, $0x5;
	s22 =	smulhi.u32 $0x66666667, s25  }
0xde: {  	v10 =	vperm.xlane v10, v0;
	v15 =	vperm.xlane v15, v1;
	s4 =	sadd.s32 s9, s17;
	s9 =	spop (v2sf);
	v9 =	vsel vm5, s20, v13;
	s20 =	smulhi.u32 $0x66666667, s16  }
0xdf: {  	v8 =	vsel vm8, v11, v8;
	s1 =	sshrl.u32 s1, $0x1F;
	s17 =	smulhi.u32 $0x66666667, s9;
	v11 =	vsel vm2, s18, v33;
	s18 =	sshra.s32 s16, $0x1F  }
0xe0: {  	v10 =	vsel vm8, v15, v10;
	v19 =	vsel vm0, s11, v19;
	s11 =	sshra.s32 s31, $0x5;
	s9 =	sshra.s32 s9, $0x1F;
	v9 =	vsel vm10, s10, v9;
	s10 =	smul.u32 $0x66666667, s18  }
0xe1: {  	v42 =	vimm.s32 $0x0;
	v8 =	vadd.s32 v8, v10;
	s6 =	sadd.s32 s6, s12;
	s9 =	smul.u32 $0x66666667, s9;
	s23 =	sld [smem:$0x7ED];
	(v2sf) =	vpush v4, $0x7  }
0xe2: {  	v34 =	vsel vm1, s0, v16;
	v37 =	vsel vm1, s15, v19;
	s0 =	sadd.s32 s19, s22;
	s22 =	sld [smem:$0x7EE];
	s19 =	spop (v2sf);
	(v2sf) =	vpush v4, $0x0  }
0xe3: {  	v39 =	vmul.u32 $0xFFFFFFB0, v8;
	v41 =	vsel vm2, s13, v37;
	s7 =	sadd.s32 s8, s7;
	s13 =	sadd.s32 s10, s20;
	s15 =	smulhi.u32 $0x66666667, s19;
	(v2sf) =	vpush v4, $0x1  }
0xe4: {  	v10 =	vsel vm2, s21, v34;
	v36 =	vsel vm1, s14, v18;
	s10 =	sadd.s32 s9, s17;
	s8 =	spop (v2sf);
	s3 =	smulhi.u32 $0x66666667, s23;
	(v2sf) =	vpush v4, $0x2  }
0xe5: {  	v38 =	vsel vm5, s1, v35;
	vm9 =	vlt.s32 v6, $0x1;
	s18 =	spop (v2sf);
	s1 =	smulhi.u32 $0x66666667, s8;
	s14 =	sshra.s32 s22, $0x5;
	(v2sf) =	vpush v4, $0x3  }
0xe6: {  	v40 =	vsel vm2, s11, v36;
	v16 =	vsel vm9, $0xFFFFFFFF, v42;
	s16 =	sshrl.u32 s22, $0x1F;
	s21 =	smov.u32 s22;
	s22 =	spop (v2sf);
	(v2sf) =	vpush v4, $0x4  }
0xe7: {  	v13 =	vadd.s32 v7, v39;
	s20 =	sshra.s32 s19, $0x1F;
	s11 =	spop (v2sf);
	v9 =	vsel vm6, s14, v9;
	s14 =	smulhi.u32 $0x66666667, s18;
	(v2sf) =	vpush v4, $0xC  }
0xe8: {  	vm9 =	vlt.s32 v7, $0x1;
	v7 =	vsel vm6, s16, v38;
	s16 =	smul.u32 $0x66666667, s20;
	s18 =	sshra.s32 s18, $0x1F;
	s12 =	spop (v2sf);
	(v2sf) =	vpush v4, $0x8  }
0xe9: {  	s8 =	sshra.s32 s8, $0x1F;
	s19 =	sshra.s32 s21, $0x1F;
	s18 =	smul.u32 $0x66666667, s18;
	(v2sf) =	vpush v4, $0xD  }
0xea: {  	s20 =	sshrl.u32 s24, $0x1F;
	v9 =	vsel vm11, s19, v9;
	s19 =	sshra.s32 s24, $0x5;
	s9 =	smulhi.u32 $0x66666667, s12;
	(v2sf) =	vpush v4, $0x9  }
0xeb: {  	v10 =	vcombine.low v10, v11;
	v46 =	vcombine.low v41, v40;
	s12 =	sshra.s32 s12, $0x1F;
	s21 =	sadd.s32 s16, s15;
	s15 =	smulhi.u32 $0x66666667, s22;
	(v2sf) =	vpush v4, $0x5  }
0xec: {  	v7 =	vsel vm7, s20, v7;
	s20 =	simm.s32 $0x2;
	s24 =	sshra.s32 s22, $0x1F;
	s12 =	smul.u32 $0x66666667, s12;
	(v2sf) =	vpush v4, $0xE  }
0xed: {  	v10 =	vperm.xlane v10, v0;
	v12 =	vperm.xlane v46, v0;
	[dreg:$0x9] =	wrdreg s20;
	v9 =	vsel vm7, s19, v9;
	s19 =	smul.u32 $0x66666667, s24;
	s22 =	sshrl.u32 s7, $0x1F  }
0xee: {  	v7 =	vperm.xlane v7, v1;
	v9 =	vperm.xlane v9, v1;
	s9 =	sadd.s32 s12, s9;
	s12 =	smulhi.u32 $0x66666667, s11;
	s11 =	sshra.s32 s11, $0x1F  }
0xef: {  	s16 =	sadd.s32 s18, s14;
	s14 =	sadd.s32 s19, s15;
	s11 =	smul.u32 $0x66666667, s11  }
0xf0: {  	v7 =	vsel vm8, v7, v10;
	s19 =	sshrl.u32 s10, $0x1F;
	v9 =	vsel vm8, v9, v12;
	s20 =	sshra.s32 s9, $0x1F;
	s17 =	spop (v2sf)  }
0xf1: {  	v9 =	vadd.s32 v7, v9;
	v7 =	vmov s19;
	s19 =	sld [smem:$0x7EF];
	s11 =	sadd.s32 s11, s12;
	s12 =	spop (v2sf)  }
0xf2: {  	v47 =	vmov s22;
	s22 =	sshra.s32 s7, $0x5;
	v10 =	vmov s20;
	s24 =	sshra.s32 s11, $0x5;
	(v2sf) =	vpush v4, $0xA;
	s20 =	spop (v2sf)  }
0xf3: {  	s18 =	sshra.s32 s14, $0x5;
	v10 =	vsel vm3, s24, v10;
	s24 =	sshra.s32 s11, $0x1F;
	s7 =	spop (v2sf)  }
0xf4: {  	v48 =	vmov s22;
	s22 =	sshrl.u32 s19, $0x1F;
	s11 =	sshrl.u32 s11, $0x1F;
	v10 =	vsel vm12, s24, v10;
	s15 =	spop (v2sf)  }
0xf5: {  	s10 =	sshra.s32 s10, $0x5;
	v12 =	vsel vm0, s22, v47;
	s22 =	sshra.s32 s14, $0x1F;
	v50 =	vmov s11;
	v10 =	vsel vm0, s18, v10;
	s11 =	spop (v2sf)  }
0xf6: {  	[tilespmem:$0x1FFE0] =	vst v16;
	s24 =	sshrl.u32 s6, $0x1F;
	s18 =	sshra.s32 s23, $0x1F;
	v10 =	vsel vm13, s22, v10;
	s22 =	spop (v2sf)  }
0xf7: {  	vm10 =	vne.s32 v13, $0x0;
	v44 =	vshll.u32 v13, $0x4;
	v43 =	vld [tilespmem:$0x1FFE0];
	v52 =	vsel vm0, s24, v7;
	s24 =	sshra.s32 s19, $0x5;
	s19 =	sshra.s32 s16, $0x5;
	s23 =	spop (v2sf)  }
0xf8: {  	s8 =	smul.u32 $0x66666667, s8;
	v51 =	vmov s10;
	s10 =	sshra.s32 s16, $0x1F;
	(v2sf) =	vpush v4, $0xF;
	v10 =	vsel vm1, s19, v10;
	s19 =	spop (v2sf)  }
0xf9: {  	vm10 =	vmand vm9, vm10;
	v11 =	vadd.s32 $0x500, v44;
	v10 =	vsel vm14, s10, v10;
	s10 =	spop (v2sf)  }
0xfa: {  	v45 =	vsel vm10, $0xFFFFFFFF, v2;
	vm10 =	vlt.s32 v13, $0x0;
	s1 =	sadd.s32 s8, s1;
	s8 =	sshrl.u32 s14, $0x1F;
	v54 =	vnsel vm3, $0x0, v50;
	s14 =	spop (v2sf)  }
0xfb: {  	v49 =	vmul.u32 $0xFFFFFFB0, v9;
	v14 =	vsel vm0, s8, v54;
	(v2sf) =	vpush v4, $0xB;
	s8 =	spop (v2sf)  }
0xfc: {  	v11 =	vsel vm10, v11, v44;
	v8 =	vadd.s32 v45, v8;
	vm9 =	vnez.u8 v43;
	[dreg:$0xf] =	wrdreg s8  }
0xfd: {  	p0 =	por $0x0, $0x0;
	s31 =	simm.s32 $0x10;
	vm9 =	vmmov vm9;
	v6 =	vadd.s32 v6, v49;
	(v2sf) =	vpush v4, $0x6;
	s8 =	sld [smem:$0x7F0]  }
0xfe: {  	s25 =	simm.s32 $0x510;
	vm10 =	vne.s32 v6, $0x0;
	s6 =	sshra.s32 s6, $0x5;
	v7 =	vadd.s32 v11, v8;
	v8 =	vsel vm0, s24, v48;
	s24 =	sshrl.u32 s4, $0x1F  }
0xff: {  	vm10 =	vmand vm9, vm10;
	v11 =	vsel vm0, s6, v51;
	s6 =	sshra.s32 s1, $0x5;
	s4 =	sshra.s32 s4, $0x5;
	v12 =	vsel vm1, s24, v12;
	s24 =	sshrl.u32 s0, $0x1F  }
0x100: {  	vm9 =	vlt.s32 v6, $0x0;
	v53 =	vsel vm1, s24, v52;
	s24 =	sshra.s32 s1, $0x1F;
	v10 =	vsel vm2, s6, v10;
	s6 =	smul.u32 $0x66666667, s18;
	s18 =	sshrl.u32 s8, $0x1F  }
0x101: {  	v6 =	vshll.u32 v6, $0x4;
	s0 =	sshra.s32 s0, $0x5;
	v10 =	vsel vm15, s24, v10;
	s24 =	spop (v2sf);
	v12 =	vsel vm2, s18, v12;
	s18 =	sld [smem:$0x7F1]  }
0x102: {  	v55 =	vadd.s32 $0x500, v6;
	v56 =	vsel vm10, $0xFFFFFFFF, v2;
	s1 =	sshrl.u32 s1, $0x1F;
	v57 =	vld [tilespmem:s31+$0x0];
	[dreg:$0xe] =	wrdreg s24;
	s24 =	sshra.s32 s21, $0x5  }
0x103: {  	v6 =	vsel vm9, v55, v6;
	vm9 =	vcmask $0x2724;
	s3 =	sadd.s32 s6, s3;
	s6 =	simm.s32 $0x510;
	v10 =	vsel vm4, s24, v10;
	s24 =	sshra.s32 s21, $0x1F  }
0x104: {  	v9 =	vadd.s32 v56, v9;
	v8 =	vsel vm1, s4, v8;
	v10 =	vsel vm9, s24, v10;
	s24 =	sshrl.u32 s21, $0x1F;
	s21 =	smov.u32 s22;
	s4 =	sshrl.u32 s18, $0x1F  }
0x105: {  	v9 =	vadd.s32 v6, v9;
	v6 =	vld [tilespmem:s31+$0xFFFFFFF0];
	v13 =	vsel vm2, s4, v53;
	s4 =	sshrl.u32 s16, $0x1F;
	s16 =	sshra.s32 s8, $0x5;
	s8 =	sshra.s32 s13, $0x1F  }
0x106: {  	v11 =	vsel vm1, s0, v11;
	v14 =	vsel vm1, s4, v14;
	v8 =	vsel vm2, s16, v8;
	s16 =	sshra.s32 s18, $0x5;
	s18 =	sshra.s32 s13, $0x5;
	s4 =	simm.s32 $0x1400  }
0x107: {  	vm9 =	vcmask $0x2F2C;
	v11 =	vsel vm2, s16, v11;
	v10 =	vsel vm5, s18, v10;
	s16 =	spop (v2sf);
	s18 =	sshrl.u32 s13, $0x1F;
	s13 =	sshrl.u32 s3, $0x1F  }
0x108: {  	v14 =	vsel vm2, s1, v14;
	s1 =	sshra.s32 s23, $0x1F;
	[dreg:$0xc] =	wrdreg s16;
	v10 =	vsel vm9, s8, v10;
	s8 =	sshra.s32 s17, $0x1F  }
0x109: {  	v12 =	vcombine.low v13, v12;
	v58 =	vsel vm4, s24, v14;
	s24 =	sshra.s32 s3, $0x5;
	s16 =	sshra.s32 s3, $0x1F;
	[tilespmem:v7+s4+$0x0] =	vst.idx.msk $0xffff, v57;
	s3 =	smul.u32 $0x66666667, s8  }
0x10a: {  	v8 =	vcombine.low v11, v8;
	v13 =	vsel vm5, s18, v58;
	v10 =	vsel vm6, s24, v10;
	[tilespmem:v9+s4+$0x0] =	vst.idx.msk $0xffff, v6;
	s18 =	sshrl.u32 s9, $0x1F;
	s24 =	sshra.s32 s9, $0x5;
	s8 =	spop (v2sf)  }
0x10b: {  	v6 =	vperm.xlane v12, v0;
	s4 =	sshra.s32 s7, $0x1F;
	v11 =	vld [tilespmem:s25+$0x0];
	v59 =	vsel vm6, s13, v13;
	v10 =	vsel vm11, s16, v10;
	[dreg:$0x7] =	wrdreg s6;
	s13 =	smulhi.u32 $0x66666667, s17  }
0x10c: {  	s9 =	sshra.s32 s12, $0x1F;
	v8 =	vperm.xlane v8, v0;
	s16 =	spop (v2sf);
	s4 =	smul.u32 $0x66666667, s4;
	v60 =	vld [tilespmem:s25+$0xFFFFFFF0];
	v12 =	vsel vm7, s18, v59;
	v10 =	vsel vm7, s24, v10  }
0x10d: {  	s17 =	sshra.s32 s20, $0x1F;
	[dreg:$0xd] =	wrdreg s8;
	s18 =	smul.u32 $0x66666667, s9;
	v12 =	vperm.xlane v12, v1;
	v10 =	vperm.xlane v10, v1  }
0x10e: {  	[dreg:$0xb] =	wrdreg s16;
	s9 =	sshra.s32 s15, $0x1F;
	s24 =	smulhi.u32 $0x66666667, s12  }
0x10f: {  	s0 =	smul.u32 $0x66666667, s17;
	s17 =	simm.s32 $0x1900;
	s25 =	sadd.s32 s3, s13;
	v6 =	vsel vm8, v12, v6;
	v8 =	vsel vm8, v10, v8  }
0x110: {  	s3 =	sadd.s32 s18, s24;
	s18 =	smulhi.u32 $0x66666667, s20;
	s20 =	simm.s32 $0xA10;
	[tilespmem:v7+s17+$0x0] =	vst.idx.msk $0xffff, v11;
	v6 =	vadd.s32 v6, v8  }
0x111: {  	s16 =	sshra.s32 s11, $0x1F;
	s8 =	sshra.s32 s22, $0x1F;
	s12 =	smulhi.u32 $0x66666667, s7;
	v8 =	vld [tilespmem:s20+$0x0];
	[tilespmem:v9+s17+$0x0] =	vst.idx.msk $0xffff, v60;
	v11 =	vmul.u32 $0xFFFFFFB0, v6  }
0x112: {  	s7 =	sshra.s32 s19, $0x1F;
	s24 =	simm.s32 $0xA10;
	[dreg:$0x11] =	wrdreg s25  }
0x113: {  	s11 =	smulhi.u32 $0x66666667, s11;
	s22 =	sshra.s32 s25, $0x1F;
	[dreg:$0x10] =	wrdreg s24;
	v63 =	vadd.s32 v5, v11  }
0x114: {  	vm10 =	vlt.s32 v5, $0x1;
	s16 =	smul.u32 $0x66666667, s16;
	s13 =	sshra.s32 s3, $0x5;
	v10 =	vmov s22;
	s6 =	sadd.s32 s0, s18;
	v61 =	vld [tilespmem:s20+$0xFFFFFFF0];
	vm9 =	vne.s32 v63, $0x0  }
0x115: {  	v62 =	vsel vm3, s13, v10;
	s25 =	sshrl.u32 s3, $0x1F;
	s3 =	sshra.s32 s3, $0x1F;
	s24 =	simm.s32 $0x1E00;
	vm10 =	vmand vm10, vm9;
	vm9 =	vlt.s32 v4, $0x1  }
0x116: {  	s4 =	sadd.s32 s4, s12;
	s13 =	smul.u32 $0x66666667, s9;
	s18 =	sshra.s32 s6, $0x5;
	v11 =	vsel vm12, s3, v62;
	[tilespmem:v7+s24+$0x0] =	vst.idx.msk $0xffff, v8;
	vm9 =	vmmov vm9;
	v7 =	vimm.s32 $0x0  }
0x117: {  	v10 =	vmov s25;
	s25 =	smov.u32 s19;
	s19 =	smulhi.u32 $0x66666667, s15;
	s20 =	sshra.s32 s6, $0x1F;
	v5 =	vsel vm0, s18, v11;
	v7 =	vsel vm9, $0xFFFFFFFF, v7  }
0x118: {  	s22 =	smov.u32 s10;
	s9 =	sshra.s32 s10, $0x1F;
	s15 =	sshra.s32 s4, $0x5;
	v11 =	vsel vm13, s20, v5;
	v8 =	vsel vm10, $0xFFFFFFFF, v2;
	[tilespmem:$0x1FFF0] =	vst v7;
	v7 =	vshll.u32 v63, $0x4  }
0x119: {  	s3 =	simm.s32 $0xF50;
	s0 =	sadd.s32 s13, s19;
	s13 =	sshra.s32 s4, $0x1F;
	vm10 =	vlt.s32 v63, $0x0;
	vm9 =	vcmask $0x2724;
	[tilespmem:v9+s24+$0x0] =	vst.idx.msk $0xffff, v61;
	v9 =	vadd.s32 $0x500, v7  }
.LBB2_2:
0x11a: {  	s17 =	smul.u32 $0x66666667, s8  }
0x11b: {  	[dreg:$0xa] =	wrdreg s3;
	s10 =	sshra.s32 s0, $0x5;
	s1 =	smul.u32 $0x66666667, s1  }
0x11c: {  	s31 =	sadd.s32 $0x20, s31;
	s19 =	smulhi.u32 $0x66666667, s21;
	s12 =	rddreg [dreg:$0xf]  }
0x11d: {  	s18 =	sshra.s32 s14, $0x1F;
	s24 =	rddreg [dreg:$0xe];
	s7 =	smul.u32 $0x66666667, s7  }
0x11e: {  	v5 =	vld [tilespmem:s3+$0x0];
	s6 =	sshrl.u32 s6, $0x1F;
	s21 =	rddreg [dreg:$0xc];
	s9 =	smul.u32 $0x66666667, s9  }
0x11f: {  	v11 =	vsel vm1, s15, v11;
	s22 =	smulhi.u32 $0x66666667, s22;
	s4 =	sshrl.u32 s4, $0x1F;
	[dreg:$0x8] =	wrdreg s31  }
0x120: {  	v7 =	vsel vm10, v9, v7;
	v6 =	vadd.s32 v8, v6;
	v9 =	vsel vm14, s13, v11;
	s13 =	sshra.s32 s0, $0x1F;
	s8 =	sadd.s32 s16, s11;
	s16 =	smulhi.u32 $0x66666667, s25  }
0x121: {  	v8 =	vnsel vm3, $0x0, v10;
	v10 =	vadd.s32 v7, v6;
	s20 =	sshra.s32 s12, $0x1F;
	s11 =	sshra.s32 s24, $0x1F;
	v6 =	vsel vm2, s10, v9;
	s10 =	smulhi.u32 $0x66666667, s23  }
0x122: {  	v7 =	vld [tilespmem:s3+$0xFFFFFFF0];
	s15 =	sshra.s32 s21, $0x1F;
	s3 =	rddreg [dreg:$0xb];
	s11 =	smul.u32 $0x66666667, s11  }
0x123: {  	s23 =	rddreg [dreg:$0xd];
	s9 =	sadd.s32 s9, s22;
	s15 =	smul.u32 $0x66666667, s15;
	(v2sf) =	vpush v5, $0xF  }
0x124: {  	v11 =	vld [tilespmem:s31+$0x0];
	v8 =	vsel vm0, s6, v8;
	v9 =	vsel vm15, s13, v6;
	s13 =	sadd.s32 s17, s19;
	s17 =	sshra.s32 s8, $0x5;
	s6 =	sshra.s32 s23, $0x1F;
	(v2sf) =	vpush v5, $0xB  }
0x125: {  	v6 =	vld [tilespmem:s31+$0xFFFFFFF0];
	s19 =	simm.s32 $0x1400;
	s31 =	rddreg [dreg:$0x7];
	s7 =	sadd.s32 s7, s16  }
0x126: {  	s16 =	rddreg [dreg:$0x10];
	s1 =	sadd.s32 s1, s10;
	s10 =	smul.u32 $0x66666667, s18;
	(v2sf) =	vpush v5, $0x6  }
0x127: {  	v9 =	vsel vm4, s17, v9;
	s31 =	sadd.s32 $0x20, s31;
	s17 =	sshrl.u32 s13, $0x1F;
	s18 =	sshra.s32 s3, $0x1F  }
0x128: {  	s13 =	sshra.s32 s13, $0x5;
	s22 =	sshrl.u32 s7, $0x1F;
	s6 =	smul.u32 $0x66666667, s6;
	(v2sf) =	vpush v5, $0xE  }
0x129: {  	v12 =	vmov s17;
	s25 =	sshrl.u32 s1, $0x1F;
	s1 =	sshra.s32 s1, $0x5;
	v14 =	vmov s13;
	[tilespmem:v10+s19+$0x0] =	vst.idx.msk $0xffff, v11;
	s19 =	smulhi.u32 $0x66666667, s14  }
0x12a: {  	s13 =	simm.s32 $0x1900;
	s17 =	sshrl.u32 s9, $0x1F;
	vm10 =	vlt.s32 v7, $0x1;
	v11 =	vimm.s32 $0x0;
	s14 =	smul.u32 $0x66666667, s20;
	(v2sf) =	vpush v5, $0xA  }
0x12b: {  	[dreg:$0x7] =	wrdreg s31;
	v13 =	vmov s25;
	s20 =	sshra.s32 s8, $0x1F;
	s25 =	smulhi.u32 $0x66666667, s12;
	v11 =	vsel vm10, $0xFFFFFFFF, v11;
	(v2sf) =	vpush v5, $0xD  }
0x12c: {  	v8 =	vsel vm1, s4, v8;
	s12 =	sadd.s32 $0x20, s16;
	s16 =	smul.u32 $0x66666667, s18;
	s8 =	sshrl.u32 s8, $0x1F;
	[tilespmem:$0x1FFD0] =	vst v11;
	v11 =	vld [tilespmem:s31+$0x0]  }
0x12d: {  	v9 =	vsel vm9, s20, v9;
	s20 =	sshrl.u32 s0, $0x1F;
	v13 =	vsel vm0, s17, v13;
	s17 =	smulhi.u32 $0x66666667, s21;
	s4 =	sadd.s32 s10, s19;
	(v2sf) =	vpush v5, $0x9  }
0x12e: {  	s19 =	smulhi.u32 $0x66666667, s24;
	s24 =	sshra.s32 s9, $0x5;
	s25 =	sadd.s32 s14, s25  }
0x12f: {  	v8 =	vsel vm2, s20, v8;
	s9 =	sshra.s32 s4, $0x5;
	s10 =	sshrl.u32 s25, $0x1F;
	s20 =	sshra.s32 s25, $0x5;
	(v2sf) =	vpush v5, $0x5  }
0x130: {  	v15 =	vmov s1;
	s0 =	sadd.s32 s15, s17;
	s14 =	sadd.s32 s11, s19;
	s19 =	smulhi.u32 $0x66666667, s23;
	(v2sf) =	vpush v5, $0xC  }
0x131: {  	v15 =	vsel vm0, s24, v15;
	s24 =	sshra.s32 s4, $0x1F;
	s4 =	sshrl.u32 s4, $0x1F;
	s23 =	smulhi.u32 $0x66666667, s3;
	[tilespmem:v10+s13+$0x0] =	vst.idx.msk $0xffff, v11;
	(v2sf) =	vpush v5, $0x8  }
0x132: {  	s25 =	sshrl.u32 s0, $0x1F;
	s18 =	sshrl.u32 s14, $0x1F;
	v60 =	vld [tilespmem:s12+$0x0];
	(v2sf) =	vpush v5, $0x4;
	s3 =	spop (v2sf)  }
0x133: {  	v13 =	vsel vm1, s18, v13;
	v11 =	vsel vm0, s22, v12;
	s22 =	sshra.s32 s7, $0x5;
	(v2sf) =	vpush v5, $0x3;
	s7 =	smulhi.u32 $0x66666667, s3;
	s18 =	spop (v2sf)  }
0x134: {  	v9 =	vsel vm5, s9, v9;
	s0 =	sshra.s32 s0, $0x5;
	s21 =	sshra.s32 s14, $0x5;
	(v2sf) =	vpush v5, $0x2;
	s9 =	smulhi.u32 $0x66666667, s18  }
0x135: {  	vm10 =	vcmask $0x2F2C;
	[dreg:$0x1b] =	wrdreg s7;
	s7 =	sadd.s32 s16, s23;
	s23 =	spop (v2sf)  }
0x136: {  	v9 =	vsel vm10, s24, v9;
	v14 =	vsel vm0, s22, v14;
	s22 =	simm.s32 $0x1E00;
	[dreg:$0x1c] =	wrdreg s9;
	s11 =	smulhi.u32 $0x66666667, s23  }
0x137: {  	v61 =	vsel vm1, s21, v15;
	(v2sf) =	vpush v5, $0x1;
	[tilespmem:v10+s22+$0x0] =	vst.idx.msk $0xffff, v60;
	v10 =	vsel vm1, s20, v14;
	s21 =	spop (v2sf);
	s20 =	sshra.s32 s7, $0x5;
	s9 =	rddreg [dreg:$0x11]  }
0x138: {  	s6 =	sadd.s32 s6, s19;
	(v2sf) =	vpush v5, $0x0;
	s13 =	smulhi.u32 $0x66666667, s21;
	v9 =	vsel vm6, s20, v9;
	s20 =	rddreg [dreg:$0x9]  }
0x139: {  	v11 =	vsel vm1, s10, v11;
	s10 =	sshrl.u32 s6, $0x1F;
	(v2sf) =	vpush v5, $0x7;
	s16 =	spop (v2sf);
	[dreg:$0x12] =	wrdreg s11  }
0x13a: {  	v8 =	vsel vm4, s8, v8;
	(v2sf) =	vpush v7, $0x7;
	s18 =	sshra.s32 s18, $0x1F;
	s14 =	smulhi.u32 $0x66666667, s16;
	s19 =	spop (v2sf)  }
0x13b: {  	v8 =	vsel vm5, s4, v8;
	v10 =	vsel vm2, s0, v10;
	s0 =	sadd.s32 $0x2, s20;
	[dreg:$0x1e] =	wrdreg s13;
	s17 =	smulhi.u32 $0x66666667, s19  }
0x13c: {  	v11 =	vsel vm2, s25, v11;
	v13 =	vsel vm2, s10, v13;
	(v2sf) =	vpush v7, $0x0;
	s25 =	sshrl.u32 s7, $0x1F;
	s10 =	spop (v2sf);
	[dreg:$0x9] =	wrdreg s0  }
0x13d: {  	(v2sf) =	vpush v7, $0x1;
	v8 =	vsel vm6, s25, v8;
	s13 =	sshrl.u32 s9, $0x1F;
	[smem:$0x7B3] =	sst s14;
	s24 =	smulhi.u32 $0x66666667, s10  }
0x13e: {  	(v2sf) =	vpush v7, $0x2;
	s22 =	spop (v2sf);
	v8 =	vsel vm7, s13, v8;
	s13 =	smul.u32 $0x66666667, s18  }
0x13f: {  	s15 =	sshra.s32 s6, $0x5;
	(v2sf) =	vpush v7, $0x3;
	[smem:$0x7B2] =	sst s17;
	s1 =	spop (v2sf)  }
0x140: {  	(v2sf) =	vpush v7, $0x4;
	s18 =	sshra.s32 s23, $0x1F;
	s6 =	smulhi.u32 $0x66666667, s22;
	s14 =	spop (v2sf)  }
0x141: {  	(v2sf) =	vpush v7, $0xC;
	s18 =	smul.u32 $0x66666667, s18;
	s11 =	spop (v2sf)  }
0x142: {  	(v2sf) =	vpush v7, $0x8;
	s17 =	sshra.s32 s9, $0x5;
	s8 =	smulhi.u32 $0x66666667, s1;
	s9 =	spop (v2sf)  }
0x143: {  	v12 =	vsel vm2, s15, v61;
	(v2sf) =	vpush v7, $0xD;
	s15 =	smulhi.u32 $0x66666667, s14;
	s20 =	spop (v2sf)  }
0x144: {  	v11 =	vcombine.low v13, v11;
	[smem:$0x7B5] =	sst s24;
	(v2sf) =	vpush v7, $0x9;
	s25 =	smulhi.u32 $0x66666667, s20  }
0x145: {  	[smem:$0x7B6] =	sst s6;
	(v2sf) =	vpush v7, $0x5;
	s24 =	smulhi.u32 $0x66666667, s9  }
0x146: {  	vm9 =	vcmask $0x3734;
	v11 =	vperm.xlane v11, v0;
	vm2 =	vmmov vm1;
	s7 =	sshra.s32 s7, $0x1F;
	[smem:$0x7B8] =	sst s25;
	s25 =	spop (v2sf)  }
0x147: {  	v10 =	vcombine.low v12, v10;
	v9 =	vsel vm9, s7, v9;
	(v2sf) =	vpush v7, $0xE;
	[dreg:$0x1f] =	wrdreg s24;
	s24 =	spop (v2sf)  }
0x148: {  	v8 =	vperm.xlane v8, v1;
	v9 =	vsel vm7, s17, v9;
	[dreg:$0x1d] =	wrdreg s18;
	(v2sf) =	vpush v7, $0xA;
	s17 =	spop (v2sf)  }
0x149: {  	vm1 =	vmmov vm0;
	v10 =	vperm.xlane v10, v0;
	v9 =	vperm.xlane v9, v1;
	[smem:$0x7B4] =	sst s8;
	s4 =	spop (v2sf)  }
0x14a: {  	vm0 =	vmmov vm8;
	s3 =	sshra.s32 s3, $0x1F;
	v8 =	vsel vm8, v8, v11;
	s6 =	smulhi.u32 $0x66666667, s11;
	(v2sf) =	vpush v7, $0xF;
	[dreg:$0x19] =	wrdreg s4  }
0x14b: {  	s18 =	sshra.s32 s19, $0x1F;
	v9 =	vsel vm8, v9, v10;
	vm8 =	vmmov vm7;
	v10 =	vld [tilespmem:$0x1FFF0];
	(v2sf) =	vpush v7, $0xB;
	s4 =	smul.u32 $0x66666667, s3;
	s3 =	spop (v2sf)  }
0x14c: {  	p1 =	slt.u32 s0, $0x4E;
	s0 =	smul.u32 $0x66666667, s18;
	vm7 =	vmmov vm6;
	vm6 =	vmmov vm5;
	v8 =	vadd.s32 v8, v9;
	s23 =	spop (v2sf)  }
0x14d: {  	vm5 =	vmmov vm4;
	v9 =	vmul.u32 $0xFFFFFFB0, v8;
	(v2sf) =	vpush v7, $0x6;
	[dreg:$0x14] =	wrdreg s23;
	s23 =	spop (v2sf)  }
0x14e: {  	vm4 =	vmmov vm3;
	vm3 =	vmmov vm15;
	vm15 =	vmmov vm14;
	[dreg:$0x15] =	wrdreg s3;
	s3 =	spop (v2sf)  }
0x14f: {  	[smem:$0x7B7] =	sst s15;
	vm14 =	vmmov vm13;
	vm13 =	vmmov vm12;
	v9 =	vadd.s32 v4, v9;
	s19 =	spop (v2sf)  }
0x150: {  	v4 =	vmovc v7;
	vm11 =	vne.s32 v9, $0x0;
	v7 =	vshll.u32 v9, $0x4;
	vm10 =	vnez.u8 v10;
	[dreg:$0x16] =	wrdreg s23;
	s18 =	spop (v2sf)  }
0x151: {  	vm12 =	vlt.s32 v9, $0x0;
	v9 =	vadd.s32 $0x500, v7;
	vm11 =	vmand vm10, vm11;
	[dreg:$0x17] =	wrdreg s3;
	s23 =	spop (v2sf)  }
0x152: {  	v7 =	vsel vm12, v9, v7;
	v9 =	vsel vm11, $0xFFFFFFFF, v2;
	[dreg:$0x18] =	wrdreg s19;
	s19 =	spop (v2sf)  }
0x153: {  	s16 =	sshra.s32 s16, $0x1F;
	v8 =	vadd.s32 v9, v8;
	[dreg:$0x1a] =	wrdreg s23;
	s23 =	spop (v2sf)  }
0x154: {  	v7 =	vadd.s32 v7, v8;
	s3 =	smul.u32 $0x66666667, s16;
	s16 =	spop (v2sf)  }
0x155: {  	s11 =	sshra.s32 s11, $0x1F;
	s15 =	smulhi.u32 $0x66666667, s25;
	[dreg:$0x13] =	wrdreg s16  }
0x156: {  	s16 =	smul.u32 $0x66666667, s11;
	s11 =	spop (v2sf)  }
0x157: {  	[dreg:$0xf] =	wrdreg s11;
	s11 =	sshra.s32 s20, $0x1F;
	s20 =	spop (v2sf)  }
0x158: {  	s8 =	smulhi.u32 $0x66666667, s24;
	[dreg:$0xe] =	wrdreg s20;
	s20 =	simm.s32 $0x1400  }
0x159: {  	[tilespmem:v7+s20+$0x0] =	vst.idx.msk $0xffff, v6;
	s20 =	sshra.s32 s25, $0x1F;
	s25 =	smul.u32 $0x66666667, s11;
	s11 =	spop (v2sf)  }
0x15a: {  	[dreg:$0xc] =	wrdreg s11;
	s11 =	sshra.s32 s24, $0x1F;
	s24 =	spop (v2sf)  }
0x15b: {  	[dreg:$0xd] =	wrdreg s24  }
0x15c: {  	s24 =	smul.u32 $0x66666667, s11;
	s11 =	spop (v2sf)  }
0x15d: {  	[dreg:$0xb] =	wrdreg s11  }
0x15e: {  	s11 =	rddreg [dreg:$0x1b]  }
0x15f: {  	s11 =	sadd.s32 s4, s11;
	s4 =	rddreg [dreg:$0x1c]  }
0x160: {  	v6 =	vld [tilespmem:s31+$0xFFFFFFF0];
	s31 =	sadd.s32 s13, s4;
	s13 =	sld [smem:$0x7B2]  }
0x161: {  	s21 =	sshra.s32 s21, $0x1F  }
0x162: {  	s21 =	smul.u32 $0x66666667, s21;
	s10 =	sshra.s32 s10, $0x1F;
	s4 =	sld [smem:$0x7B4]  }
0x163: {  	s10 =	smul.u32 $0x66666667, s10;
	s0 =	sadd.s32 s0, s13;
	s13 =	rddreg [dreg:$0x1e]  }
0x164: {  	s1 =	sshra.s32 s1, $0x1F;
	s21 =	sadd.s32 s21, s13;
	s13 =	sld [smem:$0x7B3]  }
0x165: {  	s22 =	sshra.s32 s22, $0x1F;
	s1 =	smul.u32 $0x66666667, s1  }
0x166: {  	s22 =	smul.u32 $0x66666667, s22  }
0x167: {  	s13 =	sadd.s32 s3, s13;
	s3 =	sadd.s32 s1, s4;
	s4 =	sld [smem:$0x7B5]  }
0x168: {  	s7 =	smulhi.u32 $0x66666667, s17;
	s17 =	sshra.s32 s17, $0x1F  }
0x169: {  	[dreg:$0x10] =	wrdreg s12;
	s14 =	sshra.s32 s14, $0x1F;
	s17 =	smul.u32 $0x66666667, s17  }
0x16a: {  	s14 =	smul.u32 $0x66666667, s14;
	s10 =	sadd.s32 s10, s4;
	s4 =	sld [smem:$0x7B6]  }
0x16b: {  	s9 =	sshra.s32 s9, $0x1F;
	s7 =	sadd.s32 s17, s7;
	s20 =	smul.u32 $0x66666667, s20  }
0x16c: {  	s9 =	smul.u32 $0x66666667, s9;
	v10 =	vld [tilespmem:$0x1FFD0];
	s6 =	sadd.s32 s16, s6;
	s16 =	sshra.s32 s7, $0x1F  }
0x16d: {  	s15 =	sadd.s32 s20, s15;
	s4 =	sadd.s32 s22, s4;
	s22 =	simm.s32 $0x1900  }
0x16e: {  	vm12 =	vmmov vm13;
	v8 =	vmov s16;
	s16 =	sshra.s32 s15, $0x5;
	s17 =	sshrl.u32 s3, $0x1F;
	[tilespmem:v7+s22+$0x0] =	vst.idx.msk $0xffff, v6;
	s22 =	sld [smem:$0x7B7]  }
0x16f: {  	vm13 =	vmmov vm14;
	vm14 =	vmmov vm15;
	vm15 =	vmmov vm3;
	s3 =	sshra.s32 s3, $0x5;
	v6 =	vld [tilespmem:s12+$0xFFFFFFF0];
	s12 =	sadd.s32 s24, s8;
	s8 =	sld [smem:$0x7B8]  }
0x170: {  	vm3 =	vmmov vm4;
	vm4 =	vmmov vm5;
	v9 =	vmov s17;
	s17 =	sshrl.u32 s0, $0x1F;
	s0 =	sshra.s32 s0, $0x5;
	s20 =	sshra.s32 s12, $0x5  }
0x171: {  	vm5 =	vmmov vm6;
	vm9 =	vnez.u8 v10;
	s24 =	simm.s32 $0x1E00;
	s14 =	sadd.s32 s14, s22;
	v8 =	vsel vm3, s20, v8;
	s20 =	sshrl.u32 s10, $0x1F  }
0x172: {  	vm6 =	vmmov vm7;
	v10 =	vimm.s32 $0x0;
	vm10 =	vmmov vm9;
	s1 =	sadd.s32 s25, s8;
	s22 =	sshrl.u32 s14, $0x1F;
	s25 =	sshra.s32 s12, $0x1F  }
0x173: {  	vm7 =	vmmov vm8;
	vm8 =	vmmov vm0;
	v10 =	vsel vm10, $0xFFFFFFFF, v10;
	s12 =	sshrl.u32 s12, $0x1F;
	s14 =	sshra.s32 s14, $0x5;
	s8 =	sshra.s32 s18, $0x1F  }
0x174: {  	vm0 =	vmmov vm1;
	[tilespmem:$0x1FFF0] =	vst v10;
	v10 =	vmov s22;
	v8 =	vsel vm12, s25, v8;
	s22 =	sshra.s32 s15, $0x1F;
	s25 =	sshra.s32 s10, $0x5;
	s10 =	sshra.s32 s1, $0x5  }
0x175: {  	v62 =	vmov s12;
	v63 =	vmov s14;
	s14 =	sshrl.u32 s21, $0x1F;
	s12 =	sshra.s32 s13, $0x5;
	v8 =	vsel vm0, s16, v8;
	s16 =	rddreg [dreg:$0x1f]  }
0x176: {  	[tilespmem:v7+s24+$0x0] =	vst.idx.msk $0xffff, v6;
	v6 =	vsel vm0, s17, v9;
	v7 =	vsel vm0, s20, v10;
	s17 =	sshra.s32 s1, $0x1F;
	s20 =	sshrl.u32 s13, $0x1F;
	s1 =	sshrl.u32 s1, $0x1F  }
0x177: {  	vm1 =	vmmov vm2;
	v11 =	vmov s3;
	v8 =	vsel vm13, s22, v8;
	s9 =	sadd.s32 s9, s16;
	s22 =	sshra.s32 s21, $0x5;
	s21 =	smov.u32 s18  }
0x178: {  	v10 =	vsel vm0, s25, v63;
	v6 =	vsel vm1, s14, v6;
	v7 =	vsel vm1, s20, v7;
	s14 =	sshrl.u32 s11, $0x1F;
	s16 =	sshra.s32 s6, $0x5;
	s20 =	sshra.s32 s6, $0x1F  }
0x179: {  	v9 =	vsel vm0, s0, v11;
	v10 =	vsel vm1, s12, v10;
	s12 =	rddreg [dreg:$0x1d];
	v8 =	vsel vm1, s10, v8;
	s25 =	sshra.s32 s9, $0x5;
	s10 =	sshrl.u32 s15, $0x1F  }
0x17a: {  	vm2 =	vcmask $0x1B18;
	v9 =	vsel vm1, s22, v9;
	s13 =	sshra.s32 s9, $0x1F;
	s15 =	sshrl.u32 s31, $0x1F;
	s22 =	sshrl.u32 s9, $0x1F  }
0x17b: {  	v11 =	vnsel vm3, $0x0, v62;
	v6 =	vsel vm2, s14, v6;
	s9 =	sshra.s32 s4, $0x5;
	s14 =	rddreg [dreg:$0x19];
	v8 =	vsel vm14, s17, v8;
	s17 =	sshra.s32 s11, $0x5  }
0x17c: {  	v11 =	vsel vm0, s10, v11;
	s10 =	sshrl.u32 s6, $0x1F;
	s11 =	rddreg [dreg:$0x12];
	v8 =	vsel vm2, s25, v8;
	s25 =	sshra.s32 s31, $0x5  }
0x17d: {  	v11 =	vsel vm1, s1, v11;
	v9 =	vsel vm2, s17, v9;
	s31 =	rddreg [dreg:$0x8];
	s6 =	sadd.s32 s12, s11;
	s17 =	sshra.s32 s14, $0x1F  }
0x17e: {  	vm9 =	vcmask $0x2724;
	s12 =	rddreg [dreg:$0x18];
	v8 =	vsel vm15, s13, v8;
	v11 =	vsel vm2, s22, v11;
	s13 =	sshra.s32 s4, $0x1F;
	s22 =	sshra.s32 s6, $0x5  }
0x17f: {  	v7 =	vsel vm2, s15, v7;
	v10 =	vsel vm2, s25, v10;
	s3 =	smul.u32 $0x66666667, s17;
	s25 =	sshrl.u32 s6, $0x1F;
	s17 =	sshrl.u32 s7, $0x1F;
	v8 =	vsel vm4, s16, v8  }
0x180: {  	v6 =	vcombine.low v7, v6;
	v7 =	vsel vm4, s10, v11;
	v8 =	vsel vm9, s20, v8;
	s20 =	sshrl.u32 s4, $0x1F;
	s4 =	sshra.s32 s6, $0x1F;
	s6 =	rddreg [dreg:$0x15]  }
0x181: {  	vm10 =	vcmask $0x2F2C;
	s16 =	rddreg [dreg:$0x16];
	s10 =	sshra.s32 s12, $0x1F;
	v8 =	vsel vm5, s9, v8;
	v7 =	vsel vm5, s20, v7;
	s15 =	sshra.s32 s6, $0x1F  }
0x182: {  	s20 =	sshra.s32 s7, $0x5;
	v8 =	vsel vm10, s13, v8;
	v7 =	vsel vm6, s25, v7;
	s13 =	rddreg [dreg:$0x14];
	s25 =	smulhi.u32 $0x66666667, s14  }
0x183: {  	v9 =	vcombine.low v10, v9;
	s9 =	sshra.s32 s16, $0x1F;
	vm10 =	vcmask $0x3734;
	s14 =	smul.u32 $0x66666667, s15;
	s15 =	rddreg [dreg:$0x17];
	v8 =	vsel vm6, s22, v8  }
0x184: {  	s11 =	smulhi.u32 $0x66666667, s6;
	s22 =	sshra.s32 s13, $0x1F;
	v7 =	vsel vm7, s17, v7;
	s17 =	rddreg [dreg:$0x1a];
	v8 =	vsel vm10, s4, v8  }
0x185: {  	v6 =	vperm.xlane v6, v0;
	v9 =	vperm.xlane v9, v0;
	s4 =	sshra.s32 s15, $0x1F;
	s7 =	sadd.s32 s3, s25;
	s3 =	smul.u32 $0x66666667, s22;
	v8 =	vsel vm7, s20, v8  }
0x186: {  	v7 =	vperm.xlane v7, v1;
	s1 =	sshra.s32 s17, $0x1F;
	s25 =	smov.u32 s19;
	s22 =	smulhi.u32 $0x66666667, s13;
	v8 =	vperm.xlane v8, v1  }
0x187: {  	s0 =	sadd.s32 s14, s11;
	s13 =	smul.u32 $0x66666667, s9;
	[dreg:$0x11] =	wrdreg s7  }
0x188: {  	s20 =	sshra.s32 s7, $0x1F;
	s7 =	sshra.s32 s19, $0x1F;
	s19 =	smulhi.u32 $0x66666667, s16;
	v6 =	vsel vm8, v7, v6;
	v7 =	vsel vm8, v8, v9  }
0x189: {  	s9 =	sshra.s32 s23, $0x1F;
	s14 =	sshra.s32 s0, $0x5;
	s16 =	smul.u32 $0x66666667, s10;
	v6 =	vadd.s32 v6, v7  }
0x18a: {  	s18 =	sshra.s32 s0, $0x1F;
	s0 =	sshrl.u32 s0, $0x1F;
	v8 =	vmov s20;
	s20 =	smul.u32 $0x66666667, s4;
	v7 =	vmul.u32 $0xFFFFFFB0, v6  }
.Ltmp2:
0x18b: {  	s6 =	sadd.s32 s3, s22;
	s22 =	smov.u32 s23;
	v8 =	vsel vm3, s14, v8;
	(pc) =	sbr.rel @p1 .LBB2_2-.Ltmp2, $4  }
0x18c: {  	vm11 =	vlt.s32 v5, $0x1;
	s11 =	sshra.s32 s6, $0x5;
	s4 =	sadd.s32 s13, s19;
	s19 =	smulhi.u32 $0x66666667, s15;
	v8 =	vsel vm12, s18, v8;
	v9 =	vadd.s32 v5, v7  }
0x18d: {  	v10 =	vmov s0;
	s23 =	smov.u32 s17;
	s14 =	rddreg [dreg:$0x13];
	s18 =	sshra.s32 s6, $0x1F;
	v7 =	vsel vm0, s11, v8;
	vm10 =	vne.s32 v9, $0x0  }
0x18e: {  	s15 =	sshra.s32 s4, $0x5;
	s0 =	sadd.s32 s20, s19;
	s20 =	rddreg [dreg:$0xa];
	v11 =	vsel vm13, s18, v7;
	v7 =	vshll.u32 v9, $0x4;
	vm11 =	vmand vm11, vm10  }
0x18f: {  	s13 =	sshra.s32 s4, $0x1F;
	s3 =	sadd.s32 $0x20, s20;
	s11 =	smulhi.u32 $0x66666667, s12;
	vm10 =	vlt.s32 v9, $0x0;
	v9 =	vadd.s32 $0x500, v7;
	v8 =	vsel vm11, $0xFFFFFFFF, v2  }
0x190: {  	s3 =	smul.u32 $0x66666667, s8  }
0x191: {  	s1 =	smul.u32 $0x66666667, s1  }
0x192: {  	s12 =	smulhi.u32 $0x66666667, s21  }
0x193: {  	s10 =	smulhi.u32 $0x66666667, s23  }
0x194: {  	s7 =	smul.u32 $0x66666667, s7  }
0x195: {  	s9 =	smul.u32 $0x66666667, s9  }
0x196: {  	s17 =	smulhi.u32 $0x66666667, s25  }
0x197: {  	s19 =	smov.u32 s14;
	s20 =	sshra.s32 s14, $0x1F;
	s18 =	smulhi.u32 $0x66666667, s22  }
0x198: {  	s25 =	sshra.s32 s0, $0x1F;
	s23 =	rddreg [dreg:$0xe];
	s4 =	sshrl.u32 s4, $0x1F  }
0x199: {  	s14 =	smul.u32 $0x66666667, s20;
	s11 =	sadd.s32 s16, s11;
	s16 =	sshra.s32 s0, $0x5  }
0x19a: {  	v5 =	vsel vm1, s15, v11;
	s19 =	smulhi.u32 $0x66666667, s19;
	s20 =	sshrl.u32 s6, $0x1F;
	s6 =	rddreg [dreg:$0xd]  }
0x19b: {  	v5 =	vsel vm14, s13, v5;
	s13 =	smulhi.u32 $0x66666667, s23;
	s0 =	sshrl.u32 s0, $0x1F;
	s3 =	sadd.s32 s3, s12  }
0x19c: {  	s12 =	rddreg [dreg:$0xf];
	s10 =	sadd.s32 s1, s10;
	s7 =	sadd.s32 s7, s17  }
0x19d: {  	s17 =	sshra.s32 s23, $0x1F;
	s9 =	sadd.s32 s9, s18;
	s22 =	sshra.s32 s11, $0x5  }
0x19e: {  	s1 =	rddreg [dreg:$0xc];
	s21 =	sshra.s32 s12, $0x1F;
	s15 =	smul.u32 $0x66666667, s17  }
0x19f: {  	v5 =	vsel vm2, s16, v5;
	s16 =	sshra.s32 s11, $0x1F;
	[smem:$0x7B1] =	sst s22;
	s8 =	smul.u32 $0x66666667, s21  }
0x1a0: {  	s17 =	sshrl.u32 s10, $0x1F;
	s10 =	sshra.s32 s10, $0x5;
	s21 =	smulhi.u32 $0x66666667, s12  }
0x1a1: {  	s12 =	sadd.s32 s14, s19;
	s14 =	sshra.s32 s1, $0x1F;
	s1 =	smulhi.u32 $0x66666667, s1  }
0x1a2: {  	v10 =	vnsel vm3, $0x0, v10;
	s23 =	sshrl.u32 s7, $0x1F;
	s19 =	sshra.s32 s6, $0x1F;
	s14 =	smul.u32 $0x66666667, s14  }
0x1a3: {  	v10 =	vsel vm0, s20, v10;
	v5 =	vsel vm15, s25, v5;
	s7 =	sshra.s32 s7, $0x5;
	s25 =	sld [smem:$0x7B1];
	s20 =	smul.u32 $0x66666667, s19  }
0x1a4: {  	s19 =	sshrl.u32 s9, $0x1F;
	s9 =	sshra.s32 s9, $0x5;
	s13 =	sadd.s32 s15, s13  }
0x1a5: {  	v10 =	vsel vm1, s4, v10;
	v12 =	vmov s17;
	v14 =	vmov s10;
	s15 =	sshra.s32 s12, $0x5;
	s18 =	sadd.s32 s8, s21;
	s21 =	sshrl.u32 s3, $0x1F  }
0x1a6: {  	v10 =	vsel vm2, s0, v10;
	s3 =	sshra.s32 s3, $0x5;
	s8 =	rddreg [dreg:$0xb];
	v12 =	vsel vm0, s19, v12;
	v14 =	vsel vm0, s9, v14;
	s10 =	sshrl.u32 s13, $0x1F  }
0x1a7: {  	s19 =	sshra.s32 s12, $0x1F;
	s22 =	sshra.s32 s8, $0x1F;
	v5 =	vsel vm4, s25, v5;
	v56 =	vmov s21;
	v13 =	vmov s3;
	s21 =	smulhi.u32 $0x66666667, s6  }
0x1a8: {  	s25 =	sshrl.u32 s18, $0x1F;
	v12 =	vsel vm1, s10, v12;
	s17 =	sshra.s32 s18, $0x5;
	s3 =	sshra.s32 s13, $0x5;
	v5 =	vsel vm9, s16, v5;
	v11 =	vsel vm0, s23, v56  }
0x1a9: {  	s18 =	smulhi.u32 $0x66666667, s8;
	s23 =	sadd.s32 s14, s1;
	v13 =	vsel vm0, s7, v13;
	s16 =	sshrl.u32 s11, $0x1F;
	v14 =	vsel vm1, s3, v14;
	vm9 =	vcmask $0x2F2C  }
0x1aa: {  	s1 =	smul.u32 $0x66666667, s22;
	s9 =	sadd.s32 s20, s21;
	v5 =	vsel vm5, s15, v5;
	v11 =	vsel vm1, s25, v11;
	v10 =	vsel vm4, s16, v10;
	s20 =	sshrl.u32 s23, $0x1F  }
0x1ab: {  	v13 =	vsel vm1, s17, v13;
	s23 =	sshra.s32 s23, $0x5;
	s25 =	sshrl.u32 s12, $0x1F;
	s21 =	sshrl.u32 s9, $0x1F;
	v5 =	vsel vm9, s19, v5;
	v11 =	vsel vm2, s20, v11  }
0x1ac: {  	s22 =	sadd.s32 s1, s18;
	s0 =	sshra.s32 s9, $0x5;
	v13 =	vsel vm2, s23, v13;
	v10 =	vsel vm5, s25, v10;
	v12 =	vsel vm2, s21, v12  }
0x1ad: {  	s8 =	rddreg [dreg:$0x11];
	vm9 =	vcmask $0x3734;
	v57 =	vsel vm2, s0, v14;
	s4 =	sshra.s32 s22, $0x5;
	s6 =	sshrl.u32 s22, $0x1F;
	v11 =	vcombine.low v12, v11  }
0x1ae: {  	s9 =	sshrl.u32 s8, $0x1F;
	s7 =	sshra.s32 s22, $0x1F;
	v12 =	vcombine.low v57, v13;
	v5 =	vsel vm6, s4, v5;
	v10 =	vsel vm6, s6, v10  }
0x1af: {  	s10 =	sshra.s32 s8, $0x5;
	v5 =	vsel vm9, s7, v5;
	v10 =	vsel vm7, s9, v10  }
0x1b0: {  	v11 =	vperm.xlane v11, v0;
	v12 =	vperm.xlane v12, v0;
	v5 =	vsel vm7, s10, v5  }
0x1b1: {  	v10 =	vperm.xlane v10, v1;
	v5 =	vperm.xlane v5, v1;
	_ =	sdelay $0x1  }
0x1b2: {  	v58 =	vld [tilespmem:$0x1FFF0];
	v10 =	vsel vm8, v10, v11;
	v5 =	vsel vm8, v5, v12  }
0x1b3: {  	v5 =	vadd.s32 v10, v5  }
0x1b4: {  	v10 =	vmul.u32 $0xFFFFFFB0, v5  }
0x1b5: {  	v7 =	vsel vm10, v9, v7;
	v6 =	vadd.s32 v8, v6;
	s11 =	sadd.s32 $0x20, s31  }
0x1b6: {  	v6 =	vadd.s32 v7, v6;
	v61 =	vld [tilespmem:s11+$0x0];
	v4 =	vadd.s32 v4, v10  }
0x1b7: {  	vm11 =	vmmov vm9;
	vm9 =	vnez.u8 v58;
	vm10 =	vne.s32 v4, $0x0  }
0x1b8: {  	v59 =	vshll.u32 v4, $0x4;
	vm9 =	vmand vm9, vm10  }
0x1b9: {  	v60 =	vsel vm9, $0xFFFFFFFF, v2;
	vm9 =	vlt.s32 v4, $0x0;
	v4 =	vadd.s32 $0x500, v59  }
0x1ba: {  	s12 =	simm.s32 $0x1400;
	v4 =	vsel vm9, v4, v59;
	v5 =	vadd.s32 v60, v5  }
0x1bb: {  	v62 =	vld [tilespmem:s11+$0xFFFFFFF0];
	[tilespmem:v6+s12+$0x0] =	vst.idx.msk $0xffff, v61;
	v4 =	vadd.s32 v4, v5  }
0x1bc: {  	s13 =	rddreg [dreg:$0x7]  }
0x1bd: {  	s0 =	sadd.s32 $0x20, s13  }
0x1be: {  	v5 =	vld [tilespmem:s0+$0x0];
	_ =	sdelay $0x1  }
0x1bf: {  	[tilespmem:v4+s12+$0x0] =	vst.idx.msk $0xffff, v62  }
0x1c0: {  	v63 =	vld [tilespmem:s0+$0xFFFFFFF0]  }
0x1c1: {  	s14 =	simm.s32 $0x1900  }
0x1c2: {  	[tilespmem:v6+s14+$0x0] =	vst.idx.msk $0xffff, v5  }
0x1c3: {  	s15 =	rddreg [dreg:$0x10]  }
0x1c4: {  	s0 =	sadd.s32 $0x20, s15  }
0x1c5: {  	v5 =	vld [tilespmem:s0+$0x0];
	[tilespmem:v4+s14+$0x0] =	vst.idx.msk $0xffff, v63  }
0x1c6: {  	v7 =	vld [tilespmem:s0+$0xFFFFFFF0];
	_ =	sdelay $0x2  }
0x1c7: {  	s16 =	simm.s32 $0x0  }
0x1c8: {  	s17 =	sand.u32 $0x40, s16;
	s1 =	sand.u32 $0x3E00, s16;
	[tilespmem:v6+s24+$0x0] =	vst.idx.msk $0xffff, v5  }
0x1c9: {  	s0 =	sor.u32 s17, s1;
	[tilespmem:v4+s24+$0x0] =	vst.idx.msk $0xffff, v7  }
0x1ca: {  	[tilespmem:s0+$0x12300] =	vst v3  }
0x1cb: {  	[tilespmem:s0+$0x12380] =	vst v3  }
0x1cc: {  	s1 =	simm.s32 $0x1;
	[tilespmem:s0+$0x123B0] =	vst v3  }
0x1cd: {  	s1 =	simm.s32 @!p0 $0x0;
	[tilespmem:s0+$0x12390] =	vst v3  }
0x1ce: {  	s1 =	sshll.u32 s1, $0x6;
	[tilespmem:s0+$0x123A0] =	vst v3  }
0x1cf: {  	s1 =	sadd.s32 $0x0, s1;
	[tilespmem:s0+$0x12330] =	vst v3  }
0x1d0: {  	s18 =	sadd.s32 $0x10, s1;
	[tilespmem:s0+$0x12310] =	vst v3  }
0x1d1: {  	s20 =	sadd.s32 $0x30, s1;
	s19 =	sor.u32 $0x100, s18;
	[tilespmem:s0+$0x12320] =	vst v3  }
0x1d2: {  	s23 =	sadd.s32 $0x20, s1;
	s21 =	sor.u32 $0x100, s20;
	[tilespmem:s19+$0x12300] =	vst v3  }
0x1d3: {  	s24 =	sor.u32 $0x100, s23;
	[tilespmem:s21+$0x12300] =	vst v3  }
0x1d4: {  	s4 =	sor.u32 $0x100, s1;
	[tilespmem:s24+$0x12300] =	vst v3  }
0x1d5: {  	s3 =	sor.u32 $0x180, s18;
	[tilespmem:s4+$0x12300] =	vst v3  }
0x1d6: {  	s22 =	sor.u32 $0x180, s20;
	[tilespmem:s3+$0x12300] =	vst v3  }
0x1d7: {  	s25 =	sor.u32 $0x180, s23;
	[tilespmem:s22+$0x12300] =	vst v3  }
0x1d8: {  	s6 =	sor.u32 $0x180, s1;
	[tilespmem:s25+$0x12300] =	vst v3  }
0x1d9: {  	[tilespmem:s6+$0x12300] =	vst v3  }
0x1da: {  	[tilespmem:s0+$0x16310] =	vst v3  }
0x1db: {  	[tilespmem:s0+$0x16390] =	vst v3  }
0x1dc: {  	[tilespmem:s0+$0x16330] =	vst v3  }
0x1dd: {  	[tilespmem:s0+$0x163B0] =	vst v3  }
0x1de: {  	[tilespmem:s0+$0x16320] =	vst v3  }
0x1df: {  	[tilespmem:s0+$0x163A0] =	vst v3  }
0x1e0: {  	[tilespmem:s0+$0x16300] =	vst v3  }
0x1e1: {  	[tilespmem:s19+$0x16300] =	vst v3  }
0x1e2: {  	[tilespmem:s21+$0x16300] =	vst v3  }
0x1e3: {  	[tilespmem:s24+$0x16300] =	vst v3  }
0x1e4: {  	[tilespmem:s22+$0x16300] =	vst v3  }
0x1e5: {  	s31 =	simm.s32 $0x0;
	s7 =	simm.s32 $0x0;
	[tilespmem:s3+$0x16300] =	vst v3  }
0x1e6: {  	p0 =	por !p0, !p0;
	s1 =	simm.s32 $0x0;
	[tilespmem:s25+$0x16300] =	vst v3;
	s3 =	simm.s32 $0x40  }
.LBB2_4:
0x1e7: {  	s8 =	simm.s32 $0x1  }
0x1e8: {  	s1 =	sadd.s32 $0x4, s1;
	[tilespmem:s0+$0x16380] =	vst v3;
	s7 =	sadd.s32 $0x100, s7;
	s8 =	simm.s32 @!p0 $0x0  }
0x1e9: {  	s9 =	sand.u32 $0x3E00, s7;
	s0 =	sshll.u32 s8, $0x6;
	s8 =	sand.u32 $0x40, s3;
	[tilespmem:s4+$0x16300] =	vst v3  }
0x1ea: {  	p1 =	slt.u32 s1, $0xFC;
	s10 =	sadd.s32 s0, s7;
	s0 =	sor.u32 s8, s9;
	[tilespmem:s6+$0x16300] =	vst v3  }
0x1eb: {  	[tilespmem:s0+$0x12300] =	vst v3;
	s8 =	sadd.s32 $0x10, s10;
	s9 =	sadd.s32 $0x20, s10;
	s11 =	sadd.s32 $0x30, s10  }
0x1ec: {  	s4 =	sor.u32 $0x100, s10;
	[tilespmem:s0+$0x12380] =	vst v3;
	s12 =	sor.u32 $0x100, s8  }
0x1ed: {  	s6 =	sor.u32 $0x180, s10;
	s10 =	sor.u32 $0x100, s9;
	[tilespmem:s4+$0x12300] =	vst v3  }
0x1ee: {  	s13 =	sor.u32 $0x100, s11;
	[tilespmem:s6+$0x12300] =	vst v3  }
0x1ef: {  	[tilespmem:s0+$0x123B0] =	vst v3  }
0x1f0: {  	s11 =	sor.u32 $0x180, s11;
	[tilespmem:s0+$0x12390] =	vst v3  }
0x1f1: {  	s9 =	sor.u32 $0x180, s9;
	[tilespmem:s0+$0x123A0] =	vst v3  }
0x1f2: {  	s8 =	sor.u32 $0x180, s8;
	[tilespmem:s0+$0x12330] =	vst v3  }
0x1f3: {  	[tilespmem:s0+$0x12310] =	vst v3  }
0x1f4: {  	[tilespmem:s12+$0x12300] =	vst v3  }
0x1f5: {  	[tilespmem:s8+$0x12300] =	vst v3  }
0x1f6: {  	[tilespmem:s0+$0x16310] =	vst v3  }
0x1f7: {  	[tilespmem:s0+$0x16390] =	vst v3  }
0x1f8: {  	[tilespmem:s12+$0x16300] =	vst v3  }
0x1f9: {  	[tilespmem:s13+$0x12300] =	vst v3  }
0x1fa: {  	[tilespmem:s0+$0x12320] =	vst v3  }
0x1fb: {  	[tilespmem:s10+$0x12300] =	vst v3  }
0x1fc: {  	[tilespmem:s11+$0x12300] =	vst v3  }
0x1fd: {  	[tilespmem:s0+$0x16330] =	vst v3  }
0x1fe: {  	[tilespmem:s0+$0x163B0] =	vst v3  }
0x1ff: {  	[tilespmem:s13+$0x16300] =	vst v3  }
0x200: {  	[tilespmem:s9+$0x12300] =	vst v3  }
0x201: {  	[tilespmem:s0+$0x16320] =	vst v3  }
0x202: {  	[tilespmem:s0+$0x163A0] =	vst v3  }
.Ltmp3:
0x203: {  	[tilespmem:s10+$0x16300] =	vst v3;
	(pc) =	sbr.rel @p1 .LBB2_4-.Ltmp3, $4  }
0x204: {  	[tilespmem:s11+$0x16300] =	vst v3  }
0x205: {  	[tilespmem:s8+$0x16300] =	vst v3  }
0x206: {  	[tilespmem:s9+$0x16300] =	vst v3  }
0x207: {  	p0 =	por !p0, !p0;
	s3 =	sadd.s32 $0x40, s3;
	[tilespmem:s0+$0x16300] =	vst v3  }
0x208: {  	[tilespmem:s0+$0x16380] =	vst v3  }
0x209: {  	[tilespmem:s4+$0x16300] =	vst v3  }
0x20a: {  	[tilespmem:s6+$0x16300] =	vst v3;
	s6 =	rddreg [dreg:$0x5]  }
0x20b: {  	s8 =	sld [smem:$0x7F7]  }
0x20c: {  	s10 =	sld [smem:$0x7F8]  }
0x20d: {  	s11 =	sld [smem:$0x7F9]  }
0x20e: {  	s16 =	simm.s32 $0x200;
	s17 =	simm.s32 $0x400;
	s12 =	sld [smem:$0x7FA]  }
0x20f: {  	s19 =	simm.s32 $0x1;
	s21 =	simm.s32 $0x2;
	s13 =	sld [smem:$0x7FB]  }
0x210: {  	s22 =	simm.s32 $0x5;
	s23 =	simm.s32 $0x3;
	s14 =	sld [smem:$0x7FC]  }
0x211: {  	vm9 =	vcmask $0x2724;
	vm10 =	vcmask $0x2F2C;
	s24 =	simm.s32 $0x6;
	s25 =	simm.s32 $0x4;
	s15 =	sld [smem:$0x7FD]  }
.LBB2_6:
0x212: {  	p0 =	seq.s32 s31, $0x0  }
.Ltmp4:
0x213: {  	_ = 	snop;
	(pc) =	sbr.rel @p0 .LBB2_10-.Ltmp4, $1  }
0x214: {  	_ =	sdelay $0x3  }
0x215: {  	_ =	swait.ge [sflag:s22], $0x4000  }
0x216: {  	[sflag:s22] =	ssyncset.done $0x0  }
0x217: {  	s0 =	simm.s32 $0x1940;
	[sflag:s22] =	ssyncadd.s32 $0xFFFFC000  }
0x218: {  	v4 =	vld [tilespmem:s0+$0xFFFFFFF0]  }
0x219: {  	v5 =	vld [tilespmem:s0+$0x0]  }
0x21a: {  	v6 =	vld [tilespmem:s0+$0x30]  }
0x21b: {  	v7 =	vld [tilespmem:s0+$0x20];
	_ =	sdelay $0x3  }
0x21c: {  	v8 =	vshll.u32 v4, $0x2;
	v9 =	vshll.u32 v6, $0x2;
	v10 =	vshll.u32 v5, $0x2  }
0x21d: {  	v12 =	vld [tilespmem:s0+$0xFFFFFFD0];
	v11 =	vshll.u32 v7, $0x2;
	v5 =	vand.u32 $0x7F, v5;
	v10 =	vand.u32 $0xFFFFFE00, v10  }
0x21e: {  	v6 =	vand.u32 $0x7F, v6;
	v9 =	vand.u32 $0xFFFFFE00, v9;
	v5 =	vor.u32 v5, v10  }
0x21f: {  	v4 =	vand.u32 $0x7F, v4;
	v8 =	vand.u32 $0xFFFFFE00, v8;
	v9 =	vor.u32 v6, v9  }
0x220: {  	v7 =	vand.u32 $0x7F, v7;
	v10 =	vand.u32 $0xFFFFFE00, v11;
	v4 =	vor.u32 v4, v8  }
0x221: {  	v7 =	vor.u32 v7, v10  }
0x222: {  	v6 =	vshll.u32 v12, $0x2;
	v10 =	vld [tilespmem:s0+$0xFFFFFFC0];
	v8 =	vor.u32 $0x80, v5  }
0x223: {  	v12 =	vand.u32 $0x7F, v12;
	v6 =	vand.u32 $0xFFFFFE00, v6;
	v11 =	vor.u32 $0x80, v7;
	[tilespmem:v5+s2+$0x0] =	vst.idx.msk $0xffff, v3  }
0x224: {  	v6 =	vor.u32 v12, v6;
	[tilespmem:v9+s2+$0x0] =	vst.idx.msk $0xffff, v3  }
0x225: {  	v13 =	vor.u32 $0x100, v7;
	[tilespmem:v4+s2+$0x0] =	vst.idx.msk $0xffff, v3  }
0x226: {  	v15 =	vld [tilespmem:s0+$0xFFFFFFE0];
	v12 =	vor.u32 $0x80, v9;
	[tilespmem:v7+s2+$0x0] =	vst.idx.msk $0xffff, v3  }
0x227: {  	v19 =	vor.u32 $0x180, v7;
	v14 =	vshll.u32 v10, $0x2;
	[tilespmem:v8+s2+$0x0] =	vst.idx.msk $0xffff, v3;
	v8 =	vld [tilespmem:s0+$0x10]  }
0x228: {  	v10 =	vand.u32 $0x7F, v10;
	v14 =	vand.u32 $0xFFFFFE00, v14;
	[tilespmem:v11+s2+$0x0] =	vst.idx.msk $0xffff, v3;
	v11 =	vor.u32 $0x100, v9  }
0x229: {  	[tilespmem:v6+s2+$0x0] =	vst.idx.msk $0xffff, v3;
	v14 =	vor.u32 v10, v14  }
0x22a: {  	[tilespmem:v13+s2+$0x0] =	vst.idx.msk $0xffff, v3;
	v13 =	vor.u32 $0x100, v5  }
0x22b: {  	v18 =	vor.u32 $0x100, v6;
	[tilespmem:v12+s2+$0x0] =	vst.idx.msk $0xffff, v3;
	v10 =	vor.u32 $0x80, v6  }
0x22c: {  	v12 =	vshll.u32 v15, $0x2;
	v17 =	vor.u32 $0x80, v14;
	[tilespmem:v19+s2+$0x0] =	vst.idx.msk $0xffff, v3;
	v16 =	vshll.u32 v8, $0x2  }
0x22d: {  	v15 =	vand.u32 $0x7F, v15;
	v8 =	vand.u32 $0x7F, v8;
	v7 =	vand.u32 $0xFFFFFE00, v16;
	[tilespmem:v11+s2+$0x0] =	vst.idx.msk $0xffff, v3  }
0x22e: {  	v16 =	vor.u32 $0x100, v14;
	[tilespmem:v14+s2+$0x0] =	vst.idx.msk $0xffff, v3;
	v8 =	vor.u32 v8, v7;
	v7 =	vand.u32 $0xFFFFFE00, v12  }
0x22f: {  	[tilespmem:v13+s2+$0x0] =	vst.idx.msk $0xffff, v3;
	v13 =	vor.u32 v15, v7  }
0x230: {  	v5 =	vor.u32 $0x180, v5;
	v11 =	vor.u32 $0x180, v9;
	[tilespmem:v10+s2+$0x0] =	vst.idx.msk $0xffff, v3;
	v15 =	vor.u32 $0x80, v13  }
0x231: {  	v9 =	vor.u32 $0x180, v14;
	v10 =	vor.u32 $0x80, v8;
	[tilespmem:v17+s2+$0x0] =	vst.idx.msk $0xffff, v3;
	v7 =	vor.u32 $0x100, v8  }
0x232: {  	s1 =	simm.s32 $0x19C0;
	s0 =	simm.s32 $0x0;
	[tilespmem:v18+s2+$0x0] =	vst.idx.msk $0xffff, v3;
	v17 =	vor.u32 $0x80, v4;
	v14 =	vor.u32 $0x100, v13;
	v12 =	vor.u32 $0x180, v13  }
.LBB2_8:
0x233: {  	v18 =	vld [tilespmem:s1+$0xFFFFFFF0];
	s0 =	sadd.s32 $0x8, s0;
	[tilespmem:v16+s2+$0x0] =	vst.idx.msk $0xffff, v3  }
0x234: {  	v16 =	vld [tilespmem:s1+$0x0];
	p0 =	slt.u32 s0, $0x48;
	[tilespmem:v13+s2+$0x0] =	vst.idx.msk $0xffff, v3  }
0x235: {  	v13 =	vld [tilespmem:s1+$0x30];
	[tilespmem:v15+s2+$0x0] =	vst.idx.msk $0xffff, v3  }
0x236: {  	v15 =	vld [tilespmem:s1+$0x20];
	[tilespmem:v8+s2+$0x0] =	vst.idx.msk $0xffff, v3  }
0x237: {  	v19 =	vld [tilespmem:s1+$0xFFFFFFD0];
	[tilespmem:v17+s2+$0x0] =	vst.idx.msk $0xffff, v3  }
0x238: {  	v21 =	vor.u32 $0x100, v4;
	v17 =	vld [tilespmem:s1+$0xFFFFFFC0];
	v20 =	vshll.u32 v18, $0x2;
	[tilespmem:v11+s2+$0x0] =	vst.idx.msk $0xffff, v3  }
0x239: {  	v8 =	vor.u32 $0x180, v8;
	v11 =	vld [tilespmem:s1+$0xFFFFFFE0];
	v20 =	vand.u32 $0xFFFFFE00, v20;
	[tilespmem:v14+s2+$0x0] =	vst.idx.msk $0xffff, v3;
	v14 =	vor.u32 $0x180, v4  }
0x23a: {  	v6 =	vor.u32 $0x180, v6;
	v22 =	vand.u32 $0x7F, v13;
	v4 =	vshll.u32 v13, $0x2;
	[tilespmem:v10+s2+$0x0] =	vst.idx.msk $0xffff, v3  }
0x23b: {  	v10 =	vld [tilespmem:s1+$0x10];
	v13 =	vand.u32 $0x7F, v15;
	v15 =	vshll.u32 v15, $0x2;
	v23 =	vand.u32 $0xFFFFFE00, v4;
	[tilespmem:v5+s2+$0x0] =	vst.idx.msk $0xffff, v3  }
0x23c: {  	v4 =	vand.u32 $0x7F, v18;
	v5 =	vshll.u32 v16, $0x2;
	v24 =	vand.u32 $0x7F, v19;
	[tilespmem:v12+s2+$0x0] =	vst.idx.msk $0xffff, v3  }
0x23d: {  	v16 =	vand.u32 $0x7F, v16;
	v12 =	vshll.u32 v19, $0x2;
	v5 =	vand.u32 $0xFFFFFE00, v5;
	[tilespmem:v21+s2+$0x0] =	vst.idx.msk $0xffff, v3  }
0x23e: {  	v4 =	vor.u32 v4, v20;
	v16 =	vor.u32 v16, v5;
	v5 =	vand.u32 $0xFFFFFE00, v15;
	[tilespmem:v9+s2+$0x0] =	vst.idx.msk $0xffff, v3  }
0x23f: {  	v9 =	vshll.u32 v11, $0x2;
	v15 =	vor.u32 $0x80, v16;
	v18 =	vor.u32 v13, v5;
	[tilespmem:v6+s2+$0x0] =	vst.idx.msk $0xffff, v3  }
0x240: {  	v19 =	vor.u32 $0x100, v16;
	v13 =	vor.u32 v22, v23;
	v6 =	vshll.u32 v10, $0x2;
	[tilespmem:v14+s2+$0x0] =	vst.idx.msk $0xffff, v3  }
0x241: {  	v5 =	vor.u32 $0x180, v16;
	v14 =	vor.u32 $0x80, v13;
	v6 =	vand.u32 $0xFFFFFE00, v6;
	[tilespmem:v7+s2+$0x0] =	vst.idx.msk $0xffff, v3  }
0x242: {  	v20 =	vand.u32 $0x7F, v11;
	v10 =	vand.u32 $0x7F, v10;
	v7 =	vand.u32 $0x7F, v17;
	[tilespmem:v8+s2+$0x0] =	vst.idx.msk $0xffff, v3  }
0x243: {  	v11 =	vand.u32 $0xFFFFFE00, v12;
	v12 =	vor.u32 $0x80, v18;
	v8 =	vor.u32 v10, v6;
	[tilespmem:v16+s2+$0x0] =	vst.idx.msk $0xffff, v3  }
0x244: {  	v10 =	vshll.u32 v17, $0x2;
	v6 =	vor.u32 v24, v11;
	v16 =	vor.u32 $0x100, v18;
	[tilespmem:v18+s2+$0x0] =	vst.idx.msk $0xffff, v3  }
0x245: {  	v11 =	vor.u32 $0x180, v13;
	v10 =	vand.u32 $0xFFFFFE00, v10;
	[tilespmem:v13+s2+$0x0] =	vst.idx.msk $0xffff, v3  }
0x246: {  	v21 =	vor.u32 $0x100, v13;
	v17 =	vor.u32 v7, v10;
	[tilespmem:v4+s2+$0x0] =	vst.idx.msk $0xffff, v3  }
0x247: {  	[tilespmem:v15+s2+$0x0] =	vst.idx.msk $0xffff, v3  }
0x248: {  	v22 =	vor.u32 $0x80, v6;
	v7 =	vand.u32 $0xFFFFFE00, v9;
	v10 =	vor.u32 $0x80, v8;
	[tilespmem:v12+s2+$0x0] =	vst.idx.msk $0xffff, v3  }
0x249: {  	v13 =	vor.u32 v20, v7;
	[tilespmem:v16+s2+$0x0] =	vst.idx.msk $0xffff, v3  }
0x24a: {  	v23 =	vor.u32 $0x100, v6;
	v20 =	vor.u32 $0x80, v17;
	v16 =	vor.u32 $0x100, v17;
	[tilespmem:v6+s2+$0x0] =	vst.idx.msk $0xffff, v3  }
0x24b: {  	v18 =	vor.u32 $0x180, v18;
	v7 =	vor.u32 $0x100, v8;
	v15 =	vor.u32 $0x80, v13;
	[tilespmem:v14+s2+$0x0] =	vst.idx.msk $0xffff, v3  }
0x24c: {  	[tilespmem:v17+s2+$0x0] =	vst.idx.msk $0xffff, v3  }
0x24d: {  	[tilespmem:v22+s2+$0x0] =	vst.idx.msk $0xffff, v3  }
.Ltmp5:
0x24e: {  	v9 =	vor.u32 $0x180, v17;
	v14 =	vor.u32 $0x100, v13;
	[tilespmem:v21+s2+$0x0] =	vst.idx.msk $0xffff, v3;
	(pc) =	sbr.rel @p0 .LBB2_8-.Ltmp5, $4  }
0x24f: {  	v12 =	vor.u32 $0x180, v13;
	[tilespmem:v19+s2+$0x0] =	vst.idx.msk $0xffff, v3  }
0x250: {  	[tilespmem:v20+s2+$0x0] =	vst.idx.msk $0xffff, v3  }
0x251: {  	[tilespmem:v23+s2+$0x0] =	vst.idx.msk $0xffff, v3  }
0x252: {  	s1 =	sadd.s32 $0x80, s1;
	v17 =	vor.u32 $0x80, v4;
	[tilespmem:v18+s2+$0x0] =	vst.idx.msk $0xffff, v3  }
0x253: {  	_ =	sdelay $0x3  }
0x254: {  	[tilespmem:v16+s2+$0x0] =	vst.idx.msk $0xffff, v3  }
0x255: {  	[tilespmem:v13+s2+$0x0] =	vst.idx.msk $0xffff, v3  }
0x256: {  	[tilespmem:v8+s2+$0x0] =	vst.idx.msk $0xffff, v3  }
0x257: {  	[tilespmem:v17+s2+$0x0] =	vst.idx.msk $0xffff, v3  }
0x258: {  	[tilespmem:v11+s2+$0x0] =	vst.idx.msk $0xffff, v3  }
0x259: {  	[tilespmem:v5+s2+$0x0] =	vst.idx.msk $0xffff, v3  }
0x25a: {  	[tilespmem:v15+s2+$0x0] =	vst.idx.msk $0xffff, v3  }
0x25b: {  	v63 =	vor.u32 $0x100, v4;
	[tilespmem:v10+s2+$0x0] =	vst.idx.msk $0xffff, v3  }
0x25c: {  	v6 =	vor.u32 $0x180, v6;
	[tilespmem:v9+s2+$0x0] =	vst.idx.msk $0xffff, v3  }
0x25d: {  	v5 =	vor.u32 $0x180, v8;
	[tilespmem:v14+s2+$0x0] =	vst.idx.msk $0xffff, v3  }
0x25e: {  	v4 =	vor.u32 $0x180, v4;
	[tilespmem:v7+s2+$0x0] =	vst.idx.msk $0xffff, v3  }
0x25f: {  	[tilespmem:v12+s2+$0x0] =	vst.idx.msk $0xffff, v3  }
0x260: {  	[tilespmem:v63+s2+$0x0] =	vst.idx.msk $0xffff, v3  }
0x261: {  	[tilespmem:v6+s2+$0x0] =	vst.idx.msk $0xffff, v3  }
0x262: {  	[tilespmem:v5+s2+$0x0] =	vst.idx.msk $0xffff, v3  }
0x263: {  	[tilespmem:v4+s2+$0x0] =	vst.idx.msk $0xffff, v3  }
.LBB2_10:
0x264: {  	_ =	swait.ge [sflag:s19], $0x4000  }
0x265: {  	[sflag:s19] =	ssyncset.done $0x0  }
0x266: {  	s0 =	simm.s32 $0x1440;
	[sflag:s19] =	ssyncadd.s32 $0xFFFFC000  }
0x267: {  	v4 =	vld [tilespmem:s0+$0x30]  }
0x268: {  	v5 =	vld [tilespmem:s0+$0xFFFFFFD0]  }
0x269: {  	v6 =	vld [tilespmem:s0+$0xFFFFFFE0]  }
0x26a: {  	v7 =	vld [tilespmem:s0+$0xFFFFFFF0]  }
0x26b: {  	v8 =	vld [tilespmem:s0+$0x0]  }
0x26c: {  	v9 =	vld [tilespmem:s0+$0x10]  }
0x26d: {  	v11 =	vld [tilespmem:s0+$0x20]  }
0x26e: {  	s7 =	simm.s32 $0x1940;
	v12 =	vld [tilespmem:s0+$0xFFFFFFC0]  }
0x26f: {  	v14 =	vld [tilespmem:s7+$0xFFFFFFC0]  }
0x270: {  	v15 =	vld [tilespmem:s7+$0xFFFFFFD0];
	v10 =	vshll.u32 v4, $0x2;
	v4 =	vand.u32 $0x7F, v4  }
0x271: {  	s9 =	simm.s32 $0x1E40;
	v16 =	vld [tilespmem:s7+$0xFFFFFFE0];
	v45 =	vshll.u32 v5, $0x2;
	v13 =	vshll.u32 v6, $0x2;
	v5 =	vand.u32 $0x7F, v5  }
0x272: {  	v20 =	vld [tilespmem:s9+$0x30];
	v21 =	vshll.u32 v7, $0x2;
	v23 =	vand.u32 $0x7F, v6;
	v27 =	vshll.u32 v8, $0x2  }
0x273: {  	v22 =	vld [tilespmem:s7+$0xFFFFFFF0];
	v29 =	vand.u32 $0x7F, v7;
	v50 =	vshll.u32 v9, $0x2;
	v51 =	vand.u32 $0x7F, v8  }
0x274: {  	v24 =	vld [tilespmem:s7+$0x0];
	v53 =	vshll.u32 v11, $0x2;
	v54 =	vand.u32 $0x7F, v9;
	v11 =	vand.u32 $0x7F, v11  }
0x275: {  	v26 =	vld [tilespmem:s7+$0x10];
	v31 =	vshll.u32 v14, $0x2;
	v33 =	vshll.u32 v15, $0x2;
	v10 =	vand.u32 $0xFFFFFE00, v10  }
0x276: {  	v28 =	vld [tilespmem:s7+$0x20];
	v35 =	vshll.u32 v16, $0x2;
	v19 =	vand.u32 $0xFFFFFE00, v13;
	v17 =	vor.u32 v4, v10  }
0x277: {  	v40 =	vand.u32 $0x7F, v14;
	v21 =	vand.u32 $0xFFFFFE00, v21;
	v4 =	vld [tilespmem:s7+$0x30];
	v7 =	vor.u32 v23, v19  }
0x278: {  	v41 =	vand.u32 $0x7F, v15;
	v14 =	vld [tilespmem:s9+$0xFFFFFFF0];
	v49 =	vand.u32 $0xFFFFFE00, v27;
	v8 =	vor.u32 v29, v21  }
0x279: {  	v15 =	vld [tilespmem:s9+$0x0];
	v55 =	vand.u32 $0xFFFFFE00, v53;
	v31 =	vand.u32 $0xFFFFFE00, v31;
	v9 =	vor.u32 v51, v49  }
0x27a: {  	v11 =	vor.u32 v11, v55;
	v31 =	vor.u32 v40, v31;
	v40 =	vand.u32 $0x7F, v16;
	v16 =	vld [tilespmem:s9+$0x10]  }
0x27b: {  	v6 =	vshll.u32 v12, $0x2;
	v36 =	vshll.u32 v22, $0x2;
	v63 =	vshll.u32 v24, $0x2;
	v18 =	vld.idx.msk [tilespmem:v17+s26+$0x0], $0xffff  }
0x27c: {  	v22 =	vand.u32 $0x7F, v22;
	v24 =	vand.u32 $0x7F, v24;
	v46 =	vshll.u32 v4, $0x2;
	v58 =	vld.idx.msk [tilespmem:v7+s26+$0x0], $0xffff  }
0x27d: {  	v6 =	vand.u32 $0xFFFFFE00, v6;
	v4 =	vand.u32 $0x7F, v4;
	v60 =	vld.idx.msk [tilespmem:v8+s26+$0x0], $0xffff;
	v13 =	vand.u32 $0xFFFFFE00, v46  }
0x27e: {  	v33 =	vand.u32 $0xFFFFFE00, v33;
	v36 =	vand.u32 $0xFFFFFE00, v36;
	v30 =	vld.idx.msk [tilespmem:v9+s26+$0x0], $0xffff;
	v25 =	vor.u32 v4, v13  }
0x27f: {  	v33 =	vor.u32 v41, v33;
	v22 =	vor.u32 v22, v36;
	v47 =	vor.u32 $0x80, v17;
	v34 =	vld.idx.msk [tilespmem:v11+s26+$0x0], $0xffff  }
0x280: {  	v61 =	vor.u32 $0x100, v17;
	v41 =	vor.u32 $0x180, v17;
	v17 =	vld [tilespmem:s9+$0x20];
	v4 =	vand.u32 $0x7F, v12  }
0x281: {  	v10 =	vand.u32 $0xFFFFFE00, v45;
	v13 =	vor.u32 v4, v6;
	v4 =	vld [tilespmem:s9+$0xFFFFFFC0];
	v48 =	vmul.f32 v18, v20  }
0x282: {  	v52 =	vand.u32 $0xFFFFFE00, v50;
	v62 =	vand.u32 $0xFFFFFE00, v35;
	v6 =	vor.u32 v5, v10;
	v5 =	vld [tilespmem:s9+$0xFFFFFFD0]  }
0x283: {  	v35 =	vand.u32 $0xFFFFFE00, v63;
	v10 =	vor.u32 v54, v52;
	v46 =	vmul.f32 v60, v14;
	[tilespmem:v25+s2+$0x0] =	vst.idx.add.f32.msk $0xffff, v48  }
0x284: {  	v24 =	vor.u32 v24, v35;
	v12 =	vld.idx.msk [tilespmem:v47+s26+$0x0], $0xffff  }
0x285: {  	v54 =	vor.u32 $0x80, v8;
	[tilespmem:v22+s2+$0x0] =	vst.idx.add.f32.msk $0xffff, v46  }
0x286: {  	v59 =	vor.u32 $0x80, v25;
	v56 =	vld.idx.msk [tilespmem:v13+s26+$0x0], $0xffff  }
0x287: {  	v49 =	vmul.f32 v30, v15;
	v57 =	vld.idx.msk [tilespmem:v6+s26+$0x0], $0xffff  }
0x288: {  	v42 =	vshll.u32 v26, $0x2;
	v32 =	vld.idx.msk [tilespmem:v10+s26+$0x0], $0xffff  }
0x289: {  	v26 =	vand.u32 $0x7F, v26;
	v37 =	vand.u32 $0xFFFFFE00, v42;
	[tilespmem:v24+s2+$0x0] =	vst.idx.add.f32.msk $0xffff, v49;
	v12 =	vmul.f32 v12, v20  }
0x28a: {  	v26 =	vor.u32 v26, v37;
	v30 =	vld.idx.msk [tilespmem:v54+s26+$0x0], $0xffff  }
0x28b: {  	v55 =	vor.u32 $0x80, v9;
	v19 =	vmul.f32 v56, v4;
	[tilespmem:v59+s2+$0x0] =	vst.idx.add.f32.msk $0xffff, v12  }
0x28c: {  	v36 =	vor.u32 $0x80, v22;
	v18 =	vmul.f32 v57, v5;
	v12 =	vld [tilespmem:s9+$0xFFFFFFE0]  }
0x28d: {  	v38 =	vshll.u32 v28, $0x2;
	v51 =	vmul.f32 v32, v16;
	[tilespmem:v31+s2+$0x0] =	vst.idx.add.f32.msk $0xffff, v19  }
0x28e: {  	v44 =	vand.u32 $0xFFFFFE00, v38;
	v48 =	vor.u32 $0x80, v13;
	[tilespmem:v33+s2+$0x0] =	vst.idx.add.f32.msk $0xffff, v18  }
0x28f: {  	v45 =	vand.u32 $0x7F, v28;
	v56 =	vor.u32 $0x80, v10;
	v42 =	vmul.f32 v30, v14;
	[tilespmem:v26+s2+$0x0] =	vst.idx.add.f32.msk $0xffff, v51  }
0x290: {  	v18 =	vor.u32 v45, v44;
	v19 =	vld.idx.msk [tilespmem:v55+s26+$0x0], $0xffff  }
0x291: {  	v57 =	vor.u32 $0x80, v11;
	[tilespmem:v36+s2+$0x0] =	vst.idx.add.f32.msk $0xffff, v42  }
0x292: {  	v45 =	vor.u32 $0x100, v8;
	v29 =	vld.idx.msk [tilespmem:v61+s26+$0x0], $0xffff  }
0x293: {  	v23 =	vor.u32 v40, v62;
	v52 =	vmul.f32 v34, v17;
	v28 =	vld.idx.msk [tilespmem:v48+s26+$0x0], $0xffff  }
0x294: {  	v50 =	vor.u32 $0x80, v6;
	v27 =	vld.idx.msk [tilespmem:v56+s26+$0x0], $0xffff  }
0x295: {  	v63 =	vor.u32 $0x80, v24;
	[tilespmem:v18+s2+$0x0] =	vst.idx.add.f32.msk $0xffff, v52  }
0x296: {  	v39 =	vor.u32 $0x100, v25;
	v21 =	vmul.f32 v58, v12;
	v32 =	vld.idx.msk [tilespmem:v57+s26+$0x0], $0xffff  }
0x297: {  	v53 =	vor.u32 $0x80, v7;
	v43 =	vmul.f32 v29, v20;
	v29 =	vld.idx.msk [tilespmem:v45+s26+$0x0], $0xffff  }
0x298: {  	v19 =	vmul.f32 v19, v15;
	[tilespmem:v23+s2+$0x0] =	vst.idx.add.f32.msk $0xffff, v21  }
0x299: {  	v58 =	vor.u32 $0x80, v31;
	v21 =	vld.idx.msk [tilespmem:v50+s26+$0x0], $0xffff  }
0x29a: {  	v61 =	vor.u32 $0x100, v13;
	[tilespmem:v63+s2+$0x0] =	vst.idx.add.f32.msk $0xffff, v19  }
0x29b: {  	[tilespmem:v39+s2+$0x0] =	vst.idx.add.f32.msk $0xffff, v43;
	v39 =	vor.u32 $0x80, v26  }
0x29c: {  	v54 =	vor.u32 $0x100, v22;
	v28 =	vmul.f32 v28, v4;
	v59 =	vld.idx.msk [tilespmem:v53+s26+$0x0], $0xffff  }
0x29d: {  	v60 =	vor.u32 $0x80, v33;
	v47 =	vld.idx.msk [tilespmem:v41+s26+$0x0], $0xffff  }
0x29e: {  	v27 =	vmul.f32 v27, v16;
	v41 =	vor.u32 $0x80, v18;
	[tilespmem:v58+s2+$0x0] =	vst.idx.add.f32.msk $0xffff, v28  }
0x29f: {  	v8 =	vor.u32 $0x180, v8;
	v28 =	vld.idx.msk [tilespmem:v61+s26+$0x0], $0xffff;
	v58 =	vmul.f32 v29, v14  }
0x2a0: {  	v62 =	vor.u32 $0x80, v23;
	v21 =	vmul.f32 v21, v5;
	[tilespmem:v39+s2+$0x0] =	vst.idx.add.f32.msk $0xffff, v27  }
0x2a1: {  	v43 =	vor.u32 $0x100, v6;
	v46 =	vmul.f32 v32, v17;
	[tilespmem:v54+s2+$0x0] =	vst.idx.add.f32.msk $0xffff, v58  }
0x2a2: {  	v49 =	vor.u32 $0x100, v11;
	[tilespmem:v60+s2+$0x0] =	vst.idx.add.f32.msk $0xffff, v21  }
0x2a3: {  	v25 =	vor.u32 $0x180, v25;
	v40 =	vmul.f32 v59, v12;
	[tilespmem:v41+s2+$0x0] =	vst.idx.add.f32.msk $0xffff, v46  }
0x2a4: {  	v44 =	vor.u32 $0x100, v7;
	v8 =	vld.idx.msk [tilespmem:v8+s26+$0x0], $0xffff  }
0x2a5: {  	v48 =	vor.u32 $0x100, v10;
	[tilespmem:v62+s2+$0x0] =	vst.idx.add.f32.msk $0xffff, v40  }
0x2a6: {  	v51 =	vor.u32 $0x100, v31;
	v20 =	vmul.f32 v47, v20;
	v50 =	vld.idx.msk [tilespmem:v43+s26+$0x0], $0xffff  }
0x2a7: {  	v47 =	vor.u32 $0x100, v9;
	v19 =	vld.idx.msk [tilespmem:v49+s26+$0x0], $0xffff  }
0x2a8: {  	v13 =	vor.u32 $0x180, v13;
	[tilespmem:v25+s2+$0x0] =	vst.idx.add.f32.msk $0xffff, v20  }
0x2a9: {  	v52 =	vor.u32 $0x100, v33;
	v21 =	vld.idx.msk [tilespmem:v44+s26+$0x0], $0xffff;
	v28 =	vmul.f32 v28, v4  }
0x2aa: {  	v57 =	vor.u32 $0x100, v18;
	v20 =	vld.idx.msk [tilespmem:v48+s26+$0x0], $0xffff  }
0x2ab: {  	v53 =	vor.u32 $0x100, v23;
	[tilespmem:v51+s2+$0x0] =	vst.idx.add.f32.msk $0xffff, v28  }
0x2ac: {  	v56 =	vor.u32 $0x100, v26;
	v32 =	vld.idx.msk [tilespmem:v47+s26+$0x0], $0xffff;
	v25 =	vmul.f32 v50, v5  }
0x2ad: {  	v6 =	vor.u32 $0x180, v6;
	v13 =	vld.idx.msk [tilespmem:v13+s26+$0x0], $0xffff;
	v19 =	vmul.f32 v19, v17  }
0x2ae: {  	v7 =	vor.u32 $0x180, v7;
	v21 =	vmul.f32 v21, v12;
	[tilespmem:v52+s2+$0x0] =	vst.idx.add.f32.msk $0xffff, v25  }
0x2af: {  	v10 =	vor.u32 $0x180, v10;
	v20 =	vmul.f32 v20, v16;
	[tilespmem:v57+s2+$0x0] =	vst.idx.add.f32.msk $0xffff, v19  }
0x2b0: {  	v55 =	vor.u32 $0x100, v24;
	[tilespmem:v53+s2+$0x0] =	vst.idx.add.f32.msk $0xffff, v21  }
0x2b1: {  	v9 =	vor.u32 $0x180, v9;
	[tilespmem:v56+s2+$0x0] =	vst.idx.add.f32.msk $0xffff, v20  }
0x2b2: {  	v11 =	vor.u32 $0x180, v11;
	v6 =	vld.idx.msk [tilespmem:v6+s26+$0x0], $0xffff  }
0x2b3: {  	v60 =	vor.u32 $0x180, v31;
	v59 =	vmul.f32 v32, v15;
	v7 =	vld.idx.msk [tilespmem:v7+s26+$0x0], $0xffff  }
0x2b4: {  	v61 =	vor.u32 $0x180, v33;
	v10 =	vld.idx.msk [tilespmem:v10+s26+$0x0], $0xffff  }
0x2b5: {  	v62 =	vor.u32 $0x180, v23;
	[tilespmem:v55+s2+$0x0] =	vst.idx.add.f32.msk $0xffff, v59  }
0x2b6: {  	v22 =	vor.u32 $0x180, v22;
	v4 =	vmul.f32 v13, v4;
	v9 =	vld.idx.msk [tilespmem:v9+s26+$0x0], $0xffff  }
0x2b7: {  	v11 =	vld.idx.msk [tilespmem:v11+s26+$0x0], $0xffff;
	v5 =	vmul.f32 v6, v5;
	v6 =	vor.u32 $0x180, v26  }
0x2b8: {  	v63 =	vor.u32 $0x180, v24;
	[tilespmem:v60+s2+$0x0] =	vst.idx.add.f32.msk $0xffff, v4;
	v4 =	vmul.f32 v7, v12  }
0x2b9: {  	[tilespmem:v61+s2+$0x0] =	vst.idx.add.f32.msk $0xffff, v5;
	v5 =	vmul.f32 v8, v14  }
0x2ba: {  	v7 =	vmul.f32 v10, v16;
	[tilespmem:v62+s2+$0x0] =	vst.idx.add.f32.msk $0xffff, v4  }
0x2bb: {  	v4 =	vmul.f32 v9, v15;
	[tilespmem:v22+s2+$0x0] =	vst.idx.add.f32.msk $0xffff, v5  }
0x2bc: {  	[tilespmem:v6+s2+$0x0] =	vst.idx.add.f32.msk $0xffff, v7  }
0x2bd: {  	s18 =	sshll.u32 s31, $0xD;
	s1 =	simm.s32 $0x0;
	s3 =	simm.s32 $0x14C0;
	v5 =	vmul.f32 v11, v17;
	[tilespmem:v63+s2+$0x0] =	vst.idx.add.f32.msk $0xffff, v4;
	v4 =	vor.u32 $0x180, v18  }
.LBB2_11:
0x2be: {  	v6 =	vld [tilespmem:s3+$0x30];
	s1 =	sadd.s32 $0x8, s1  }
0x2bf: {  	v7 =	vld [tilespmem:s3+$0xFFFFFFD0];
	p0 =	slt.u32 s1, $0x48  }
0x2c0: {  	v8 =	vld [tilespmem:s3+$0xFFFFFFE0]  }
0x2c1: {  	v9 =	vld [tilespmem:s3+$0xFFFFFFF0]  }
0x2c2: {  	v10 =	vld [tilespmem:s3+$0x0]  }
0x2c3: {  	v11 =	vld [tilespmem:s3+$0x10];
	v12 =	vshll.u32 v6, $0x2  }
0x2c4: {  	v6 =	vand.u32 $0x7F, v6;
	v13 =	vshll.u32 v7, $0x2;
	v14 =	vld [tilespmem:s3+$0x20];
	v12 =	vand.u32 $0xFFFFFE00, v12  }
0x2c5: {  	s7 =	sadd.s32 $0x80, s7;
	v15 =	vld [tilespmem:s3+$0xFFFFFFC0];
	v17 =	vand.u32 $0xFFFFFE00, v13;
	v16 =	vshll.u32 v8, $0x2;
	v13 =	vor.u32 v6, v12  }
0x2c6: {  	v6 =	vand.u32 $0x7F, v7;
	v7 =	vand.u32 $0xFFFFFE00, v16;
	v12 =	vshll.u32 v9, $0x2;
	v16 =	vld [tilespmem:s7+$0x30]  }
0x2c7: {  	v8 =	vand.u32 $0x7F, v8;
	v22 =	vld [tilespmem:s7+$0xFFFFFFC0];
	v12 =	vand.u32 $0xFFFFFE00, v12;
	v18 =	vshll.u32 v10, $0x2  }
0x2c8: {  	v9 =	vand.u32 $0x7F, v9;
	v23 =	vld [tilespmem:s7+$0xFFFFFFD0];
	v20 =	vand.u32 $0xFFFFFE00, v18;
	v18 =	vshll.u32 v11, $0x2  }
0x2c9: {  	v10 =	vand.u32 $0x7F, v10;
	v24 =	vld [tilespmem:s7+$0xFFFFFFE0];
	v21 =	vand.u32 $0xFFFFFE00, v18;
	v18 =	vshll.u32 v14, $0x2  }
0x2ca: {  	s9 =	sadd.s32 $0x80, s9;
	v19 =	vand.u32 $0x7F, v15;
	v15 =	vshll.u32 v15, $0x2;
	v25 =	vand.u32 $0xFFFFFE00, v18;
	v26 =	vld.idx.msk [tilespmem:v13+s26+$0x0], $0xffff  }
0x2cb: {  	v27 =	vand.u32 $0x7F, v11;
	v15 =	vand.u32 $0xFFFFFE00, v15;
	v11 =	vld [tilespmem:s9+$0x30];
	v18 =	vshll.u32 v16, $0x2  }
0x2cc: {  	v29 =	vand.u32 $0x7F, v14;
	v14 =	vand.u32 $0x7F, v16;
	v28 =	vld [tilespmem:s7+$0xFFFFFFF0];
	v18 =	vand.u32 $0xFFFFFE00, v18  }
0x2cd: {  	v17 =	vor.u32 v6, v17;
	v16 =	vor.u32 v19, v15;
	v30 =	vld [tilespmem:s7+$0x0];
	v14 =	vor.u32 v14, v18  }
0x2ce: {  	v19 =	vor.u32 v9, v12;
	v9 =	vor.u32 $0x80, v13;
	v18 =	vor.u32 v8, v7;
	v8 =	vld [tilespmem:s7+$0x10]  }
0x2cf: {  	v20 =	vor.u32 v10, v20;
	v15 =	vor.u32 v27, v21;
	v21 =	vor.u32 v29, v25;
	v10 =	vld [tilespmem:s7+$0x20]  }
0x2d0: {  	v6 =	vshll.u32 v22, $0x2;
	v12 =	vshll.u32 v23, $0x2;
	v7 =	vld [tilespmem:s9+$0xFFFFFFC0];
	v25 =	vmul.f32 v26, v11  }
0x2d1: {  	v27 =	vshll.u32 v24, $0x2;
	v26 =	vand.u32 $0xFFFFFE00, v6;
	v6 =	vld [tilespmem:s9+$0xFFFFFFD0];
	v29 =	vshll.u32 v28, $0x2  }
0x2d2: {  	v12 =	vand.u32 $0xFFFFFE00, v12;
	v27 =	vand.u32 $0xFFFFFE00, v27;
	v31 =	vshll.u32 v30, $0x2;
	[tilespmem:v14+s2+$0x0] =	vst.idx.add.f32.msk $0xffff, v25  }
0x2d3: {  	v25 =	vand.u32 $0xFFFFFE00, v29;
	v29 =	vand.u32 $0xFFFFFE00, v31;
	v31 =	vshll.u32 v8, $0x2;
	v9 =	vld.idx.msk [tilespmem:v9+s26+$0x0], $0xffff  }
0x2d4: {  	v22 =	vand.u32 $0x7F, v22;
	v32 =	vld.idx.msk [tilespmem:v16+s26+$0x0], $0xffff;
	v31 =	vand.u32 $0xFFFFFE00, v31;
	v33 =	vshll.u32 v10, $0x2  }
0x2d5: {  	v23 =	vand.u32 $0x7F, v23;
	v24 =	vand.u32 $0x7F, v24;
	v34 =	vld.idx.msk [tilespmem:v17+s26+$0x0], $0xffff;
	v33 =	vand.u32 $0xFFFFFE00, v33  }
0x2d6: {  	v36 =	vor.u32 $0x80, v14;
	v28 =	vand.u32 $0x7F, v28;
	v30 =	vand.u32 $0x7F, v30;
	v35 =	vld.idx.msk [tilespmem:v18+s26+$0x0], $0xffff  }
0x2d7: {  	v38 =	vor.u32 $0x100, v13;
	v8 =	vand.u32 $0x7F, v8;
	v10 =	vand.u32 $0x7F, v10;
	v37 =	vld.idx.msk [tilespmem:v19+s26+$0x0], $0xffff  }
0x2d8: {  	v23 =	vor.u32 v23, v12;
	v24 =	vor.u32 v24, v27;
	v22 =	vor.u32 v22, v26;
	v26 =	vld.idx.msk [tilespmem:v20+s26+$0x0], $0xffff  }
0x2d9: {  	v25 =	vor.u32 v28, v25;
	v27 =	vor.u32 v30, v29;
	v9 =	vmul.f32 v9, v11;
	v28 =	vld.idx.msk [tilespmem:v15+s26+$0x0], $0xffff  }
0x2da: {  	v30 =	vor.u32 v8, v31;
	v29 =	vmul.f32 v32, v7;
	v32 =	vor.u32 v10, v33;
	v31 =	vld.idx.msk [tilespmem:v21+s26+$0x0], $0xffff  }
0x2db: {  	v39 =	vor.u32 $0x80, v17;
	v33 =	vor.u32 $0x80, v16;
	v34 =	vmul.f32 v34, v6;
	[tilespmem:v36+s2+$0x0] =	vst.idx.add.f32.msk $0xffff, v9  }
0x2dc: {  	v41 =	vor.u32 $0x80, v20;
	v40 =	vor.u32 $0x80, v19;
	v36 =	vor.u32 $0x80, v18;
	v38 =	vld.idx.msk [tilespmem:v38+s26+$0x0], $0xffff  }
0x2dd: {  	v43 =	vor.u32 $0x80, v15;
	v44 =	vor.u32 $0x80, v21;
	v42 =	vor.u32 $0x80, v22;
	v8 =	vld [tilespmem:s9+$0xFFFFFFE0]  }
0x2de: {  	v45 =	vor.u32 $0x80, v23;
	v46 =	vor.u32 $0x80, v24;
	v47 =	vor.u32 $0x80, v25;
	v9 =	vld [tilespmem:s9+$0xFFFFFFF0]  }
0x2df: {  	v50 =	vor.u32 $0x100, v14;
	v48 =	vor.u32 $0x80, v27;
	v49 =	vor.u32 $0x80, v30;
	v10 =	vld [tilespmem:s9+$0x0]  }
0x2e0: {  	v53 =	vor.u32 $0x180, v13;
	v51 =	vor.u32 $0x100, v16;
	v52 =	vor.u32 $0x80, v32;
	v12 =	vld [tilespmem:s9+$0x10]  }
0x2e1: {  	v54 =	vor.u32 $0x100, v17;
	v56 =	vor.u32 $0x100, v19;
	v55 =	vor.u32 $0x100, v18;
	v13 =	vld [tilespmem:s9+$0x20]  }
0x2e2: {  	v38 =	vmul.f32 v38, v11;
	[tilespmem:v22+s2+$0x0] =	vst.idx.add.f32.msk $0xffff, v29;
	v29 =	vmul.f32 v35, v8;
	v35 =	vor.u32 $0x100, v20  }
0x2e3: {  	v57 =	vor.u32 $0x100, v21;
	[tilespmem:v23+s2+$0x0] =	vst.idx.add.f32.msk $0xffff, v34;
	v34 =	vmul.f32 v37, v9;
	v37 =	vor.u32 $0x100, v15  }
0x2e4: {  	v59 =	vor.u32 $0x100, v23;
	v58 =	vor.u32 $0x100, v22;
	v26 =	vmul.f32 v26, v10;
	[tilespmem:v50+s2+$0x0] =	vst.idx.add.f32.msk $0xffff, v38  }
0x2e5: {  	v38 =	vor.u32 $0x100, v24;
	v50 =	vor.u32 $0x100, v25;
	v28 =	vmul.f32 v28, v12;
	v53 =	vld.idx.msk [tilespmem:v53+s26+$0x0], $0xffff  }
0x2e6: {  	v60 =	vor.u32 $0x100, v30;
	[tilespmem:v24+s2+$0x0] =	vst.idx.add.f32.msk $0xffff, v29;
	v29 =	vor.u32 $0x100, v27;
	v31 =	vmul.f32 v31, v13  }
0x2e7: {  	v17 =	vor.u32 $0x180, v17;
	v16 =	vor.u32 $0x180, v16;
	[tilespmem:v25+s2+$0x0] =	vst.idx.add.f32.msk $0xffff, v34;
	v34 =	vor.u32 $0x100, v32  }
0x2e8: {  	v14 =	vor.u32 $0x180, v14;
	v19 =	vor.u32 $0x180, v19;
	v18 =	vor.u32 $0x180, v18;
	[tilespmem:v27+s2+$0x0] =	vst.idx.add.f32.msk $0xffff, v26  }
0x2e9: {  	v21 =	vor.u32 $0x180, v21;
	v20 =	vor.u32 $0x180, v20;
	v15 =	vor.u32 $0x180, v15;
	[tilespmem:v30+s2+$0x0] =	vst.idx.add.f32.msk $0xffff, v28  }
0x2ea: {  	v22 =	vor.u32 $0x180, v22;
	v23 =	vor.u32 $0x180, v23;
	v24 =	vor.u32 $0x180, v24;
	[tilespmem:v32+s2+$0x0] =	vst.idx.add.f32.msk $0xffff, v31  }
0x2eb: {  	v25 =	vor.u32 $0x180, v25;
	v27 =	vor.u32 $0x180, v27;
	v11 =	vmul.f32 v53, v11;
	v26 =	vld.idx.msk [tilespmem:v33+s26+$0x0], $0xffff  }
0x2ec: {  	v30 =	vor.u32 $0x180, v30;
	v31 =	vor.u32 $0x180, v32;
	v28 =	vld.idx.msk [tilespmem:v39+s26+$0x0], $0xffff  }
0x2ed: {  	[tilespmem:v14+s2+$0x0] =	vst.idx.add.f32.msk $0xffff, v11  }
0x2ee: {  	v11 =	vld.idx.msk [tilespmem:v36+s26+$0x0], $0xffff  }
0x2ef: {  	v14 =	vld.idx.msk [tilespmem:v40+s26+$0x0], $0xffff  }
0x2f0: {  	v32 =	vld.idx.msk [tilespmem:v41+s26+$0x0], $0xffff  }
0x2f1: {  	v26 =	vmul.f32 v26, v7;
	v33 =	vld.idx.msk [tilespmem:v43+s26+$0x0], $0xffff  }
0x2f2: {  	v28 =	vmul.f32 v28, v6;
	v36 =	vld.idx.msk [tilespmem:v44+s26+$0x0], $0xffff  }
0x2f3: {  	[tilespmem:v42+s2+$0x0] =	vst.idx.add.f32.msk $0xffff, v26  }
0x2f4: {  	v11 =	vmul.f32 v11, v8;
	[tilespmem:v45+s2+$0x0] =	vst.idx.add.f32.msk $0xffff, v28  }
0x2f5: {  	v14 =	vmul.f32 v14, v9;
	v26 =	vld.idx.msk [tilespmem:v51+s26+$0x0], $0xffff  }
0x2f6: {  	[tilespmem:v46+s2+$0x0] =	vst.idx.add.f32.msk $0xffff, v11;
	v11 =	vmul.f32 v32, v10  }
0x2f7: {  	[tilespmem:v47+s2+$0x0] =	vst.idx.add.f32.msk $0xffff, v14;
	v14 =	vmul.f32 v33, v12  }
0x2f8: {  	[tilespmem:v48+s2+$0x0] =	vst.idx.add.f32.msk $0xffff, v11;
	v11 =	vmul.f32 v36, v13  }
0x2f9: {  	[tilespmem:v49+s2+$0x0] =	vst.idx.add.f32.msk $0xffff, v14  }
0x2fa: {  	[tilespmem:v52+s2+$0x0] =	vst.idx.add.f32.msk $0xffff, v11  }
0x2fb: {  	v11 =	vmul.f32 v26, v7;
	v14 =	vld.idx.msk [tilespmem:v54+s26+$0x0], $0xffff  }
0x2fc: {  	v26 =	vld.idx.msk [tilespmem:v55+s26+$0x0], $0xffff  }
0x2fd: {  	v28 =	vld.idx.msk [tilespmem:v56+s26+$0x0], $0xffff  }
0x2fe: {  	v32 =	vld.idx.msk [tilespmem:v35+s26+$0x0], $0xffff  }
0x2ff: {  	v33 =	vld.idx.msk [tilespmem:v37+s26+$0x0], $0xffff  }
0x300: {  	v35 =	vld.idx.msk [tilespmem:v57+s26+$0x0], $0xffff  }
0x301: {  	[tilespmem:v58+s2+$0x0] =	vst.idx.add.f32.msk $0xffff, v11;
	v11 =	vmul.f32 v14, v6  }
0x302: {  	v14 =	vld.idx.msk [tilespmem:v16+s26+$0x0], $0xffff;
	v16 =	vmul.f32 v26, v8  }
0x303: {  	[tilespmem:v59+s2+$0x0] =	vst.idx.add.f32.msk $0xffff, v11;
	v11 =	vmul.f32 v28, v9  }
0x304: {  	[tilespmem:v38+s2+$0x0] =	vst.idx.add.f32.msk $0xffff, v16;
	v16 =	vmul.f32 v32, v10  }
0x305: {  	[tilespmem:v50+s2+$0x0] =	vst.idx.add.f32.msk $0xffff, v11;
	v11 =	vmul.f32 v33, v12  }
0x306: {  	[tilespmem:v29+s2+$0x0] =	vst.idx.add.f32.msk $0xffff, v16;
	v16 =	vmul.f32 v35, v13  }
0x307: {  	[tilespmem:v60+s2+$0x0] =	vst.idx.add.f32.msk $0xffff, v11  }
0x308: {  	v7 =	vmul.f32 v14, v7;
	[tilespmem:v34+s2+$0x0] =	vst.idx.add.f32.msk $0xffff, v16  }
0x309: {  	v11 =	vld.idx.msk [tilespmem:v17+s26+$0x0], $0xffff  }
0x30a: {  	v14 =	vld.idx.msk [tilespmem:v18+s26+$0x0], $0xffff  }
0x30b: {  	v16 =	vld.idx.msk [tilespmem:v19+s26+$0x0], $0xffff  }
0x30c: {  	v17 =	vld.idx.msk [tilespmem:v20+s26+$0x0], $0xffff  }
0x30d: {  	v15 =	vld.idx.msk [tilespmem:v15+s26+$0x0], $0xffff  }
0x30e: {  	v18 =	vld.idx.msk [tilespmem:v21+s26+$0x0], $0xffff  }
0x30f: {  	v6 =	vmul.f32 v11, v6;
	[tilespmem:v22+s2+$0x0] =	vst.idx.add.f32.msk $0xffff, v7  }
0x310: {  	v7 =	vmul.f32 v14, v8;
	[tilespmem:v4+s2+$0x0] =	vst.idx.add.f32.msk $0xffff, v5;
	v4 =	vmov v31  }
.Ltmp6:
0x311: {  	v5 =	vmul.f32 v16, v9;
	[tilespmem:v23+s2+$0x0] =	vst.idx.add.f32.msk $0xffff, v6;
	(pc) =	sbr.rel @p0 .LBB2_11-.Ltmp6, $4  }
0x312: {  	v6 =	vmul.f32 v17, v10;
	[tilespmem:v24+s2+$0x0] =	vst.idx.add.f32.msk $0xffff, v7  }
0x313: {  	v7 =	vmul.f32 v15, v12;
	[tilespmem:v25+s2+$0x0] =	vst.idx.add.f32.msk $0xffff, v5  }
0x314: {  	v5 =	vmul.f32 v18, v13;
	[tilespmem:v27+s2+$0x0] =	vst.idx.add.f32.msk $0xffff, v6  }
0x315: {  	s3 =	sadd.s32 $0x80, s3;
	[tilespmem:v30+s2+$0x0] =	vst.idx.add.f32.msk $0xffff, v7  }
0x316: {  	p0 =	seq.s32 s31, $0x7  }
0x317: {  	p1 =	seq.s32 @!p0 s31, $0x0  }
0x318: {  	p1 =	por p0, !p1  }
.Ltmp7:
0x319: {  	s7 =	sor.u32 s8, s18;
	(pc) =	sbr.rel @!p1 .LBB2_16-.Ltmp7, $4  }
0x31a: {  	[tilespmem:v4+s2+$0x0] =	vst.idx.add.f32.msk $0xffff, v5;
	s0 =	sadd.s32 s6, s7;
	s1 =	simm.s32 @!p0 $0x200  }
0x31b: {  	[hbm4b:s0+s16] =	stream.strided.scatter [tilespmem:s2], [sflag:$0x5], $0x4000, s17, s16, $0x38;
	[tilespmem:$0x1A300] =	vst v63  }
0x31c: {  	s3 =	simm.s32 @!p0 $0x400;
	s4 =	simm.s32 @!p0 $0x2300;
	s0 =	sadd.s32 @!p0 s18, s10  }
0x31d: {  	[tilespmem:s4], [sflag:$0x1] =	stream.strided.gather @!p0 [hbm4b:s0+s1], $0x4000, s3, s1, $0x38;
	[tilespmem:$0x1A300] =	vst v63  }
0x31e: {  	_ =	swait.ge [sflag:s24], $0x4000  }
0x31f: {  	[sflag:s24] =	ssyncset.done $0x0  }
0x320: {  	s0 =	simm.s32 $0x1940;
	[sflag:s24] =	ssyncadd.s32 $0xFFFFC000  }
0x321: {  	v4 =	vld [tilespmem:s0+$0xFFFFFFF0]  }
0x322: {  	v5 =	vld [tilespmem:s0+$0x0]  }
0x323: {  	v6 =	vld [tilespmem:s0+$0x30]  }
0x324: {  	v7 =	vld [tilespmem:s0+$0x20];
	_ =	sdelay $0x3  }
0x325: {  	v8 =	vshll.u32 v4, $0x2;
	v9 =	vshll.u32 v6, $0x2;
	v10 =	vshll.u32 v5, $0x2  }
0x326: {  	v12 =	vld [tilespmem:s0+$0xFFFFFFD0];
	v11 =	vshll.u32 v7, $0x2;
	v5 =	vand.u32 $0x7F, v5;
	v10 =	vand.u32 $0xFFFFFE00, v10  }
0x327: {  	v6 =	vand.u32 $0x7F, v6;
	v9 =	vand.u32 $0xFFFFFE00, v9;
	v5 =	vor.u32 v5, v10  }
0x328: {  	v4 =	vand.u32 $0x7F, v4;
	v8 =	vand.u32 $0xFFFFFE00, v8;
	v9 =	vor.u32 v6, v9  }
0x329: {  	v7 =	vand.u32 $0x7F, v7;
	v10 =	vand.u32 $0xFFFFFE00, v11;
	v4 =	vor.u32 v4, v8  }
0x32a: {  	v7 =	vor.u32 v7, v10  }
0x32b: {  	v6 =	vshll.u32 v12, $0x2;
	v10 =	vld [tilespmem:s0+$0xFFFFFFC0];
	v8 =	vor.u32 $0x80, v5  }
0x32c: {  	v12 =	vand.u32 $0x7F, v12;
	v6 =	vand.u32 $0xFFFFFE00, v6;
	v11 =	vor.u32 $0x80, v7;
	[tilespmem:v5+s5+$0x0] =	vst.idx.msk $0xffff, v3  }
0x32d: {  	v6 =	vor.u32 v12, v6;
	[tilespmem:v9+s5+$0x0] =	vst.idx.msk $0xffff, v3  }
0x32e: {  	v13 =	vor.u32 $0x100, v7;
	[tilespmem:v4+s5+$0x0] =	vst.idx.msk $0xffff, v3  }
0x32f: {  	v15 =	vld [tilespmem:s0+$0xFFFFFFE0];
	v12 =	vor.u32 $0x80, v9;
	[tilespmem:v7+s5+$0x0] =	vst.idx.msk $0xffff, v3  }
0x330: {  	v19 =	vor.u32 $0x180, v7;
	v14 =	vshll.u32 v10, $0x2;
	[tilespmem:v8+s5+$0x0] =	vst.idx.msk $0xffff, v3;
	v8 =	vld [tilespmem:s0+$0x10]  }
0x331: {  	v10 =	vand.u32 $0x7F, v10;
	v14 =	vand.u32 $0xFFFFFE00, v14;
	[tilespmem:v11+s5+$0x0] =	vst.idx.msk $0xffff, v3;
	v11 =	vor.u32 $0x100, v9  }
0x332: {  	[tilespmem:v6+s5+$0x0] =	vst.idx.msk $0xffff, v3;
	v14 =	vor.u32 v10, v14  }
0x333: {  	[tilespmem:v13+s5+$0x0] =	vst.idx.msk $0xffff, v3;
	v13 =	vor.u32 $0x100, v5  }
0x334: {  	v18 =	vor.u32 $0x100, v6;
	[tilespmem:v12+s5+$0x0] =	vst.idx.msk $0xffff, v3;
	v10 =	vor.u32 $0x80, v6  }
0x335: {  	v12 =	vshll.u32 v15, $0x2;
	v17 =	vor.u32 $0x80, v14;
	[tilespmem:v19+s5+$0x0] =	vst.idx.msk $0xffff, v3;
	v16 =	vshll.u32 v8, $0x2  }
0x336: {  	v15 =	vand.u32 $0x7F, v15;
	v8 =	vand.u32 $0x7F, v8;
	v7 =	vand.u32 $0xFFFFFE00, v16;
	[tilespmem:v11+s5+$0x0] =	vst.idx.msk $0xffff, v3  }
0x337: {  	v16 =	vor.u32 $0x100, v14;
	[tilespmem:v14+s5+$0x0] =	vst.idx.msk $0xffff, v3;
	v8 =	vor.u32 v8, v7;
	v7 =	vand.u32 $0xFFFFFE00, v12  }
0x338: {  	[tilespmem:v13+s5+$0x0] =	vst.idx.msk $0xffff, v3;
	v13 =	vor.u32 v15, v7  }
0x339: {  	v5 =	vor.u32 $0x180, v5;
	v11 =	vor.u32 $0x180, v9;
	[tilespmem:v10+s5+$0x0] =	vst.idx.msk $0xffff, v3;
	v15 =	vor.u32 $0x80, v13  }
0x33a: {  	v9 =	vor.u32 $0x180, v14;
	v10 =	vor.u32 $0x80, v8;
	[tilespmem:v17+s5+$0x0] =	vst.idx.msk $0xffff, v3;
	v7 =	vor.u32 $0x100, v8  }
0x33b: {  	s1 =	simm.s32 $0x19C0;
	s0 =	simm.s32 $0x0;
	[tilespmem:v18+s5+$0x0] =	vst.idx.msk $0xffff, v3;
	v17 =	vor.u32 $0x80, v4;
	v14 =	vor.u32 $0x100, v13;
	v12 =	vor.u32 $0x180, v13  }
.LBB2_14:
0x33c: {  	v18 =	vld [tilespmem:s1+$0xFFFFFFF0];
	s0 =	sadd.s32 $0x8, s0;
	[tilespmem:v16+s5+$0x0] =	vst.idx.msk $0xffff, v3  }
0x33d: {  	v16 =	vld [tilespmem:s1+$0x0];
	p1 =	slt.u32 s0, $0x48;
	[tilespmem:v13+s5+$0x0] =	vst.idx.msk $0xffff, v3  }
0x33e: {  	v13 =	vld [tilespmem:s1+$0x30];
	[tilespmem:v15+s5+$0x0] =	vst.idx.msk $0xffff, v3  }
0x33f: {  	v15 =	vld [tilespmem:s1+$0x20];
	[tilespmem:v8+s5+$0x0] =	vst.idx.msk $0xffff, v3  }
0x340: {  	v19 =	vld [tilespmem:s1+$0xFFFFFFD0];
	[tilespmem:v17+s5+$0x0] =	vst.idx.msk $0xffff, v3  }
0x341: {  	v21 =	vor.u32 $0x100, v4;
	v17 =	vld [tilespmem:s1+$0xFFFFFFC0];
	v20 =	vshll.u32 v18, $0x2;
	[tilespmem:v11+s5+$0x0] =	vst.idx.msk $0xffff, v3  }
0x342: {  	v8 =	vor.u32 $0x180, v8;
	v11 =	vld [tilespmem:s1+$0xFFFFFFE0];
	v20 =	vand.u32 $0xFFFFFE00, v20;
	[tilespmem:v14+s5+$0x0] =	vst.idx.msk $0xffff, v3;
	v14 =	vor.u32 $0x180, v4  }
0x343: {  	v6 =	vor.u32 $0x180, v6;
	v22 =	vand.u32 $0x7F, v13;
	v4 =	vshll.u32 v13, $0x2;
	[tilespmem:v10+s5+$0x0] =	vst.idx.msk $0xffff, v3  }
0x344: {  	v10 =	vld [tilespmem:s1+$0x10];
	v13 =	vand.u32 $0x7F, v15;
	v15 =	vshll.u32 v15, $0x2;
	v23 =	vand.u32 $0xFFFFFE00, v4;
	[tilespmem:v5+s5+$0x0] =	vst.idx.msk $0xffff, v3  }
0x345: {  	v4 =	vand.u32 $0x7F, v18;
	v5 =	vshll.u32 v16, $0x2;
	v24 =	vand.u32 $0x7F, v19;
	[tilespmem:v12+s5+$0x0] =	vst.idx.msk $0xffff, v3  }
0x346: {  	v16 =	vand.u32 $0x7F, v16;
	v12 =	vshll.u32 v19, $0x2;
	v5 =	vand.u32 $0xFFFFFE00, v5;
	[tilespmem:v21+s5+$0x0] =	vst.idx.msk $0xffff, v3  }
0x347: {  	v4 =	vor.u32 v4, v20;
	v16 =	vor.u32 v16, v5;
	v5 =	vand.u32 $0xFFFFFE00, v15;
	[tilespmem:v9+s5+$0x0] =	vst.idx.msk $0xffff, v3  }
0x348: {  	v9 =	vshll.u32 v11, $0x2;
	v15 =	vor.u32 $0x80, v16;
	v18 =	vor.u32 v13, v5;
	[tilespmem:v6+s5+$0x0] =	vst.idx.msk $0xffff, v3  }
0x349: {  	v19 =	vor.u32 $0x100, v16;
	v13 =	vor.u32 v22, v23;
	v6 =	vshll.u32 v10, $0x2;
	[tilespmem:v14+s5+$0x0] =	vst.idx.msk $0xffff, v3  }
0x34a: {  	v5 =	vor.u32 $0x180, v16;
	v14 =	vor.u32 $0x80, v13;
	v6 =	vand.u32 $0xFFFFFE00, v6;
	[tilespmem:v7+s5+$0x0] =	vst.idx.msk $0xffff, v3  }
0x34b: {  	v20 =	vand.u32 $0x7F, v11;
	v10 =	vand.u32 $0x7F, v10;
	v7 =	vand.u32 $0x7F, v17;
	[tilespmem:v8+s5+$0x0] =	vst.idx.msk $0xffff, v3  }
0x34c: {  	v11 =	vand.u32 $0xFFFFFE00, v12;
	v12 =	vor.u32 $0x80, v18;
	v8 =	vor.u32 v10, v6;
	[tilespmem:v16+s5+$0x0] =	vst.idx.msk $0xffff, v3  }
0x34d: {  	v10 =	vshll.u32 v17, $0x2;
	v6 =	vor.u32 v24, v11;
	v16 =	vor.u32 $0x100, v18;
	[tilespmem:v18+s5+$0x0] =	vst.idx.msk $0xffff, v3  }
0x34e: {  	v11 =	vor.u32 $0x180, v13;
	v10 =	vand.u32 $0xFFFFFE00, v10;
	[tilespmem:v13+s5+$0x0] =	vst.idx.msk $0xffff, v3  }
0x34f: {  	v21 =	vor.u32 $0x100, v13;
	v17 =	vor.u32 v7, v10;
	[tilespmem:v4+s5+$0x0] =	vst.idx.msk $0xffff, v3  }
0x350: {  	[tilespmem:v15+s5+$0x0] =	vst.idx.msk $0xffff, v3  }
0x351: {  	v22 =	vor.u32 $0x80, v6;
	v7 =	vand.u32 $0xFFFFFE00, v9;
	v10 =	vor.u32 $0x80, v8;
	[tilespmem:v12+s5+$0x0] =	vst.idx.msk $0xffff, v3  }
0x352: {  	v13 =	vor.u32 v20, v7;
	[tilespmem:v16+s5+$0x0] =	vst.idx.msk $0xffff, v3  }
0x353: {  	v23 =	vor.u32 $0x100, v6;
	v20 =	vor.u32 $0x80, v17;
	v16 =	vor.u32 $0x100, v17;
	[tilespmem:v6+s5+$0x0] =	vst.idx.msk $0xffff, v3  }
0x354: {  	v18 =	vor.u32 $0x180, v18;
	v7 =	vor.u32 $0x100, v8;
	v15 =	vor.u32 $0x80, v13;
	[tilespmem:v14+s5+$0x0] =	vst.idx.msk $0xffff, v3  }
0x355: {  	[tilespmem:v17+s5+$0x0] =	vst.idx.msk $0xffff, v3  }
0x356: {  	[tilespmem:v22+s5+$0x0] =	vst.idx.msk $0xffff, v3  }
.Ltmp8:
0x357: {  	v9 =	vor.u32 $0x180, v17;
	v14 =	vor.u32 $0x100, v13;
	[tilespmem:v21+s5+$0x0] =	vst.idx.msk $0xffff, v3;
	(pc) =	sbr.rel @p1 .LBB2_14-.Ltmp8, $4  }
0x358: {  	v12 =	vor.u32 $0x180, v13;
	[tilespmem:v19+s5+$0x0] =	vst.idx.msk $0xffff, v3  }
0x359: {  	[tilespmem:v20+s5+$0x0] =	vst.idx.msk $0xffff, v3  }
0x35a: {  	[tilespmem:v23+s5+$0x0] =	vst.idx.msk $0xffff, v3  }
0x35b: {  	s1 =	sadd.s32 $0x80, s1;
	v17 =	vor.u32 $0x80, v4;
	[tilespmem:v18+s5+$0x0] =	vst.idx.msk $0xffff, v3  }
0x35c: {  	_ =	sdelay $0x3  }
0x35d: {  	[tilespmem:v16+s5+$0x0] =	vst.idx.msk $0xffff, v3  }
0x35e: {  	[tilespmem:v13+s5+$0x0] =	vst.idx.msk $0xffff, v3  }
0x35f: {  	[tilespmem:v8+s5+$0x0] =	vst.idx.msk $0xffff, v3  }
0x360: {  	[tilespmem:v17+s5+$0x0] =	vst.idx.msk $0xffff, v3  }
0x361: {  	[tilespmem:v11+s5+$0x0] =	vst.idx.msk $0xffff, v3  }
0x362: {  	[tilespmem:v5+s5+$0x0] =	vst.idx.msk $0xffff, v3  }
0x363: {  	[tilespmem:v15+s5+$0x0] =	vst.idx.msk $0xffff, v3  }
0x364: {  	v63 =	vor.u32 $0x100, v4;
	[tilespmem:v10+s5+$0x0] =	vst.idx.msk $0xffff, v3  }
0x365: {  	v6 =	vor.u32 $0x180, v6;
	[tilespmem:v9+s5+$0x0] =	vst.idx.msk $0xffff, v3  }
0x366: {  	v5 =	vor.u32 $0x180, v8;
	[tilespmem:v14+s5+$0x0] =	vst.idx.msk $0xffff, v3  }
0x367: {  	v4 =	vor.u32 $0x180, v4;
	[tilespmem:v7+s5+$0x0] =	vst.idx.msk $0xffff, v3  }
0x368: {  	[tilespmem:v12+s5+$0x0] =	vst.idx.msk $0xffff, v3  }
0x369: {  	[tilespmem:v63+s5+$0x0] =	vst.idx.msk $0xffff, v3  }
0x36a: {  	[tilespmem:v6+s5+$0x0] =	vst.idx.msk $0xffff, v3  }
0x36b: {  	[tilespmem:v5+s5+$0x0] =	vst.idx.msk $0xffff, v3  }
0x36c: {  	[tilespmem:v4+s5+$0x0] =	vst.idx.msk $0xffff, v3  }
.LBB2_16:
0x36d: {  	_ =	swait.ge [sflag:s21], $0x4000  }
0x36e: {  	[sflag:s21] =	ssyncset.done $0x0  }
0x36f: {  	s0 =	simm.s32 $0x1440;
	[sflag:s21] =	ssyncadd.s32 $0xFFFFC000  }
0x370: {  	v4 =	vld [tilespmem:s0+$0x30]  }
0x371: {  	v5 =	vld [tilespmem:s0+$0xFFFFFFD0]  }
0x372: {  	v6 =	vld [tilespmem:s0+$0xFFFFFFE0]  }
0x373: {  	v7 =	vld [tilespmem:s0+$0xFFFFFFF0]  }
0x374: {  	v8 =	vld [tilespmem:s0+$0x0]  }
0x375: {  	v9 =	vld [tilespmem:s0+$0x10]  }
0x376: {  	v11 =	vld [tilespmem:s0+$0x20]  }
0x377: {  	s9 =	simm.s32 $0x1940;
	v12 =	vld [tilespmem:s0+$0xFFFFFFC0]  }
0x378: {  	v14 =	vld [tilespmem:s9+$0xFFFFFFC0]  }
0x379: {  	v15 =	vld [tilespmem:s9+$0xFFFFFFD0];
	v10 =	vshll.u32 v4, $0x2;
	v4 =	vand.u32 $0x7F, v4  }
0x37a: {  	s20 =	simm.s32 $0x1E40;
	v16 =	vld [tilespmem:s9+$0xFFFFFFE0];
	v45 =	vshll.u32 v5, $0x2;
	v13 =	vshll.u32 v6, $0x2;
	v5 =	vand.u32 $0x7F, v5  }
0x37b: {  	v20 =	vld [tilespmem:s20+$0x30];
	v21 =	vshll.u32 v7, $0x2;
	v23 =	vand.u32 $0x7F, v6;
	v27 =	vshll.u32 v8, $0x2  }
0x37c: {  	v22 =	vld [tilespmem:s9+$0xFFFFFFF0];
	v29 =	vand.u32 $0x7F, v7;
	v50 =	vshll.u32 v9, $0x2;
	v51 =	vand.u32 $0x7F, v8  }
0x37d: {  	v24 =	vld [tilespmem:s9+$0x0];
	v53 =	vshll.u32 v11, $0x2;
	v54 =	vand.u32 $0x7F, v9;
	v11 =	vand.u32 $0x7F, v11  }
0x37e: {  	v26 =	vld [tilespmem:s9+$0x10];
	v31 =	vshll.u32 v14, $0x2;
	v33 =	vshll.u32 v15, $0x2;
	v10 =	vand.u32 $0xFFFFFE00, v10  }
0x37f: {  	v28 =	vld [tilespmem:s9+$0x20];
	v35 =	vshll.u32 v16, $0x2;
	v19 =	vand.u32 $0xFFFFFE00, v13;
	v17 =	vor.u32 v4, v10  }
0x380: {  	v40 =	vand.u32 $0x7F, v14;
	v21 =	vand.u32 $0xFFFFFE00, v21;
	v4 =	vld [tilespmem:s9+$0x30];
	v7 =	vor.u32 v23, v19  }
0x381: {  	v41 =	vand.u32 $0x7F, v15;
	v14 =	vld [tilespmem:s20+$0xFFFFFFF0];
	v49 =	vand.u32 $0xFFFFFE00, v27;
	v8 =	vor.u32 v29, v21  }
0x382: {  	v15 =	vld [tilespmem:s20+$0x0];
	v55 =	vand.u32 $0xFFFFFE00, v53;
	v31 =	vand.u32 $0xFFFFFE00, v31;
	v9 =	vor.u32 v51, v49  }
0x383: {  	v11 =	vor.u32 v11, v55;
	v31 =	vor.u32 v40, v31;
	v40 =	vand.u32 $0x7F, v16;
	v16 =	vld [tilespmem:s20+$0x10]  }
0x384: {  	v6 =	vshll.u32 v12, $0x2;
	v36 =	vshll.u32 v22, $0x2;
	v63 =	vshll.u32 v24, $0x2;
	v18 =	vld.idx.msk [tilespmem:v17+s28+$0x0], $0xffff  }
0x385: {  	v22 =	vand.u32 $0x7F, v22;
	v24 =	vand.u32 $0x7F, v24;
	v46 =	vshll.u32 v4, $0x2;
	v58 =	vld.idx.msk [tilespmem:v7+s28+$0x0], $0xffff  }
0x386: {  	v6 =	vand.u32 $0xFFFFFE00, v6;
	v4 =	vand.u32 $0x7F, v4;
	v60 =	vld.idx.msk [tilespmem:v8+s28+$0x0], $0xffff;
	v13 =	vand.u32 $0xFFFFFE00, v46  }
0x387: {  	v33 =	vand.u32 $0xFFFFFE00, v33;
	v36 =	vand.u32 $0xFFFFFE00, v36;
	v30 =	vld.idx.msk [tilespmem:v9+s28+$0x0], $0xffff;
	v25 =	vor.u32 v4, v13  }
0x388: {  	v33 =	vor.u32 v41, v33;
	v22 =	vor.u32 v22, v36;
	v47 =	vor.u32 $0x80, v17;
	v34 =	vld.idx.msk [tilespmem:v11+s28+$0x0], $0xffff  }
0x389: {  	v61 =	vor.u32 $0x100, v17;
	v41 =	vor.u32 $0x180, v17;
	v17 =	vld [tilespmem:s20+$0x20];
	v4 =	vand.u32 $0x7F, v12  }
0x38a: {  	v10 =	vand.u32 $0xFFFFFE00, v45;
	v13 =	vor.u32 v4, v6;
	v4 =	vld [tilespmem:s20+$0xFFFFFFC0];
	v48 =	vmul.f32 v18, v20  }
0x38b: {  	v52 =	vand.u32 $0xFFFFFE00, v50;
	v62 =	vand.u32 $0xFFFFFE00, v35;
	v6 =	vor.u32 v5, v10;
	v5 =	vld [tilespmem:s20+$0xFFFFFFD0]  }
0x38c: {  	v35 =	vand.u32 $0xFFFFFE00, v63;
	v10 =	vor.u32 v54, v52;
	v46 =	vmul.f32 v60, v14;
	[tilespmem:v25+s5+$0x0] =	vst.idx.add.f32.msk $0xffff, v48  }
0x38d: {  	v24 =	vor.u32 v24, v35;
	v12 =	vld.idx.msk [tilespmem:v47+s28+$0x0], $0xffff  }
0x38e: {  	v54 =	vor.u32 $0x80, v8;
	[tilespmem:v22+s5+$0x0] =	vst.idx.add.f32.msk $0xffff, v46  }
0x38f: {  	v59 =	vor.u32 $0x80, v25;
	v56 =	vld.idx.msk [tilespmem:v13+s28+$0x0], $0xffff  }
0x390: {  	v49 =	vmul.f32 v30, v15;
	v57 =	vld.idx.msk [tilespmem:v6+s28+$0x0], $0xffff  }
0x391: {  	v42 =	vshll.u32 v26, $0x2;
	v32 =	vld.idx.msk [tilespmem:v10+s28+$0x0], $0xffff  }
0x392: {  	v26 =	vand.u32 $0x7F, v26;
	v37 =	vand.u32 $0xFFFFFE00, v42;
	[tilespmem:v24+s5+$0x0] =	vst.idx.add.f32.msk $0xffff, v49;
	v12 =	vmul.f32 v12, v20  }
0x393: {  	v26 =	vor.u32 v26, v37;
	v30 =	vld.idx.msk [tilespmem:v54+s28+$0x0], $0xffff  }
0x394: {  	v55 =	vor.u32 $0x80, v9;
	v19 =	vmul.f32 v56, v4;
	[tilespmem:v59+s5+$0x0] =	vst.idx.add.f32.msk $0xffff, v12  }
0x395: {  	v36 =	vor.u32 $0x80, v22;
	v18 =	vmul.f32 v57, v5;
	v12 =	vld [tilespmem:s20+$0xFFFFFFE0]  }
0x396: {  	v38 =	vshll.u32 v28, $0x2;
	v51 =	vmul.f32 v32, v16;
	[tilespmem:v31+s5+$0x0] =	vst.idx.add.f32.msk $0xffff, v19  }
0x397: {  	v44 =	vand.u32 $0xFFFFFE00, v38;
	v48 =	vor.u32 $0x80, v13;
	[tilespmem:v33+s5+$0x0] =	vst.idx.add.f32.msk $0xffff, v18  }
0x398: {  	v45 =	vand.u32 $0x7F, v28;
	v56 =	vor.u32 $0x80, v10;
	v42 =	vmul.f32 v30, v14;
	[tilespmem:v26+s5+$0x0] =	vst.idx.add.f32.msk $0xffff, v51  }
0x399: {  	v18 =	vor.u32 v45, v44;
	v19 =	vld.idx.msk [tilespmem:v55+s28+$0x0], $0xffff  }
0x39a: {  	v57 =	vor.u32 $0x80, v11;
	[tilespmem:v36+s5+$0x0] =	vst.idx.add.f32.msk $0xffff, v42  }
0x39b: {  	v45 =	vor.u32 $0x100, v8;
	v29 =	vld.idx.msk [tilespmem:v61+s28+$0x0], $0xffff  }
0x39c: {  	v23 =	vor.u32 v40, v62;
	v52 =	vmul.f32 v34, v17;
	v28 =	vld.idx.msk [tilespmem:v48+s28+$0x0], $0xffff  }
0x39d: {  	v50 =	vor.u32 $0x80, v6;
	v27 =	vld.idx.msk [tilespmem:v56+s28+$0x0], $0xffff  }
0x39e: {  	v63 =	vor.u32 $0x80, v24;
	[tilespmem:v18+s5+$0x0] =	vst.idx.add.f32.msk $0xffff, v52  }
0x39f: {  	v39 =	vor.u32 $0x100, v25;
	v21 =	vmul.f32 v58, v12;
	v32 =	vld.idx.msk [tilespmem:v57+s28+$0x0], $0xffff  }
0x3a0: {  	v53 =	vor.u32 $0x80, v7;
	v43 =	vmul.f32 v29, v20;
	v29 =	vld.idx.msk [tilespmem:v45+s28+$0x0], $0xffff  }
0x3a1: {  	v19 =	vmul.f32 v19, v15;
	[tilespmem:v23+s5+$0x0] =	vst.idx.add.f32.msk $0xffff, v21  }
0x3a2: {  	v58 =	vor.u32 $0x80, v31;
	v21 =	vld.idx.msk [tilespmem:v50+s28+$0x0], $0xffff  }
0x3a3: {  	v61 =	vor.u32 $0x100, v13;
	[tilespmem:v63+s5+$0x0] =	vst.idx.add.f32.msk $0xffff, v19  }
0x3a4: {  	[tilespmem:v39+s5+$0x0] =	vst.idx.add.f32.msk $0xffff, v43;
	v39 =	vor.u32 $0x80, v26  }
0x3a5: {  	v54 =	vor.u32 $0x100, v22;
	v28 =	vmul.f32 v28, v4;
	v59 =	vld.idx.msk [tilespmem:v53+s28+$0x0], $0xffff  }
0x3a6: {  	v60 =	vor.u32 $0x80, v33;
	v47 =	vld.idx.msk [tilespmem:v41+s28+$0x0], $0xffff  }
0x3a7: {  	v27 =	vmul.f32 v27, v16;
	v41 =	vor.u32 $0x80, v18;
	[tilespmem:v58+s5+$0x0] =	vst.idx.add.f32.msk $0xffff, v28  }
0x3a8: {  	v8 =	vor.u32 $0x180, v8;
	v28 =	vld.idx.msk [tilespmem:v61+s28+$0x0], $0xffff;
	v58 =	vmul.f32 v29, v14  }
0x3a9: {  	v62 =	vor.u32 $0x80, v23;
	v21 =	vmul.f32 v21, v5;
	[tilespmem:v39+s5+$0x0] =	vst.idx.add.f32.msk $0xffff, v27  }
0x3aa: {  	v43 =	vor.u32 $0x100, v6;
	v46 =	vmul.f32 v32, v17;
	[tilespmem:v54+s5+$0x0] =	vst.idx.add.f32.msk $0xffff, v58  }
0x3ab: {  	v49 =	vor.u32 $0x100, v11;
	[tilespmem:v60+s5+$0x0] =	vst.idx.add.f32.msk $0xffff, v21  }
0x3ac: {  	v25 =	vor.u32 $0x180, v25;
	v40 =	vmul.f32 v59, v12;
	[tilespmem:v41+s5+$0x0] =	vst.idx.add.f32.msk $0xffff, v46  }
0x3ad: {  	v44 =	vor.u32 $0x100, v7;
	v8 =	vld.idx.msk [tilespmem:v8+s28+$0x0], $0xffff  }
0x3ae: {  	v48 =	vor.u32 $0x100, v10;
	[tilespmem:v62+s5+$0x0] =	vst.idx.add.f32.msk $0xffff, v40  }
0x3af: {  	v51 =	vor.u32 $0x100, v31;
	v20 =	vmul.f32 v47, v20;
	v50 =	vld.idx.msk [tilespmem:v43+s28+$0x0], $0xffff  }
0x3b0: {  	v47 =	vor.u32 $0x100, v9;
	v19 =	vld.idx.msk [tilespmem:v49+s28+$0x0], $0xffff  }
0x3b1: {  	v13 =	vor.u32 $0x180, v13;
	[tilespmem:v25+s5+$0x0] =	vst.idx.add.f32.msk $0xffff, v20  }
0x3b2: {  	v52 =	vor.u32 $0x100, v33;
	v21 =	vld.idx.msk [tilespmem:v44+s28+$0x0], $0xffff;
	v28 =	vmul.f32 v28, v4  }
0x3b3: {  	v57 =	vor.u32 $0x100, v18;
	v20 =	vld.idx.msk [tilespmem:v48+s28+$0x0], $0xffff  }
0x3b4: {  	v53 =	vor.u32 $0x100, v23;
	[tilespmem:v51+s5+$0x0] =	vst.idx.add.f32.msk $0xffff, v28  }
0x3b5: {  	v56 =	vor.u32 $0x100, v26;
	v32 =	vld.idx.msk [tilespmem:v47+s28+$0x0], $0xffff;
	v25 =	vmul.f32 v50, v5  }
0x3b6: {  	v6 =	vor.u32 $0x180, v6;
	v13 =	vld.idx.msk [tilespmem:v13+s28+$0x0], $0xffff;
	v19 =	vmul.f32 v19, v17  }
0x3b7: {  	v7 =	vor.u32 $0x180, v7;
	v21 =	vmul.f32 v21, v12;
	[tilespmem:v52+s5+$0x0] =	vst.idx.add.f32.msk $0xffff, v25  }
0x3b8: {  	v10 =	vor.u32 $0x180, v10;
	v20 =	vmul.f32 v20, v16;
	[tilespmem:v57+s5+$0x0] =	vst.idx.add.f32.msk $0xffff, v19  }
0x3b9: {  	v55 =	vor.u32 $0x100, v24;
	[tilespmem:v53+s5+$0x0] =	vst.idx.add.f32.msk $0xffff, v21  }
0x3ba: {  	v9 =	vor.u32 $0x180, v9;
	[tilespmem:v56+s5+$0x0] =	vst.idx.add.f32.msk $0xffff, v20  }
0x3bb: {  	v11 =	vor.u32 $0x180, v11;
	v6 =	vld.idx.msk [tilespmem:v6+s28+$0x0], $0xffff  }
0x3bc: {  	v60 =	vor.u32 $0x180, v31;
	v59 =	vmul.f32 v32, v15;
	v7 =	vld.idx.msk [tilespmem:v7+s28+$0x0], $0xffff  }
0x3bd: {  	v61 =	vor.u32 $0x180, v33;
	v10 =	vld.idx.msk [tilespmem:v10+s28+$0x0], $0xffff  }
0x3be: {  	v62 =	vor.u32 $0x180, v23;
	[tilespmem:v55+s5+$0x0] =	vst.idx.add.f32.msk $0xffff, v59  }
0x3bf: {  	v22 =	vor.u32 $0x180, v22;
	v4 =	vmul.f32 v13, v4;
	v9 =	vld.idx.msk [tilespmem:v9+s28+$0x0], $0xffff  }
0x3c0: {  	v11 =	vld.idx.msk [tilespmem:v11+s28+$0x0], $0xffff;
	v5 =	vmul.f32 v6, v5;
	v6 =	vor.u32 $0x180, v26  }
0x3c1: {  	v63 =	vor.u32 $0x180, v24;
	[tilespmem:v60+s5+$0x0] =	vst.idx.add.f32.msk $0xffff, v4;
	v4 =	vmul.f32 v7, v12  }
0x3c2: {  	[tilespmem:v61+s5+$0x0] =	vst.idx.add.f32.msk $0xffff, v5;
	v5 =	vmul.f32 v8, v14  }
0x3c3: {  	v7 =	vmul.f32 v10, v16;
	[tilespmem:v62+s5+$0x0] =	vst.idx.add.f32.msk $0xffff, v4  }
0x3c4: {  	v4 =	vmul.f32 v9, v15;
	[tilespmem:v22+s5+$0x0] =	vst.idx.add.f32.msk $0xffff, v5  }
0x3c5: {  	[tilespmem:v6+s5+$0x0] =	vst.idx.add.f32.msk $0xffff, v7  }
0x3c6: {  	s1 =	simm.s32 $0x0;
	s3 =	simm.s32 $0x14C0;
	v5 =	vmul.f32 v11, v17;
	[tilespmem:v63+s5+$0x0] =	vst.idx.add.f32.msk $0xffff, v4;
	v4 =	vor.u32 $0x180, v18  }
.LBB2_17:
0x3c7: {  	v6 =	vld [tilespmem:s3+$0x30];
	s1 =	sadd.s32 $0x8, s1  }
0x3c8: {  	v7 =	vld [tilespmem:s3+$0xFFFFFFD0];
	p1 =	slt.u32 s1, $0x48  }
0x3c9: {  	v8 =	vld [tilespmem:s3+$0xFFFFFFE0]  }
0x3ca: {  	v9 =	vld [tilespmem:s3+$0xFFFFFFF0]  }
0x3cb: {  	v10 =	vld [tilespmem:s3+$0x0]  }
0x3cc: {  	v11 =	vld [tilespmem:s3+$0x10];
	v12 =	vshll.u32 v6, $0x2  }
0x3cd: {  	v6 =	vand.u32 $0x7F, v6;
	v13 =	vshll.u32 v7, $0x2;
	v14 =	vld [tilespmem:s3+$0x20];
	v12 =	vand.u32 $0xFFFFFE00, v12  }
0x3ce: {  	s9 =	sadd.s32 $0x80, s9;
	v15 =	vld [tilespmem:s3+$0xFFFFFFC0];
	v17 =	vand.u32 $0xFFFFFE00, v13;
	v16 =	vshll.u32 v8, $0x2;
	v13 =	vor.u32 v6, v12  }
0x3cf: {  	v6 =	vand.u32 $0x7F, v7;
	v7 =	vand.u32 $0xFFFFFE00, v16;
	v12 =	vshll.u32 v9, $0x2;
	v16 =	vld [tilespmem:s9+$0x30]  }
0x3d0: {  	v8 =	vand.u32 $0x7F, v8;
	v22 =	vld [tilespmem:s9+$0xFFFFFFC0];
	v12 =	vand.u32 $0xFFFFFE00, v12;
	v18 =	vshll.u32 v10, $0x2  }
0x3d1: {  	v9 =	vand.u32 $0x7F, v9;
	v23 =	vld [tilespmem:s9+$0xFFFFFFD0];
	v20 =	vand.u32 $0xFFFFFE00, v18;
	v18 =	vshll.u32 v11, $0x2  }
0x3d2: {  	v10 =	vand.u32 $0x7F, v10;
	v24 =	vld [tilespmem:s9+$0xFFFFFFE0];
	v21 =	vand.u32 $0xFFFFFE00, v18;
	v18 =	vshll.u32 v14, $0x2  }
0x3d3: {  	s20 =	sadd.s32 $0x80, s20;
	v19 =	vand.u32 $0x7F, v15;
	v15 =	vshll.u32 v15, $0x2;
	v25 =	vand.u32 $0xFFFFFE00, v18;
	v26 =	vld.idx.msk [tilespmem:v13+s28+$0x0], $0xffff  }
0x3d4: {  	v27 =	vand.u32 $0x7F, v11;
	v15 =	vand.u32 $0xFFFFFE00, v15;
	v11 =	vld [tilespmem:s20+$0x30];
	v18 =	vshll.u32 v16, $0x2  }
0x3d5: {  	v29 =	vand.u32 $0x7F, v14;
	v14 =	vand.u32 $0x7F, v16;
	v28 =	vld [tilespmem:s9+$0xFFFFFFF0];
	v18 =	vand.u32 $0xFFFFFE00, v18  }
0x3d6: {  	v17 =	vor.u32 v6, v17;
	v16 =	vor.u32 v19, v15;
	v30 =	vld [tilespmem:s9+$0x0];
	v14 =	vor.u32 v14, v18  }
0x3d7: {  	v19 =	vor.u32 v9, v12;
	v9 =	vor.u32 $0x80, v13;
	v18 =	vor.u32 v8, v7;
	v8 =	vld [tilespmem:s9+$0x10]  }
0x3d8: {  	v20 =	vor.u32 v10, v20;
	v15 =	vor.u32 v27, v21;
	v21 =	vor.u32 v29, v25;
	v10 =	vld [tilespmem:s9+$0x20]  }
0x3d9: {  	v6 =	vshll.u32 v22, $0x2;
	v12 =	vshll.u32 v23, $0x2;
	v7 =	vld [tilespmem:s20+$0xFFFFFFC0];
	v25 =	vmul.f32 v26, v11  }
0x3da: {  	v27 =	vshll.u32 v24, $0x2;
	v26 =	vand.u32 $0xFFFFFE00, v6;
	v6 =	vld [tilespmem:s20+$0xFFFFFFD0];
	v29 =	vshll.u32 v28, $0x2  }
0x3db: {  	v12 =	vand.u32 $0xFFFFFE00, v12;
	v27 =	vand.u32 $0xFFFFFE00, v27;
	v31 =	vshll.u32 v30, $0x2;
	[tilespmem:v14+s5+$0x0] =	vst.idx.add.f32.msk $0xffff, v25  }
0x3dc: {  	v25 =	vand.u32 $0xFFFFFE00, v29;
	v29 =	vand.u32 $0xFFFFFE00, v31;
	v31 =	vshll.u32 v8, $0x2;
	v9 =	vld.idx.msk [tilespmem:v9+s28+$0x0], $0xffff  }
0x3dd: {  	v22 =	vand.u32 $0x7F, v22;
	v32 =	vld.idx.msk [tilespmem:v16+s28+$0x0], $0xffff;
	v31 =	vand.u32 $0xFFFFFE00, v31;
	v33 =	vshll.u32 v10, $0x2  }
0x3de: {  	v23 =	vand.u32 $0x7F, v23;
	v24 =	vand.u32 $0x7F, v24;
	v34 =	vld.idx.msk [tilespmem:v17+s28+$0x0], $0xffff;
	v33 =	vand.u32 $0xFFFFFE00, v33  }
0x3df: {  	v36 =	vor.u32 $0x80, v14;
	v28 =	vand.u32 $0x7F, v28;
	v30 =	vand.u32 $0x7F, v30;
	v35 =	vld.idx.msk [tilespmem:v18+s28+$0x0], $0xffff  }
0x3e0: {  	v38 =	vor.u32 $0x100, v13;
	v8 =	vand.u32 $0x7F, v8;
	v10 =	vand.u32 $0x7F, v10;
	v37 =	vld.idx.msk [tilespmem:v19+s28+$0x0], $0xffff  }
0x3e1: {  	v23 =	vor.u32 v23, v12;
	v24 =	vor.u32 v24, v27;
	v22 =	vor.u32 v22, v26;
	v26 =	vld.idx.msk [tilespmem:v20+s28+$0x0], $0xffff  }
0x3e2: {  	v25 =	vor.u32 v28, v25;
	v27 =	vor.u32 v30, v29;
	v9 =	vmul.f32 v9, v11;
	v28 =	vld.idx.msk [tilespmem:v15+s28+$0x0], $0xffff  }
0x3e3: {  	v30 =	vor.u32 v8, v31;
	v29 =	vmul.f32 v32, v7;
	v32 =	vor.u32 v10, v33;
	v31 =	vld.idx.msk [tilespmem:v21+s28+$0x0], $0xffff  }
0x3e4: {  	v39 =	vor.u32 $0x80, v17;
	v33 =	vor.u32 $0x80, v16;
	v34 =	vmul.f32 v34, v6;
	[tilespmem:v36+s5+$0x0] =	vst.idx.add.f32.msk $0xffff, v9  }
0x3e5: {  	v41 =	vor.u32 $0x80, v20;
	v40 =	vor.u32 $0x80, v19;
	v36 =	vor.u32 $0x80, v18;
	v38 =	vld.idx.msk [tilespmem:v38+s28+$0x0], $0xffff  }
0x3e6: {  	v43 =	vor.u32 $0x80, v15;
	v44 =	vor.u32 $0x80, v21;
	v42 =	vor.u32 $0x80, v22;
	v8 =	vld [tilespmem:s20+$0xFFFFFFE0]  }
0x3e7: {  	v45 =	vor.u32 $0x80, v23;
	v46 =	vor.u32 $0x80, v24;
	v47 =	vor.u32 $0x80, v25;
	v9 =	vld [tilespmem:s20+$0xFFFFFFF0]  }
0x3e8: {  	v50 =	vor.u32 $0x100, v14;
	v48 =	vor.u32 $0x80, v27;
	v49 =	vor.u32 $0x80, v30;
	v10 =	vld [tilespmem:s20+$0x0]  }
0x3e9: {  	v53 =	vor.u32 $0x180, v13;
	v51 =	vor.u32 $0x100, v16;
	v52 =	vor.u32 $0x80, v32;
	v12 =	vld [tilespmem:s20+$0x10]  }
0x3ea: {  	v54 =	vor.u32 $0x100, v17;
	v56 =	vor.u32 $0x100, v19;
	v55 =	vor.u32 $0x100, v18;
	v13 =	vld [tilespmem:s20+$0x20]  }
0x3eb: {  	v38 =	vmul.f32 v38, v11;
	[tilespmem:v22+s5+$0x0] =	vst.idx.add.f32.msk $0xffff, v29;
	v29 =	vmul.f32 v35, v8;
	v35 =	vor.u32 $0x100, v20  }
0x3ec: {  	v57 =	vor.u32 $0x100, v21;
	[tilespmem:v23+s5+$0x0] =	vst.idx.add.f32.msk $0xffff, v34;
	v34 =	vmul.f32 v37, v9;
	v37 =	vor.u32 $0x100, v15  }
0x3ed: {  	v59 =	vor.u32 $0x100, v23;
	v58 =	vor.u32 $0x100, v22;
	v26 =	vmul.f32 v26, v10;
	[tilespmem:v50+s5+$0x0] =	vst.idx.add.f32.msk $0xffff, v38  }
0x3ee: {  	v38 =	vor.u32 $0x100, v24;
	v50 =	vor.u32 $0x100, v25;
	v28 =	vmul.f32 v28, v12;
	v53 =	vld.idx.msk [tilespmem:v53+s28+$0x0], $0xffff  }
0x3ef: {  	v60 =	vor.u32 $0x100, v30;
	[tilespmem:v24+s5+$0x0] =	vst.idx.add.f32.msk $0xffff, v29;
	v29 =	vor.u32 $0x100, v27;
	v31 =	vmul.f32 v31, v13  }
0x3f0: {  	v17 =	vor.u32 $0x180, v17;
	v16 =	vor.u32 $0x180, v16;
	[tilespmem:v25+s5+$0x0] =	vst.idx.add.f32.msk $0xffff, v34;
	v34 =	vor.u32 $0x100, v32  }
0x3f1: {  	v14 =	vor.u32 $0x180, v14;
	v19 =	vor.u32 $0x180, v19;
	v18 =	vor.u32 $0x180, v18;
	[tilespmem:v27+s5+$0x0] =	vst.idx.add.f32.msk $0xffff, v26  }
0x3f2: {  	v21 =	vor.u32 $0x180, v21;
	v20 =	vor.u32 $0x180, v20;
	v15 =	vor.u32 $0x180, v15;
	[tilespmem:v30+s5+$0x0] =	vst.idx.add.f32.msk $0xffff, v28  }
0x3f3: {  	v22 =	vor.u32 $0x180, v22;
	v23 =	vor.u32 $0x180, v23;
	v24 =	vor.u32 $0x180, v24;
	[tilespmem:v32+s5+$0x0] =	vst.idx.add.f32.msk $0xffff, v31  }
0x3f4: {  	v25 =	vor.u32 $0x180, v25;
	v27 =	vor.u32 $0x180, v27;
	v11 =	vmul.f32 v53, v11;
	v26 =	vld.idx.msk [tilespmem:v33+s28+$0x0], $0xffff  }
0x3f5: {  	v30 =	vor.u32 $0x180, v30;
	v31 =	vor.u32 $0x180, v32;
	v28 =	vld.idx.msk [tilespmem:v39+s28+$0x0], $0xffff  }
0x3f6: {  	[tilespmem:v14+s5+$0x0] =	vst.idx.add.f32.msk $0xffff, v11  }
0x3f7: {  	v11 =	vld.idx.msk [tilespmem:v36+s28+$0x0], $0xffff  }
0x3f8: {  	v14 =	vld.idx.msk [tilespmem:v40+s28+$0x0], $0xffff  }
0x3f9: {  	v32 =	vld.idx.msk [tilespmem:v41+s28+$0x0], $0xffff  }
0x3fa: {  	v26 =	vmul.f32 v26, v7;
	v33 =	vld.idx.msk [tilespmem:v43+s28+$0x0], $0xffff  }
0x3fb: {  	v28 =	vmul.f32 v28, v6;
	v36 =	vld.idx.msk [tilespmem:v44+s28+$0x0], $0xffff  }
0x3fc: {  	[tilespmem:v42+s5+$0x0] =	vst.idx.add.f32.msk $0xffff, v26  }
0x3fd: {  	v11 =	vmul.f32 v11, v8;
	[tilespmem:v45+s5+$0x0] =	vst.idx.add.f32.msk $0xffff, v28  }
0x3fe: {  	v14 =	vmul.f32 v14, v9;
	v26 =	vld.idx.msk [tilespmem:v51+s28+$0x0], $0xffff  }
0x3ff: {  	[tilespmem:v46+s5+$0x0] =	vst.idx.add.f32.msk $0xffff, v11;
	v11 =	vmul.f32 v32, v10  }
0x400: {  	[tilespmem:v47+s5+$0x0] =	vst.idx.add.f32.msk $0xffff, v14;
	v14 =	vmul.f32 v33, v12  }
0x401: {  	[tilespmem:v48+s5+$0x0] =	vst.idx.add.f32.msk $0xffff, v11;
	v11 =	vmul.f32 v36, v13  }
0x402: {  	[tilespmem:v49+s5+$0x0] =	vst.idx.add.f32.msk $0xffff, v14  }
0x403: {  	[tilespmem:v52+s5+$0x0] =	vst.idx.add.f32.msk $0xffff, v11  }
0x404: {  	v11 =	vmul.f32 v26, v7;
	v14 =	vld.idx.msk [tilespmem:v54+s28+$0x0], $0xffff  }
0x405: {  	v26 =	vld.idx.msk [tilespmem:v55+s28+$0x0], $0xffff  }
0x406: {  	v28 =	vld.idx.msk [tilespmem:v56+s28+$0x0], $0xffff  }
0x407: {  	v32 =	vld.idx.msk [tilespmem:v35+s28+$0x0], $0xffff  }
0x408: {  	v33 =	vld.idx.msk [tilespmem:v37+s28+$0x0], $0xffff  }
0x409: {  	v35 =	vld.idx.msk [tilespmem:v57+s28+$0x0], $0xffff  }
0x40a: {  	[tilespmem:v58+s5+$0x0] =	vst.idx.add.f32.msk $0xffff, v11;
	v11 =	vmul.f32 v14, v6  }
0x40b: {  	v14 =	vld.idx.msk [tilespmem:v16+s28+$0x0], $0xffff;
	v16 =	vmul.f32 v26, v8  }
0x40c: {  	[tilespmem:v59+s5+$0x0] =	vst.idx.add.f32.msk $0xffff, v11;
	v11 =	vmul.f32 v28, v9  }
0x40d: {  	[tilespmem:v38+s5+$0x0] =	vst.idx.add.f32.msk $0xffff, v16;
	v16 =	vmul.f32 v32, v10  }
0x40e: {  	[tilespmem:v50+s5+$0x0] =	vst.idx.add.f32.msk $0xffff, v11;
	v11 =	vmul.f32 v33, v12  }
0x40f: {  	[tilespmem:v29+s5+$0x0] =	vst.idx.add.f32.msk $0xffff, v16;
	v16 =	vmul.f32 v35, v13  }
0x410: {  	[tilespmem:v60+s5+$0x0] =	vst.idx.add.f32.msk $0xffff, v11  }
0x411: {  	v7 =	vmul.f32 v14, v7;
	[tilespmem:v34+s5+$0x0] =	vst.idx.add.f32.msk $0xffff, v16  }
0x412: {  	v11 =	vld.idx.msk [tilespmem:v17+s28+$0x0], $0xffff  }
0x413: {  	v14 =	vld.idx.msk [tilespmem:v18+s28+$0x0], $0xffff  }
0x414: {  	v16 =	vld.idx.msk [tilespmem:v19+s28+$0x0], $0xffff  }
0x415: {  	v17 =	vld.idx.msk [tilespmem:v20+s28+$0x0], $0xffff  }
0x416: {  	v15 =	vld.idx.msk [tilespmem:v15+s28+$0x0], $0xffff  }
0x417: {  	v18 =	vld.idx.msk [tilespmem:v21+s28+$0x0], $0xffff  }
0x418: {  	v6 =	vmul.f32 v11, v6;
	[tilespmem:v22+s5+$0x0] =	vst.idx.add.f32.msk $0xffff, v7  }
0x419: {  	v7 =	vmul.f32 v14, v8;
	[tilespmem:v4+s5+$0x0] =	vst.idx.add.f32.msk $0xffff, v5;
	v4 =	vmov v31  }
.Ltmp9:
0x41a: {  	v5 =	vmul.f32 v16, v9;
	[tilespmem:v23+s5+$0x0] =	vst.idx.add.f32.msk $0xffff, v6;
	(pc) =	sbr.rel @p1 .LBB2_17-.Ltmp9, $4  }
0x41b: {  	v6 =	vmul.f32 v17, v10;
	[tilespmem:v24+s5+$0x0] =	vst.idx.add.f32.msk $0xffff, v7  }
0x41c: {  	v7 =	vmul.f32 v15, v12;
	[tilespmem:v25+s5+$0x0] =	vst.idx.add.f32.msk $0xffff, v5  }
0x41d: {  	v5 =	vmul.f32 v18, v13;
	[tilespmem:v27+s5+$0x0] =	vst.idx.add.f32.msk $0xffff, v6  }
0x41e: {  	s3 =	sadd.s32 $0x80, s3;
	[tilespmem:v30+s5+$0x0] =	vst.idx.add.f32.msk $0xffff, v7  }
0x41f: {  	_ =	sdelay $0x3  }
0x420: {  	[tilespmem:v4+s5+$0x0] =	vst.idx.add.f32.msk $0xffff, v5;
	s0 =	sadd.s32 s7, s11;
	s1 =	simm.s32 @!p0 $0x200  }
0x421: {  	[hbm4b:s0+s16] =	stream.strided.scatter [tilespmem:s5], [sflag:$0x6], $0x4000, s17, s16, $0x38;
	[tilespmem:$0x1A300] =	vst v63  }
0x422: {  	s3 =	simm.s32 @!p0 $0x400;
	s4 =	simm.s32 @!p0 $0x6300;
	s0 =	sadd.s32 @!p0 s18, s12  }
0x423: {  	[tilespmem:s4], [sflag:$0x2] =	stream.strided.gather @!p0 [hbm4b:s0+s1], $0x4000, s3, s1, $0x38;
	[tilespmem:$0x1A300] =	vst v63  }
0x424: {  	_ =	swait.ge [sflag:s22], $0x4000  }
0x425: {  	[sflag:s22] =	ssyncset.done $0x0  }
0x426: {  	s20 =	simm.s32 $0x1940;
	[sflag:s22] =	ssyncadd.s32 $0xFFFFC000  }
0x427: {  	v4 =	vld [tilespmem:s20+$0xFFFFFFF0]  }
0x428: {  	v5 =	vld [tilespmem:s20+$0x0]  }
0x429: {  	v6 =	vld [tilespmem:s20+$0x30]  }
0x42a: {  	v7 =	vld [tilespmem:s20+$0x20];
	_ =	sdelay $0x3  }
0x42b: {  	v8 =	vshll.u32 v4, $0x2;
	v9 =	vshll.u32 v6, $0x2;
	v10 =	vshll.u32 v5, $0x2  }
0x42c: {  	v12 =	vld [tilespmem:s20+$0xFFFFFFD0];
	v11 =	vshll.u32 v7, $0x2;
	v5 =	vand.u32 $0x7F, v5;
	v10 =	vand.u32 $0xFFFFFE00, v10  }
0x42d: {  	v6 =	vand.u32 $0x7F, v6;
	v9 =	vand.u32 $0xFFFFFE00, v9;
	v5 =	vor.u32 v5, v10  }
0x42e: {  	v4 =	vand.u32 $0x7F, v4;
	v8 =	vand.u32 $0xFFFFFE00, v8;
	v9 =	vor.u32 v6, v9  }
0x42f: {  	v7 =	vand.u32 $0x7F, v7;
	v10 =	vand.u32 $0xFFFFFE00, v11;
	v4 =	vor.u32 v4, v8  }
0x430: {  	v7 =	vor.u32 v7, v10  }
0x431: {  	v6 =	vshll.u32 v12, $0x2;
	v10 =	vld [tilespmem:s20+$0xFFFFFFC0];
	v8 =	vor.u32 $0x80, v5  }
0x432: {  	v12 =	vand.u32 $0x7F, v12;
	v6 =	vand.u32 $0xFFFFFE00, v6;
	v11 =	vor.u32 $0x80, v7;
	[tilespmem:v5+s2+$0x0] =	vst.idx.msk $0xffff, v3  }
0x433: {  	v6 =	vor.u32 v12, v6;
	[tilespmem:v9+s2+$0x0] =	vst.idx.msk $0xffff, v3  }
0x434: {  	v13 =	vor.u32 $0x100, v7;
	[tilespmem:v4+s2+$0x0] =	vst.idx.msk $0xffff, v3  }
0x435: {  	v15 =	vld [tilespmem:s20+$0xFFFFFFE0];
	v12 =	vor.u32 $0x80, v9;
	[tilespmem:v7+s2+$0x0] =	vst.idx.msk $0xffff, v3  }
0x436: {  	v19 =	vor.u32 $0x180, v7;
	v14 =	vshll.u32 v10, $0x2;
	[tilespmem:v8+s2+$0x0] =	vst.idx.msk $0xffff, v3;
	v8 =	vld [tilespmem:s20+$0x10]  }
0x437: {  	v10 =	vand.u32 $0x7F, v10;
	v14 =	vand.u32 $0xFFFFFE00, v14;
	[tilespmem:v11+s2+$0x0] =	vst.idx.msk $0xffff, v3;
	v11 =	vor.u32 $0x100, v9  }
0x438: {  	[tilespmem:v6+s2+$0x0] =	vst.idx.msk $0xffff, v3;
	v14 =	vor.u32 v10, v14  }
0x439: {  	[tilespmem:v13+s2+$0x0] =	vst.idx.msk $0xffff, v3;
	v13 =	vor.u32 $0x100, v5  }
0x43a: {  	v18 =	vor.u32 $0x100, v6;
	[tilespmem:v12+s2+$0x0] =	vst.idx.msk $0xffff, v3;
	v10 =	vor.u32 $0x80, v6  }
0x43b: {  	v12 =	vshll.u32 v15, $0x2;
	v17 =	vor.u32 $0x80, v14;
	[tilespmem:v19+s2+$0x0] =	vst.idx.msk $0xffff, v3;
	v16 =	vshll.u32 v8, $0x2  }
0x43c: {  	v15 =	vand.u32 $0x7F, v15;
	v8 =	vand.u32 $0x7F, v8;
	v7 =	vand.u32 $0xFFFFFE00, v16;
	[tilespmem:v11+s2+$0x0] =	vst.idx.msk $0xffff, v3  }
0x43d: {  	v16 =	vor.u32 $0x100, v14;
	[tilespmem:v14+s2+$0x0] =	vst.idx.msk $0xffff, v3;
	v8 =	vor.u32 v8, v7;
	v7 =	vand.u32 $0xFFFFFE00, v12  }
0x43e: {  	[tilespmem:v13+s2+$0x0] =	vst.idx.msk $0xffff, v3;
	v13 =	vor.u32 v15, v7  }
0x43f: {  	v5 =	vor.u32 $0x180, v5;
	v11 =	vor.u32 $0x180, v9;
	[tilespmem:v10+s2+$0x0] =	vst.idx.msk $0xffff, v3;
	v15 =	vor.u32 $0x80, v13  }
0x440: {  	v9 =	vor.u32 $0x180, v14;
	v10 =	vor.u32 $0x80, v8;
	[tilespmem:v17+s2+$0x0] =	vst.idx.msk $0xffff, v3;
	v7 =	vor.u32 $0x100, v8  }
0x441: {  	s0 =	simm.s32 $0x0;
	s1 =	simm.s32 $0x19C0;
	[tilespmem:v18+s2+$0x0] =	vst.idx.msk $0xffff, v3;
	v17 =	vor.u32 $0x80, v4;
	v14 =	vor.u32 $0x100, v13;
	v12 =	vor.u32 $0x180, v13  }
.LBB2_19:
0x442: {  	v18 =	vld [tilespmem:s1+$0xFFFFFFF0];
	s0 =	sadd.s32 $0x8, s0;
	[tilespmem:v16+s2+$0x0] =	vst.idx.msk $0xffff, v3  }
0x443: {  	v16 =	vld [tilespmem:s1+$0x0];
	p1 =	slt.u32 s0, $0x48;
	[tilespmem:v13+s2+$0x0] =	vst.idx.msk $0xffff, v3  }
0x444: {  	v13 =	vld [tilespmem:s1+$0x30];
	[tilespmem:v15+s2+$0x0] =	vst.idx.msk $0xffff, v3  }
0x445: {  	v15 =	vld [tilespmem:s1+$0x20];
	[tilespmem:v8+s2+$0x0] =	vst.idx.msk $0xffff, v3  }
0x446: {  	v19 =	vld [tilespmem:s1+$0xFFFFFFD0];
	[tilespmem:v17+s2+$0x0] =	vst.idx.msk $0xffff, v3  }
0x447: {  	v21 =	vor.u32 $0x100, v4;
	v17 =	vld [tilespmem:s1+$0xFFFFFFC0];
	v20 =	vshll.u32 v18, $0x2;
	[tilespmem:v11+s2+$0x0] =	vst.idx.msk $0xffff, v3  }
0x448: {  	v8 =	vor.u32 $0x180, v8;
	v11 =	vld [tilespmem:s1+$0xFFFFFFE0];
	v20 =	vand.u32 $0xFFFFFE00, v20;
	[tilespmem:v14+s2+$0x0] =	vst.idx.msk $0xffff, v3;
	v14 =	vor.u32 $0x180, v4  }
0x449: {  	v6 =	vor.u32 $0x180, v6;
	v22 =	vand.u32 $0x7F, v13;
	v4 =	vshll.u32 v13, $0x2;
	[tilespmem:v10+s2+$0x0] =	vst.idx.msk $0xffff, v3  }
0x44a: {  	v10 =	vld [tilespmem:s1+$0x10];
	v13 =	vand.u32 $0x7F, v15;
	v15 =	vshll.u32 v15, $0x2;
	v23 =	vand.u32 $0xFFFFFE00, v4;
	[tilespmem:v5+s2+$0x0] =	vst.idx.msk $0xffff, v3  }
0x44b: {  	v4 =	vand.u32 $0x7F, v18;
	v5 =	vshll.u32 v16, $0x2;
	v24 =	vand.u32 $0x7F, v19;
	[tilespmem:v12+s2+$0x0] =	vst.idx.msk $0xffff, v3  }
0x44c: {  	v16 =	vand.u32 $0x7F, v16;
	v12 =	vshll.u32 v19, $0x2;
	v5 =	vand.u32 $0xFFFFFE00, v5;
	[tilespmem:v21+s2+$0x0] =	vst.idx.msk $0xffff, v3  }
0x44d: {  	v4 =	vor.u32 v4, v20;
	v16 =	vor.u32 v16, v5;
	v5 =	vand.u32 $0xFFFFFE00, v15;
	[tilespmem:v9+s2+$0x0] =	vst.idx.msk $0xffff, v3  }
0x44e: {  	v9 =	vshll.u32 v11, $0x2;
	v15 =	vor.u32 $0x80, v16;
	v18 =	vor.u32 v13, v5;
	[tilespmem:v6+s2+$0x0] =	vst.idx.msk $0xffff, v3  }
0x44f: {  	v19 =	vor.u32 $0x100, v16;
	v13 =	vor.u32 v22, v23;
	v6 =	vshll.u32 v10, $0x2;
	[tilespmem:v14+s2+$0x0] =	vst.idx.msk $0xffff, v3  }
0x450: {  	v5 =	vor.u32 $0x180, v16;
	v14 =	vor.u32 $0x80, v13;
	v6 =	vand.u32 $0xFFFFFE00, v6;
	[tilespmem:v7+s2+$0x0] =	vst.idx.msk $0xffff, v3  }
0x451: {  	v20 =	vand.u32 $0x7F, v11;
	v10 =	vand.u32 $0x7F, v10;
	v7 =	vand.u32 $0x7F, v17;
	[tilespmem:v8+s2+$0x0] =	vst.idx.msk $0xffff, v3  }
0x452: {  	v11 =	vand.u32 $0xFFFFFE00, v12;
	v12 =	vor.u32 $0x80, v18;
	v8 =	vor.u32 v10, v6;
	[tilespmem:v16+s2+$0x0] =	vst.idx.msk $0xffff, v3  }
0x453: {  	v10 =	vshll.u32 v17, $0x2;
	v6 =	vor.u32 v24, v11;
	v16 =	vor.u32 $0x100, v18;
	[tilespmem:v18+s2+$0x0] =	vst.idx.msk $0xffff, v3  }
0x454: {  	v11 =	vor.u32 $0x180, v13;
	v10 =	vand.u32 $0xFFFFFE00, v10;
	[tilespmem:v13+s2+$0x0] =	vst.idx.msk $0xffff, v3  }
0x455: {  	v21 =	vor.u32 $0x100, v13;
	v17 =	vor.u32 v7, v10;
	[tilespmem:v4+s2+$0x0] =	vst.idx.msk $0xffff, v3  }
0x456: {  	[tilespmem:v15+s2+$0x0] =	vst.idx.msk $0xffff, v3  }
0x457: {  	v22 =	vor.u32 $0x80, v6;
	v7 =	vand.u32 $0xFFFFFE00, v9;
	v10 =	vor.u32 $0x80, v8;
	[tilespmem:v12+s2+$0x0] =	vst.idx.msk $0xffff, v3  }
0x458: {  	v13 =	vor.u32 v20, v7;
	[tilespmem:v16+s2+$0x0] =	vst.idx.msk $0xffff, v3  }
0x459: {  	v23 =	vor.u32 $0x100, v6;
	v20 =	vor.u32 $0x80, v17;
	v16 =	vor.u32 $0x100, v17;
	[tilespmem:v6+s2+$0x0] =	vst.idx.msk $0xffff, v3  }
0x45a: {  	v18 =	vor.u32 $0x180, v18;
	v7 =	vor.u32 $0x100, v8;
	v15 =	vor.u32 $0x80, v13;
	[tilespmem:v14+s2+$0x0] =	vst.idx.msk $0xffff, v3  }
0x45b: {  	[tilespmem:v17+s2+$0x0] =	vst.idx.msk $0xffff, v3  }
0x45c: {  	[tilespmem:v22+s2+$0x0] =	vst.idx.msk $0xffff, v3  }
.Ltmp10:
0x45d: {  	v9 =	vor.u32 $0x180, v17;
	v14 =	vor.u32 $0x100, v13;
	[tilespmem:v21+s2+$0x0] =	vst.idx.msk $0xffff, v3;
	(pc) =	sbr.rel @p1 .LBB2_19-.Ltmp10, $4  }
0x45e: {  	v12 =	vor.u32 $0x180, v13;
	[tilespmem:v19+s2+$0x0] =	vst.idx.msk $0xffff, v3  }
0x45f: {  	[tilespmem:v20+s2+$0x0] =	vst.idx.msk $0xffff, v3  }
0x460: {  	[tilespmem:v23+s2+$0x0] =	vst.idx.msk $0xffff, v3  }
0x461: {  	s1 =	sadd.s32 $0x80, s1;
	v17 =	vor.u32 $0x80, v4;
	[tilespmem:v18+s2+$0x0] =	vst.idx.msk $0xffff, v3  }
0x462: {  	_ =	sdelay $0x3  }
0x463: {  	[tilespmem:v16+s2+$0x0] =	vst.idx.msk $0xffff, v3  }
0x464: {  	[tilespmem:v13+s2+$0x0] =	vst.idx.msk $0xffff, v3  }
0x465: {  	[tilespmem:v8+s2+$0x0] =	vst.idx.msk $0xffff, v3  }
0x466: {  	[tilespmem:v17+s2+$0x0] =	vst.idx.msk $0xffff, v3  }
0x467: {  	[tilespmem:v11+s2+$0x0] =	vst.idx.msk $0xffff, v3  }
0x468: {  	[tilespmem:v5+s2+$0x0] =	vst.idx.msk $0xffff, v3  }
0x469: {  	[tilespmem:v15+s2+$0x0] =	vst.idx.msk $0xffff, v3  }
0x46a: {  	v35 =	vor.u32 $0x100, v4;
	[tilespmem:v10+s2+$0x0] =	vst.idx.msk $0xffff, v3  }
0x46b: {  	v6 =	vor.u32 $0x180, v6;
	[tilespmem:v9+s2+$0x0] =	vst.idx.msk $0xffff, v3  }
0x46c: {  	v5 =	vor.u32 $0x180, v8;
	[tilespmem:v14+s2+$0x0] =	vst.idx.msk $0xffff, v3  }
0x46d: {  	v4 =	vor.u32 $0x180, v4;
	[tilespmem:v7+s2+$0x0] =	vst.idx.msk $0xffff, v3  }
0x46e: {  	[tilespmem:v12+s2+$0x0] =	vst.idx.msk $0xffff, v3  }
0x46f: {  	[tilespmem:v35+s2+$0x0] =	vst.idx.msk $0xffff, v3  }
0x470: {  	[tilespmem:v6+s2+$0x0] =	vst.idx.msk $0xffff, v3  }
0x471: {  	[tilespmem:v5+s2+$0x0] =	vst.idx.msk $0xffff, v3  }
0x472: {  	[tilespmem:v4+s2+$0x0] =	vst.idx.msk $0xffff, v3  }
0x473: {  	_ =	swait.ge [sflag:s23], $0x4000  }
0x474: {  	[sflag:s23] =	ssyncset.done $0x0  }
0x475: {  	s0 =	simm.s32 $0x1440;
	[sflag:s23] =	ssyncadd.s32 $0xFFFFC000  }
0x476: {  	v4 =	vld [tilespmem:s0+$0x30]  }
0x477: {  	v5 =	vld [tilespmem:s0+$0xFFFFFFD0]  }
0x478: {  	v6 =	vld [tilespmem:s0+$0xFFFFFFE0]  }
0x479: {  	v7 =	vld [tilespmem:s0+$0xFFFFFFF0]  }
0x47a: {  	v36 =	vld [tilespmem:s0+$0x0]  }
0x47b: {  	v37 =	vld [tilespmem:s0+$0x10]  }
0x47c: {  	v39 =	vld [tilespmem:s0+$0x20]  }
0x47d: {  	s7 =	simm.s32 $0x1940;
	v40 =	vld [tilespmem:s0+$0xFFFFFFC0]  }
0x47e: {  	v41 =	vld [tilespmem:s7+$0xFFFFFFC0]  }
0x47f: {  	v42 =	vld [tilespmem:s7+$0xFFFFFFD0]  }
0x480: {  	s9 =	simm.s32 $0x1E40;
	v44 =	vld [tilespmem:s7+$0xFFFFFFE0];
	v38 =	vshll.u32 v4, $0x2;
	v4 =	vand.u32 $0x7F, v4  }
0x481: {  	v20 =	vld [tilespmem:s9+$0x30];
	v43 =	vshll.u32 v5, $0x2;
	v45 =	vshll.u32 v6, $0x2;
	v5 =	vand.u32 $0x7F, v5  }
0x482: {  	v22 =	vld [tilespmem:s7+$0xFFFFFFF0];
	v21 =	vshll.u32 v7, $0x2;
	v23 =	vand.u32 $0x7F, v6;
	v6 =	vshll.u32 v40, $0x2  }
0x483: {  	v24 =	vld [tilespmem:s7+$0x0];
	v27 =	vshll.u32 v36, $0x2;
	v29 =	vand.u32 $0x7F, v7;
	v50 =	vshll.u32 v37, $0x2  }
0x484: {  	v26 =	vld [tilespmem:s7+$0x10];
	v51 =	vand.u32 $0x7F, v36;
	v53 =	vshll.u32 v39, $0x2;
	v10 =	vand.u32 $0xFFFFFE00, v38  }
0x485: {  	v28 =	vld [tilespmem:s7+$0x20];
	v54 =	vand.u32 $0x7F, v37;
	v19 =	vand.u32 $0xFFFFFE00, v45;
	v17 =	vor.u32 v4, v10  }
0x486: {  	v11 =	vand.u32 $0x7F, v39;
	v21 =	vand.u32 $0xFFFFFE00, v21;
	v4 =	vld [tilespmem:s7+$0x30];
	v7 =	vor.u32 v23, v19  }
0x487: {  	v14 =	vld [tilespmem:s9+$0xFFFFFFF0];
	v31 =	vshll.u32 v41, $0x2;
	v49 =	vand.u32 $0xFFFFFE00, v27;
	v8 =	vor.u32 v29, v21  }
0x488: {  	v15 =	vld [tilespmem:s9+$0x0];
	v33 =	vshll.u32 v42, $0x2;
	v55 =	vand.u32 $0xFFFFFE00, v53;
	v9 =	vor.u32 v51, v49  }
0x489: {  	v16 =	vld [tilespmem:s9+$0x10];
	v35 =	vshll.u32 v44, $0x2;
	v36 =	vshll.u32 v22, $0x2;
	v11 =	vor.u32 v11, v55  }
0x48a: {  	v63 =	vshll.u32 v24, $0x2;
	v22 =	vand.u32 $0x7F, v22;
	v24 =	vand.u32 $0x7F, v24;
	v18 =	vld.idx.msk [tilespmem:v17+s29+$0x0], $0xffff  }
0x48b: {  	v6 =	vand.u32 $0xFFFFFE00, v6;
	v52 =	vand.u32 $0xFFFFFE00, v50;
	v46 =	vshll.u32 v4, $0x2;
	v58 =	vld.idx.msk [tilespmem:v7+s29+$0x0], $0xffff  }
0x48c: {  	v33 =	vand.u32 $0xFFFFFE00, v33;
	v4 =	vand.u32 $0x7F, v4;
	v60 =	vld.idx.msk [tilespmem:v8+s29+$0x0], $0xffff;
	v13 =	vand.u32 $0xFFFFFE00, v46  }
0x48d: {  	v62 =	vand.u32 $0xFFFFFE00, v35;
	v36 =	vand.u32 $0xFFFFFE00, v36;
	v30 =	vld.idx.msk [tilespmem:v9+s29+$0x0], $0xffff;
	v25 =	vor.u32 v4, v13  }
0x48e: {  	v10 =	vand.u32 $0xFFFFFE00, v43;
	v47 =	vor.u32 $0x80, v17;
	v34 =	vld.idx.msk [tilespmem:v11+s29+$0x0], $0xffff;
	v4 =	vand.u32 $0x7F, v40  }
0x48f: {  	v22 =	vor.u32 v22, v36;
	v40 =	vand.u32 $0x7F, v41;
	v13 =	vor.u32 v4, v6;
	v4 =	vld [tilespmem:s9+$0xFFFFFFC0]  }
0x490: {  	v41 =	vand.u32 $0x7F, v42;
	v6 =	vor.u32 v5, v10;
	v5 =	vld [tilespmem:s9+$0xFFFFFFD0];
	v48 =	vmul.f32 v18, v20  }
0x491: {  	v61 =	vor.u32 $0x100, v17;
	v33 =	vor.u32 v41, v33;
	v41 =	vor.u32 $0x180, v17;
	v17 =	vld [tilespmem:s9+$0x20]  }
0x492: {  	v35 =	vand.u32 $0xFFFFFE00, v63;
	v10 =	vor.u32 v54, v52;
	v46 =	vmul.f32 v60, v14;
	[tilespmem:v25+s2+$0x0] =	vst.idx.add.f32.msk $0xffff, v48  }
0x493: {  	v24 =	vor.u32 v24, v35;
	v12 =	vld.idx.msk [tilespmem:v47+s29+$0x0], $0xffff  }
0x494: {  	v54 =	vor.u32 $0x80, v8;
	[tilespmem:v22+s2+$0x0] =	vst.idx.add.f32.msk $0xffff, v46  }
0x495: {  	v59 =	vor.u32 $0x80, v25;
	v56 =	vld.idx.msk [tilespmem:v13+s29+$0x0], $0xffff  }
0x496: {  	v31 =	vand.u32 $0xFFFFFE00, v31;
	v49 =	vmul.f32 v30, v15;
	v57 =	vld.idx.msk [tilespmem:v6+s29+$0x0], $0xffff  }
0x497: {  	v42 =	vshll.u32 v26, $0x2;
	v31 =	vor.u32 v40, v31;
	v32 =	vld.idx.msk [tilespmem:v10+s29+$0x0], $0xffff  }
0x498: {  	v26 =	vand.u32 $0x7F, v26;
	v37 =	vand.u32 $0xFFFFFE00, v42;
	[tilespmem:v24+s2+$0x0] =	vst.idx.add.f32.msk $0xffff, v49;
	v12 =	vmul.f32 v12, v20  }
0x499: {  	v26 =	vor.u32 v26, v37;
	v30 =	vld.idx.msk [tilespmem:v54+s29+$0x0], $0xffff  }
0x49a: {  	v55 =	vor.u32 $0x80, v9;
	v19 =	vmul.f32 v56, v4;
	[tilespmem:v59+s2+$0x0] =	vst.idx.add.f32.msk $0xffff, v12  }
0x49b: {  	v36 =	vor.u32 $0x80, v22;
	v18 =	vmul.f32 v57, v5;
	v12 =	vld [tilespmem:s9+$0xFFFFFFE0]  }
0x49c: {  	v38 =	vshll.u32 v28, $0x2;
	v51 =	vmul.f32 v32, v16;
	[tilespmem:v31+s2+$0x0] =	vst.idx.add.f32.msk $0xffff, v19  }
0x49d: {  	v45 =	vand.u32 $0x7F, v28;
	v40 =	vand.u32 $0x7F, v44;
	v48 =	vor.u32 $0x80, v13;
	[tilespmem:v33+s2+$0x0] =	vst.idx.add.f32.msk $0xffff, v18  }
0x49e: {  	v44 =	vand.u32 $0xFFFFFE00, v38;
	v56 =	vor.u32 $0x80, v10;
	v42 =	vmul.f32 v30, v14;
	[tilespmem:v26+s2+$0x0] =	vst.idx.add.f32.msk $0xffff, v51  }
0x49f: {  	v18 =	vor.u32 v45, v44;
	v19 =	vld.idx.msk [tilespmem:v55+s29+$0x0], $0xffff  }
0x4a0: {  	v57 =	vor.u32 $0x80, v11;
	[tilespmem:v36+s2+$0x0] =	vst.idx.add.f32.msk $0xffff, v42  }
0x4a1: {  	v45 =	vor.u32 $0x100, v8;
	v29 =	vld.idx.msk [tilespmem:v61+s29+$0x0], $0xffff  }
0x4a2: {  	v23 =	vor.u32 v40, v62;
	v52 =	vmul.f32 v34, v17;
	v28 =	vld.idx.msk [tilespmem:v48+s29+$0x0], $0xffff  }
0x4a3: {  	v50 =	vor.u32 $0x80, v6;
	v27 =	vld.idx.msk [tilespmem:v56+s29+$0x0], $0xffff  }
0x4a4: {  	v63 =	vor.u32 $0x80, v24;
	[tilespmem:v18+s2+$0x0] =	vst.idx.add.f32.msk $0xffff, v52  }
0x4a5: {  	v39 =	vor.u32 $0x100, v25;
	v21 =	vmul.f32 v58, v12;
	v32 =	vld.idx.msk [tilespmem:v57+s29+$0x0], $0xffff  }
0x4a6: {  	v53 =	vor.u32 $0x80, v7;
	v43 =	vmul.f32 v29, v20;
	v29 =	vld.idx.msk [tilespmem:v45+s29+$0x0], $0xffff  }
0x4a7: {  	v19 =	vmul.f32 v19, v15;
	[tilespmem:v23+s2+$0x0] =	vst.idx.add.f32.msk $0xffff, v21  }
0x4a8: {  	v58 =	vor.u32 $0x80, v31;
	v21 =	vld.idx.msk [tilespmem:v50+s29+$0x0], $0xffff  }
0x4a9: {  	v61 =	vor.u32 $0x100, v13;
	[tilespmem:v63+s2+$0x0] =	vst.idx.add.f32.msk $0xffff, v19  }
0x4aa: {  	[tilespmem:v39+s2+$0x0] =	vst.idx.add.f32.msk $0xffff, v43;
	v39 =	vor.u32 $0x80, v26  }
0x4ab: {  	v54 =	vor.u32 $0x100, v22;
	v28 =	vmul.f32 v28, v4;
	v59 =	vld.idx.msk [tilespmem:v53+s29+$0x0], $0xffff  }
0x4ac: {  	v60 =	vor.u32 $0x80, v33;
	v47 =	vld.idx.msk [tilespmem:v41+s29+$0x0], $0xffff  }
0x4ad: {  	v27 =	vmul.f32 v27, v16;
	v41 =	vor.u32 $0x80, v18;
	[tilespmem:v58+s2+$0x0] =	vst.idx.add.f32.msk $0xffff, v28  }
0x4ae: {  	v8 =	vor.u32 $0x180, v8;
	v28 =	vld.idx.msk [tilespmem:v61+s29+$0x0], $0xffff;
	v58 =	vmul.f32 v29, v14  }
0x4af: {  	v62 =	vor.u32 $0x80, v23;
	v21 =	vmul.f32 v21, v5;
	[tilespmem:v39+s2+$0x0] =	vst.idx.add.f32.msk $0xffff, v27  }
0x4b0: {  	v43 =	vor.u32 $0x100, v6;
	v46 =	vmul.f32 v32, v17;
	[tilespmem:v54+s2+$0x0] =	vst.idx.add.f32.msk $0xffff, v58  }
0x4b1: {  	v49 =	vor.u32 $0x100, v11;
	[tilespmem:v60+s2+$0x0] =	vst.idx.add.f32.msk $0xffff, v21  }
0x4b2: {  	v25 =	vor.u32 $0x180, v25;
	v40 =	vmul.f32 v59, v12;
	[tilespmem:v41+s2+$0x0] =	vst.idx.add.f32.msk $0xffff, v46  }
0x4b3: {  	v44 =	vor.u32 $0x100, v7;
	v8 =	vld.idx.msk [tilespmem:v8+s29+$0x0], $0xffff  }
0x4b4: {  	v48 =	vor.u32 $0x100, v10;
	[tilespmem:v62+s2+$0x0] =	vst.idx.add.f32.msk $0xffff, v40  }
0x4b5: {  	v51 =	vor.u32 $0x100, v31;
	v20 =	vmul.f32 v47, v20;
	v50 =	vld.idx.msk [tilespmem:v43+s29+$0x0], $0xffff  }
0x4b6: {  	v47 =	vor.u32 $0x100, v9;
	v19 =	vld.idx.msk [tilespmem:v49+s29+$0x0], $0xffff  }
0x4b7: {  	v13 =	vor.u32 $0x180, v13;
	[tilespmem:v25+s2+$0x0] =	vst.idx.add.f32.msk $0xffff, v20  }
0x4b8: {  	v52 =	vor.u32 $0x100, v33;
	v21 =	vld.idx.msk [tilespmem:v44+s29+$0x0], $0xffff;
	v28 =	vmul.f32 v28, v4  }
0x4b9: {  	v57 =	vor.u32 $0x100, v18;
	v20 =	vld.idx.msk [tilespmem:v48+s29+$0x0], $0xffff  }
0x4ba: {  	v53 =	vor.u32 $0x100, v23;
	[tilespmem:v51+s2+$0x0] =	vst.idx.add.f32.msk $0xffff, v28  }
0x4bb: {  	v56 =	vor.u32 $0x100, v26;
	v32 =	vld.idx.msk [tilespmem:v47+s29+$0x0], $0xffff;
	v25 =	vmul.f32 v50, v5  }
0x4bc: {  	v6 =	vor.u32 $0x180, v6;
	v13 =	vld.idx.msk [tilespmem:v13+s29+$0x0], $0xffff;
	v19 =	vmul.f32 v19, v17  }
0x4bd: {  	v7 =	vor.u32 $0x180, v7;
	v21 =	vmul.f32 v21, v12;
	[tilespmem:v52+s2+$0x0] =	vst.idx.add.f32.msk $0xffff, v25  }
0x4be: {  	v10 =	vor.u32 $0x180, v10;
	v20 =	vmul.f32 v20, v16;
	[tilespmem:v57+s2+$0x0] =	vst.idx.add.f32.msk $0xffff, v19  }
0x4bf: {  	v55 =	vor.u32 $0x100, v24;
	[tilespmem:v53+s2+$0x0] =	vst.idx.add.f32.msk $0xffff, v21  }
0x4c0: {  	v9 =	vor.u32 $0x180, v9;
	[tilespmem:v56+s2+$0x0] =	vst.idx.add.f32.msk $0xffff, v20  }
0x4c1: {  	v11 =	vor.u32 $0x180, v11;
	v6 =	vld.idx.msk [tilespmem:v6+s29+$0x0], $0xffff  }
0x4c2: {  	v60 =	vor.u32 $0x180, v31;
	v59 =	vmul.f32 v32, v15;
	v7 =	vld.idx.msk [tilespmem:v7+s29+$0x0], $0xffff  }
0x4c3: {  	v61 =	vor.u32 $0x180, v33;
	v10 =	vld.idx.msk [tilespmem:v10+s29+$0x0], $0xffff  }
0x4c4: {  	v62 =	vor.u32 $0x180, v23;
	[tilespmem:v55+s2+$0x0] =	vst.idx.add.f32.msk $0xffff, v59  }
0x4c5: {  	v22 =	vor.u32 $0x180, v22;
	v4 =	vmul.f32 v13, v4;
	v9 =	vld.idx.msk [tilespmem:v9+s29+$0x0], $0xffff  }
0x4c6: {  	v11 =	vld.idx.msk [tilespmem:v11+s29+$0x0], $0xffff;
	v5 =	vmul.f32 v6, v5;
	v6 =	vor.u32 $0x180, v26  }
0x4c7: {  	v63 =	vor.u32 $0x180, v24;
	[tilespmem:v60+s2+$0x0] =	vst.idx.add.f32.msk $0xffff, v4;
	v4 =	vmul.f32 v7, v12  }
0x4c8: {  	[tilespmem:v61+s2+$0x0] =	vst.idx.add.f32.msk $0xffff, v5;
	v5 =	vmul.f32 v8, v14  }
0x4c9: {  	v7 =	vmul.f32 v10, v16;
	[tilespmem:v62+s2+$0x0] =	vst.idx.add.f32.msk $0xffff, v4  }
0x4ca: {  	v4 =	vmul.f32 v9, v15;
	[tilespmem:v22+s2+$0x0] =	vst.idx.add.f32.msk $0xffff, v5  }
0x4cb: {  	[tilespmem:v6+s2+$0x0] =	vst.idx.add.f32.msk $0xffff, v7  }
0x4cc: {  	s1 =	simm.s32 $0x0;
	s3 =	simm.s32 $0x14C0;
	v5 =	vmul.f32 v11, v17;
	[tilespmem:v63+s2+$0x0] =	vst.idx.add.f32.msk $0xffff, v4;
	v4 =	vor.u32 $0x180, v18  }
.LBB2_21:
0x4cd: {  	v6 =	vld [tilespmem:s3+$0x30];
	s1 =	sadd.s32 $0x8, s1  }
0x4ce: {  	v7 =	vld [tilespmem:s3+$0xFFFFFFD0];
	p1 =	slt.u32 s1, $0x48  }
0x4cf: {  	v8 =	vld [tilespmem:s3+$0xFFFFFFE0]  }
0x4d0: {  	v9 =	vld [tilespmem:s3+$0xFFFFFFF0]  }
0x4d1: {  	v10 =	vld [tilespmem:s3+$0x0]  }
0x4d2: {  	v11 =	vld [tilespmem:s3+$0x10];
	v12 =	vshll.u32 v6, $0x2  }
0x4d3: {  	v6 =	vand.u32 $0x7F, v6;
	v13 =	vshll.u32 v7, $0x2;
	v14 =	vld [tilespmem:s3+$0x20];
	v12 =	vand.u32 $0xFFFFFE00, v12  }
0x4d4: {  	s7 =	sadd.s32 $0x80, s7;
	v15 =	vld [tilespmem:s3+$0xFFFFFFC0];
	v17 =	vand.u32 $0xFFFFFE00, v13;
	v16 =	vshll.u32 v8, $0x2;
	v13 =	vor.u32 v6, v12  }
0x4d5: {  	v6 =	vand.u32 $0x7F, v7;
	v7 =	vand.u32 $0xFFFFFE00, v16;
	v12 =	vshll.u32 v9, $0x2;
	v16 =	vld [tilespmem:s7+$0x30]  }
0x4d6: {  	v8 =	vand.u32 $0x7F, v8;
	v22 =	vld [tilespmem:s7+$0xFFFFFFC0];
	v12 =	vand.u32 $0xFFFFFE00, v12;
	v18 =	vshll.u32 v10, $0x2  }
0x4d7: {  	v9 =	vand.u32 $0x7F, v9;
	v23 =	vld [tilespmem:s7+$0xFFFFFFD0];
	v20 =	vand.u32 $0xFFFFFE00, v18;
	v18 =	vshll.u32 v11, $0x2  }
0x4d8: {  	v10 =	vand.u32 $0x7F, v10;
	v24 =	vld [tilespmem:s7+$0xFFFFFFE0];
	v21 =	vand.u32 $0xFFFFFE00, v18;
	v18 =	vshll.u32 v14, $0x2  }
0x4d9: {  	s9 =	sadd.s32 $0x80, s9;
	v19 =	vand.u32 $0x7F, v15;
	v15 =	vshll.u32 v15, $0x2;
	v25 =	vand.u32 $0xFFFFFE00, v18;
	v26 =	vld.idx.msk [tilespmem:v13+s29+$0x0], $0xffff  }
0x4da: {  	v27 =	vand.u32 $0x7F, v11;
	v15 =	vand.u32 $0xFFFFFE00, v15;
	v11 =	vld [tilespmem:s9+$0x30];
	v18 =	vshll.u32 v16, $0x2  }
0x4db: {  	v29 =	vand.u32 $0x7F, v14;
	v14 =	vand.u32 $0x7F, v16;
	v28 =	vld [tilespmem:s7+$0xFFFFFFF0];
	v18 =	vand.u32 $0xFFFFFE00, v18  }
0x4dc: {  	v17 =	vor.u32 v6, v17;
	v16 =	vor.u32 v19, v15;
	v30 =	vld [tilespmem:s7+$0x0];
	v14 =	vor.u32 v14, v18  }
0x4dd: {  	v19 =	vor.u32 v9, v12;
	v9 =	vor.u32 $0x80, v13;
	v18 =	vor.u32 v8, v7;
	v8 =	vld [tilespmem:s7+$0x10]  }
0x4de: {  	v20 =	vor.u32 v10, v20;
	v15 =	vor.u32 v27, v21;
	v21 =	vor.u32 v29, v25;
	v10 =	vld [tilespmem:s7+$0x20]  }
0x4df: {  	v6 =	vshll.u32 v22, $0x2;
	v12 =	vshll.u32 v23, $0x2;
	v7 =	vld [tilespmem:s9+$0xFFFFFFC0];
	v25 =	vmul.f32 v26, v11  }
0x4e0: {  	v27 =	vshll.u32 v24, $0x2;
	v26 =	vand.u32 $0xFFFFFE00, v6;
	v6 =	vld [tilespmem:s9+$0xFFFFFFD0];
	v29 =	vshll.u32 v28, $0x2  }
0x4e1: {  	v12 =	vand.u32 $0xFFFFFE00, v12;
	v27 =	vand.u32 $0xFFFFFE00, v27;
	v31 =	vshll.u32 v30, $0x2;
	[tilespmem:v14+s2+$0x0] =	vst.idx.add.f32.msk $0xffff, v25  }
0x4e2: {  	v25 =	vand.u32 $0xFFFFFE00, v29;
	v29 =	vand.u32 $0xFFFFFE00, v31;
	v31 =	vshll.u32 v8, $0x2;
	v9 =	vld.idx.msk [tilespmem:v9+s29+$0x0], $0xffff  }
0x4e3: {  	v22 =	vand.u32 $0x7F, v22;
	v32 =	vld.idx.msk [tilespmem:v16+s29+$0x0], $0xffff;
	v31 =	vand.u32 $0xFFFFFE00, v31;
	v33 =	vshll.u32 v10, $0x2  }
0x4e4: {  	v23 =	vand.u32 $0x7F, v23;
	v24 =	vand.u32 $0x7F, v24;
	v34 =	vld.idx.msk [tilespmem:v17+s29+$0x0], $0xffff;
	v33 =	vand.u32 $0xFFFFFE00, v33  }
0x4e5: {  	v36 =	vor.u32 $0x80, v14;
	v28 =	vand.u32 $0x7F, v28;
	v30 =	vand.u32 $0x7F, v30;
	v35 =	vld.idx.msk [tilespmem:v18+s29+$0x0], $0xffff  }
0x4e6: {  	v38 =	vor.u32 $0x100, v13;
	v8 =	vand.u32 $0x7F, v8;
	v10 =	vand.u32 $0x7F, v10;
	v37 =	vld.idx.msk [tilespmem:v19+s29+$0x0], $0xffff  }
0x4e7: {  	v23 =	vor.u32 v23, v12;
	v24 =	vor.u32 v24, v27;
	v22 =	vor.u32 v22, v26;
	v26 =	vld.idx.msk [tilespmem:v20+s29+$0x0], $0xffff  }
0x4e8: {  	v25 =	vor.u32 v28, v25;
	v27 =	vor.u32 v30, v29;
	v9 =	vmul.f32 v9, v11;
	v28 =	vld.idx.msk [tilespmem:v15+s29+$0x0], $0xffff  }
0x4e9: {  	v30 =	vor.u32 v8, v31;
	v29 =	vmul.f32 v32, v7;
	v32 =	vor.u32 v10, v33;
	v31 =	vld.idx.msk [tilespmem:v21+s29+$0x0], $0xffff  }
0x4ea: {  	v39 =	vor.u32 $0x80, v17;
	v33 =	vor.u32 $0x80, v16;
	v34 =	vmul.f32 v34, v6;
	[tilespmem:v36+s2+$0x0] =	vst.idx.add.f32.msk $0xffff, v9  }
0x4eb: {  	v41 =	vor.u32 $0x80, v20;
	v40 =	vor.u32 $0x80, v19;
	v36 =	vor.u32 $0x80, v18;
	v38 =	vld.idx.msk [tilespmem:v38+s29+$0x0], $0xffff  }
0x4ec: {  	v43 =	vor.u32 $0x80, v15;
	v44 =	vor.u32 $0x80, v21;
	v42 =	vor.u32 $0x80, v22;
	v8 =	vld [tilespmem:s9+$0xFFFFFFE0]  }
0x4ed: {  	v45 =	vor.u32 $0x80, v23;
	v46 =	vor.u32 $0x80, v24;
	v47 =	vor.u32 $0x80, v25;
	v9 =	vld [tilespmem:s9+$0xFFFFFFF0]  }
0x4ee: {  	v50 =	vor.u32 $0x100, v14;
	v48 =	vor.u32 $0x80, v27;
	v49 =	vor.u32 $0x80, v30;
	v10 =	vld [tilespmem:s9+$0x0]  }
0x4ef: {  	v53 =	vor.u32 $0x180, v13;
	v51 =	vor.u32 $0x100, v16;
	v52 =	vor.u32 $0x80, v32;
	v12 =	vld [tilespmem:s9+$0x10]  }
0x4f0: {  	v54 =	vor.u32 $0x100, v17;
	v56 =	vor.u32 $0x100, v19;
	v55 =	vor.u32 $0x100, v18;
	v13 =	vld [tilespmem:s9+$0x20]  }
0x4f1: {  	v38 =	vmul.f32 v38, v11;
	[tilespmem:v22+s2+$0x0] =	vst.idx.add.f32.msk $0xffff, v29;
	v29 =	vmul.f32 v35, v8;
	v35 =	vor.u32 $0x100, v20  }
0x4f2: {  	v57 =	vor.u32 $0x100, v21;
	[tilespmem:v23+s2+$0x0] =	vst.idx.add.f32.msk $0xffff, v34;
	v34 =	vmul.f32 v37, v9;
	v37 =	vor.u32 $0x100, v15  }
0x4f3: {  	v59 =	vor.u32 $0x100, v23;
	v58 =	vor.u32 $0x100, v22;
	v26 =	vmul.f32 v26, v10;
	[tilespmem:v50+s2+$0x0] =	vst.idx.add.f32.msk $0xffff, v38  }
0x4f4: {  	v38 =	vor.u32 $0x100, v24;
	v50 =	vor.u32 $0x100, v25;
	v28 =	vmul.f32 v28, v12;
	v53 =	vld.idx.msk [tilespmem:v53+s29+$0x0], $0xffff  }
0x4f5: {  	v60 =	vor.u32 $0x100, v30;
	[tilespmem:v24+s2+$0x0] =	vst.idx.add.f32.msk $0xffff, v29;
	v29 =	vor.u32 $0x100, v27;
	v31 =	vmul.f32 v31, v13  }
0x4f6: {  	v17 =	vor.u32 $0x180, v17;
	v16 =	vor.u32 $0x180, v16;
	[tilespmem:v25+s2+$0x0] =	vst.idx.add.f32.msk $0xffff, v34;
	v34 =	vor.u32 $0x100, v32  }
0x4f7: {  	v14 =	vor.u32 $0x180, v14;
	v19 =	vor.u32 $0x180, v19;
	v18 =	vor.u32 $0x180, v18;
	[tilespmem:v27+s2+$0x0] =	vst.idx.add.f32.msk $0xffff, v26  }
0x4f8: {  	v21 =	vor.u32 $0x180, v21;
	v20 =	vor.u32 $0x180, v20;
	v15 =	vor.u32 $0x180, v15;
	[tilespmem:v30+s2+$0x0] =	vst.idx.add.f32.msk $0xffff, v28  }
0x4f9: {  	v22 =	vor.u32 $0x180, v22;
	v23 =	vor.u32 $0x180, v23;
	v24 =	vor.u32 $0x180, v24;
	[tilespmem:v32+s2+$0x0] =	vst.idx.add.f32.msk $0xffff, v31  }
0x4fa: {  	v25 =	vor.u32 $0x180, v25;
	v27 =	vor.u32 $0x180, v27;
	v11 =	vmul.f32 v53, v11;
	v26 =	vld.idx.msk [tilespmem:v33+s29+$0x0], $0xffff  }
0x4fb: {  	v30 =	vor.u32 $0x180, v30;
	v31 =	vor.u32 $0x180, v32;
	v28 =	vld.idx.msk [tilespmem:v39+s29+$0x0], $0xffff  }
0x4fc: {  	[tilespmem:v14+s2+$0x0] =	vst.idx.add.f32.msk $0xffff, v11  }
0x4fd: {  	v11 =	vld.idx.msk [tilespmem:v36+s29+$0x0], $0xffff  }
0x4fe: {  	v14 =	vld.idx.msk [tilespmem:v40+s29+$0x0], $0xffff  }
0x4ff: {  	v32 =	vld.idx.msk [tilespmem:v41+s29+$0x0], $0xffff  }
0x500: {  	v26 =	vmul.f32 v26, v7;
	v33 =	vld.idx.msk [tilespmem:v43+s29+$0x0], $0xffff  }
0x501: {  	v28 =	vmul.f32 v28, v6;
	v36 =	vld.idx.msk [tilespmem:v44+s29+$0x0], $0xffff  }
0x502: {  	[tilespmem:v42+s2+$0x0] =	vst.idx.add.f32.msk $0xffff, v26  }
0x503: {  	v11 =	vmul.f32 v11, v8;
	[tilespmem:v45+s2+$0x0] =	vst.idx.add.f32.msk $0xffff, v28  }
0x504: {  	v14 =	vmul.f32 v14, v9;
	v26 =	vld.idx.msk [tilespmem:v51+s29+$0x0], $0xffff  }
0x505: {  	[tilespmem:v46+s2+$0x0] =	vst.idx.add.f32.msk $0xffff, v11;
	v11 =	vmul.f32 v32, v10  }
0x506: {  	[tilespmem:v47+s2+$0x0] =	vst.idx.add.f32.msk $0xffff, v14;
	v14 =	vmul.f32 v33, v12  }
0x507: {  	[tilespmem:v48+s2+$0x0] =	vst.idx.add.f32.msk $0xffff, v11;
	v11 =	vmul.f32 v36, v13  }
0x508: {  	[tilespmem:v49+s2+$0x0] =	vst.idx.add.f32.msk $0xffff, v14  }
0x509: {  	[tilespmem:v52+s2+$0x0] =	vst.idx.add.f32.msk $0xffff, v11  }
0x50a: {  	v11 =	vmul.f32 v26, v7;
	v14 =	vld.idx.msk [tilespmem:v54+s29+$0x0], $0xffff  }
0x50b: {  	v26 =	vld.idx.msk [tilespmem:v55+s29+$0x0], $0xffff  }
0x50c: {  	v28 =	vld.idx.msk [tilespmem:v56+s29+$0x0], $0xffff  }
0x50d: {  	v32 =	vld.idx.msk [tilespmem:v35+s29+$0x0], $0xffff  }
0x50e: {  	v33 =	vld.idx.msk [tilespmem:v37+s29+$0x0], $0xffff  }
0x50f: {  	v35 =	vld.idx.msk [tilespmem:v57+s29+$0x0], $0xffff  }
0x510: {  	[tilespmem:v58+s2+$0x0] =	vst.idx.add.f32.msk $0xffff, v11;
	v11 =	vmul.f32 v14, v6  }
0x511: {  	v14 =	vld.idx.msk [tilespmem:v16+s29+$0x0], $0xffff;
	v16 =	vmul.f32 v26, v8  }
0x512: {  	[tilespmem:v59+s2+$0x0] =	vst.idx.add.f32.msk $0xffff, v11;
	v11 =	vmul.f32 v28, v9  }
0x513: {  	[tilespmem:v38+s2+$0x0] =	vst.idx.add.f32.msk $0xffff, v16;
	v16 =	vmul.f32 v32, v10  }
0x514: {  	[tilespmem:v50+s2+$0x0] =	vst.idx.add.f32.msk $0xffff, v11;
	v11 =	vmul.f32 v33, v12  }
0x515: {  	[tilespmem:v29+s2+$0x0] =	vst.idx.add.f32.msk $0xffff, v16;
	v16 =	vmul.f32 v35, v13  }
0x516: {  	[tilespmem:v60+s2+$0x0] =	vst.idx.add.f32.msk $0xffff, v11  }
0x517: {  	v7 =	vmul.f32 v14, v7;
	[tilespmem:v34+s2+$0x0] =	vst.idx.add.f32.msk $0xffff, v16  }
0x518: {  	v11 =	vld.idx.msk [tilespmem:v17+s29+$0x0], $0xffff  }
0x519: {  	v14 =	vld.idx.msk [tilespmem:v18+s29+$0x0], $0xffff  }
0x51a: {  	v16 =	vld.idx.msk [tilespmem:v19+s29+$0x0], $0xffff  }
0x51b: {  	v17 =	vld.idx.msk [tilespmem:v20+s29+$0x0], $0xffff  }
0x51c: {  	v15 =	vld.idx.msk [tilespmem:v15+s29+$0x0], $0xffff  }
0x51d: {  	v18 =	vld.idx.msk [tilespmem:v21+s29+$0x0], $0xffff  }
0x51e: {  	v6 =	vmul.f32 v11, v6;
	[tilespmem:v22+s2+$0x0] =	vst.idx.add.f32.msk $0xffff, v7  }
0x51f: {  	v7 =	vmul.f32 v14, v8;
	[tilespmem:v4+s2+$0x0] =	vst.idx.add.f32.msk $0xffff, v5;
	v4 =	vmov v31  }
.Ltmp11:
0x520: {  	v5 =	vmul.f32 v16, v9;
	[tilespmem:v23+s2+$0x0] =	vst.idx.add.f32.msk $0xffff, v6;
	(pc) =	sbr.rel @p1 .LBB2_21-.Ltmp11, $4  }
0x521: {  	v6 =	vmul.f32 v17, v10;
	[tilespmem:v24+s2+$0x0] =	vst.idx.add.f32.msk $0xffff, v7  }
0x522: {  	v7 =	vmul.f32 v15, v12;
	[tilespmem:v25+s2+$0x0] =	vst.idx.add.f32.msk $0xffff, v5  }
0x523: {  	v5 =	vmul.f32 v18, v13;
	[tilespmem:v27+s2+$0x0] =	vst.idx.add.f32.msk $0xffff, v6  }
0x524: {  	s3 =	sadd.s32 $0x80, s3;
	[tilespmem:v30+s2+$0x0] =	vst.idx.add.f32.msk $0xffff, v7  }
0x525: {  	_ =	sdelay $0x2  }
0x526: {  	s7 =	sadd.s32 s15, s18  }
0x527: {  	[tilespmem:v4+s2+$0x0] =	vst.idx.add.f32.msk $0xffff, v5;
	s1 =	simm.s32 @!p0 $0x200;
	s0 =	sadd.s32 s6, s7  }
0x528: {  	[hbm4b:s0+s16] =	stream.strided.scatter [tilespmem:s2], [sflag:$0x5], $0x4000, s17, s16, $0x38;
	[tilespmem:$0x1A300] =	vst v63  }
0x529: {  	s3 =	simm.s32 @!p0 $0x400;
	s4 =	simm.s32 @!p0 $0xA300;
	s0 =	sadd.s32 @!p0 s18, s13  }
0x52a: {  	[tilespmem:s4], [sflag:$0x3] =	stream.strided.gather @!p0 [hbm4b:s0+s1], $0x4000, s3, s1, $0x38;
	[tilespmem:$0x1A300] =	vst v63  }
0x52b: {  	_ =	swait.ge [sflag:s24], $0x4000  }
0x52c: {  	[sflag:s24] =	ssyncset.done $0x0  }
0x52d: {  	s20 =	simm.s32 $0x1940;
	[sflag:s24] =	ssyncadd.s32 $0xFFFFC000  }
0x52e: {  	v4 =	vld [tilespmem:s20+$0xFFFFFFF0]  }
0x52f: {  	v5 =	vld [tilespmem:s20+$0x0]  }
0x530: {  	v6 =	vld [tilespmem:s20+$0x30]  }
0x531: {  	v7 =	vld [tilespmem:s20+$0x20];
	_ =	sdelay $0x3  }
0x532: {  	v8 =	vshll.u32 v4, $0x2;
	v9 =	vshll.u32 v6, $0x2;
	v10 =	vshll.u32 v5, $0x2  }
0x533: {  	v12 =	vld [tilespmem:s20+$0xFFFFFFD0];
	v11 =	vshll.u32 v7, $0x2;
	v5 =	vand.u32 $0x7F, v5;
	v10 =	vand.u32 $0xFFFFFE00, v10  }
0x534: {  	v6 =	vand.u32 $0x7F, v6;
	v9 =	vand.u32 $0xFFFFFE00, v9;
	v5 =	vor.u32 v5, v10  }
0x535: {  	v4 =	vand.u32 $0x7F, v4;
	v8 =	vand.u32 $0xFFFFFE00, v8;
	v9 =	vor.u32 v6, v9  }
0x536: {  	v7 =	vand.u32 $0x7F, v7;
	v10 =	vand.u32 $0xFFFFFE00, v11;
	v4 =	vor.u32 v4, v8  }
0x537: {  	v7 =	vor.u32 v7, v10  }
0x538: {  	v6 =	vshll.u32 v12, $0x2;
	v10 =	vld [tilespmem:s20+$0xFFFFFFC0];
	v8 =	vor.u32 $0x80, v5  }
0x539: {  	v12 =	vand.u32 $0x7F, v12;
	v6 =	vand.u32 $0xFFFFFE00, v6;
	v11 =	vor.u32 $0x80, v7;
	[tilespmem:v5+s5+$0x0] =	vst.idx.msk $0xffff, v3  }
0x53a: {  	v6 =	vor.u32 v12, v6;
	[tilespmem:v9+s5+$0x0] =	vst.idx.msk $0xffff, v3  }
0x53b: {  	v13 =	vor.u32 $0x100, v7;
	[tilespmem:v4+s5+$0x0] =	vst.idx.msk $0xffff, v3  }
0x53c: {  	v15 =	vld [tilespmem:s20+$0xFFFFFFE0];
	v12 =	vor.u32 $0x80, v9;
	[tilespmem:v7+s5+$0x0] =	vst.idx.msk $0xffff, v3  }
0x53d: {  	v19 =	vor.u32 $0x180, v7;
	v14 =	vshll.u32 v10, $0x2;
	[tilespmem:v8+s5+$0x0] =	vst.idx.msk $0xffff, v3;
	v8 =	vld [tilespmem:s20+$0x10]  }
0x53e: {  	v10 =	vand.u32 $0x7F, v10;
	v14 =	vand.u32 $0xFFFFFE00, v14;
	[tilespmem:v11+s5+$0x0] =	vst.idx.msk $0xffff, v3;
	v11 =	vor.u32 $0x100, v9  }
0x53f: {  	[tilespmem:v6+s5+$0x0] =	vst.idx.msk $0xffff, v3;
	v14 =	vor.u32 v10, v14  }
0x540: {  	[tilespmem:v13+s5+$0x0] =	vst.idx.msk $0xffff, v3;
	v13 =	vor.u32 $0x100, v5  }
0x541: {  	v18 =	vor.u32 $0x100, v6;
	[tilespmem:v12+s5+$0x0] =	vst.idx.msk $0xffff, v3;
	v10 =	vor.u32 $0x80, v6  }
0x542: {  	v12 =	vshll.u32 v15, $0x2;
	v17 =	vor.u32 $0x80, v14;
	[tilespmem:v19+s5+$0x0] =	vst.idx.msk $0xffff, v3;
	v16 =	vshll.u32 v8, $0x2  }
0x543: {  	v15 =	vand.u32 $0x7F, v15;
	v8 =	vand.u32 $0x7F, v8;
	v7 =	vand.u32 $0xFFFFFE00, v16;
	[tilespmem:v11+s5+$0x0] =	vst.idx.msk $0xffff, v3  }
0x544: {  	v16 =	vor.u32 $0x100, v14;
	[tilespmem:v14+s5+$0x0] =	vst.idx.msk $0xffff, v3;
	v8 =	vor.u32 v8, v7;
	v7 =	vand.u32 $0xFFFFFE00, v12  }
0x545: {  	[tilespmem:v13+s5+$0x0] =	vst.idx.msk $0xffff, v3;
	v13 =	vor.u32 v15, v7  }
0x546: {  	v5 =	vor.u32 $0x180, v5;
	v11 =	vor.u32 $0x180, v9;
	[tilespmem:v10+s5+$0x0] =	vst.idx.msk $0xffff, v3;
	v15 =	vor.u32 $0x80, v13  }
0x547: {  	v9 =	vor.u32 $0x180, v14;
	v10 =	vor.u32 $0x80, v8;
	[tilespmem:v17+s5+$0x0] =	vst.idx.msk $0xffff, v3;
	v7 =	vor.u32 $0x100, v8  }
0x548: {  	s0 =	simm.s32 $0x0;
	s1 =	simm.s32 $0x19C0;
	[tilespmem:v18+s5+$0x0] =	vst.idx.msk $0xffff, v3;
	v17 =	vor.u32 $0x80, v4;
	v14 =	vor.u32 $0x100, v13;
	v12 =	vor.u32 $0x180, v13  }
.LBB2_23:
0x549: {  	v18 =	vld [tilespmem:s1+$0xFFFFFFF0];
	s0 =	sadd.s32 $0x8, s0;
	[tilespmem:v16+s5+$0x0] =	vst.idx.msk $0xffff, v3  }
0x54a: {  	v16 =	vld [tilespmem:s1+$0x0];
	p1 =	slt.u32 s0, $0x48;
	[tilespmem:v13+s5+$0x0] =	vst.idx.msk $0xffff, v3  }
0x54b: {  	v13 =	vld [tilespmem:s1+$0x30];
	[tilespmem:v15+s5+$0x0] =	vst.idx.msk $0xffff, v3  }
0x54c: {  	v15 =	vld [tilespmem:s1+$0x20];
	[tilespmem:v8+s5+$0x0] =	vst.idx.msk $0xffff, v3  }
0x54d: {  	v19 =	vld [tilespmem:s1+$0xFFFFFFD0];
	[tilespmem:v17+s5+$0x0] =	vst.idx.msk $0xffff, v3  }
0x54e: {  	v21 =	vor.u32 $0x100, v4;
	v17 =	vld [tilespmem:s1+$0xFFFFFFC0];
	v20 =	vshll.u32 v18, $0x2;
	[tilespmem:v11+s5+$0x0] =	vst.idx.msk $0xffff, v3  }
0x54f: {  	v8 =	vor.u32 $0x180, v8;
	v11 =	vld [tilespmem:s1+$0xFFFFFFE0];
	v20 =	vand.u32 $0xFFFFFE00, v20;
	[tilespmem:v14+s5+$0x0] =	vst.idx.msk $0xffff, v3;
	v14 =	vor.u32 $0x180, v4  }
0x550: {  	v6 =	vor.u32 $0x180, v6;
	v22 =	vand.u32 $0x7F, v13;
	v4 =	vshll.u32 v13, $0x2;
	[tilespmem:v10+s5+$0x0] =	vst.idx.msk $0xffff, v3  }
0x551: {  	v10 =	vld [tilespmem:s1+$0x10];
	v13 =	vand.u32 $0x7F, v15;
	v15 =	vshll.u32 v15, $0x2;
	v23 =	vand.u32 $0xFFFFFE00, v4;
	[tilespmem:v5+s5+$0x0] =	vst.idx.msk $0xffff, v3  }
0x552: {  	v4 =	vand.u32 $0x7F, v18;
	v5 =	vshll.u32 v16, $0x2;
	v24 =	vand.u32 $0x7F, v19;
	[tilespmem:v12+s5+$0x0] =	vst.idx.msk $0xffff, v3  }
0x553: {  	v16 =	vand.u32 $0x7F, v16;
	v12 =	vshll.u32 v19, $0x2;
	v5 =	vand.u32 $0xFFFFFE00, v5;
	[tilespmem:v21+s5+$0x0] =	vst.idx.msk $0xffff, v3  }
0x554: {  	v4 =	vor.u32 v4, v20;
	v16 =	vor.u32 v16, v5;
	v5 =	vand.u32 $0xFFFFFE00, v15;
	[tilespmem:v9+s5+$0x0] =	vst.idx.msk $0xffff, v3  }
0x555: {  	v9 =	vshll.u32 v11, $0x2;
	v15 =	vor.u32 $0x80, v16;
	v18 =	vor.u32 v13, v5;
	[tilespmem:v6+s5+$0x0] =	vst.idx.msk $0xffff, v3  }
0x556: {  	v19 =	vor.u32 $0x100, v16;
	v13 =	vor.u32 v22, v23;
	v6 =	vshll.u32 v10, $0x2;
	[tilespmem:v14+s5+$0x0] =	vst.idx.msk $0xffff, v3  }
0x557: {  	v5 =	vor.u32 $0x180, v16;
	v14 =	vor.u32 $0x80, v13;
	v6 =	vand.u32 $0xFFFFFE00, v6;
	[tilespmem:v7+s5+$0x0] =	vst.idx.msk $0xffff, v3  }
0x558: {  	v20 =	vand.u32 $0x7F, v11;
	v10 =	vand.u32 $0x7F, v10;
	v7 =	vand.u32 $0x7F, v17;
	[tilespmem:v8+s5+$0x0] =	vst.idx.msk $0xffff, v3  }
0x559: {  	v11 =	vand.u32 $0xFFFFFE00, v12;
	v12 =	vor.u32 $0x80, v18;
	v8 =	vor.u32 v10, v6;
	[tilespmem:v16+s5+$0x0] =	vst.idx.msk $0xffff, v3  }
0x55a: {  	v10 =	vshll.u32 v17, $0x2;
	v6 =	vor.u32 v24, v11;
	v16 =	vor.u32 $0x100, v18;
	[tilespmem:v18+s5+$0x0] =	vst.idx.msk $0xffff, v3  }
0x55b: {  	v11 =	vor.u32 $0x180, v13;
	v10 =	vand.u32 $0xFFFFFE00, v10;
	[tilespmem:v13+s5+$0x0] =	vst.idx.msk $0xffff, v3  }
0x55c: {  	v21 =	vor.u32 $0x100, v13;
	v17 =	vor.u32 v7, v10;
	[tilespmem:v4+s5+$0x0] =	vst.idx.msk $0xffff, v3  }
0x55d: {  	[tilespmem:v15+s5+$0x0] =	vst.idx.msk $0xffff, v3  }
0x55e: {  	v22 =	vor.u32 $0x80, v6;
	v7 =	vand.u32 $0xFFFFFE00, v9;
	v10 =	vor.u32 $0x80, v8;
	[tilespmem:v12+s5+$0x0] =	vst.idx.msk $0xffff, v3  }
0x55f: {  	v13 =	vor.u32 v20, v7;
	[tilespmem:v16+s5+$0x0] =	vst.idx.msk $0xffff, v3  }
0x560: {  	v23 =	vor.u32 $0x100, v6;
	v20 =	vor.u32 $0x80, v17;
	v16 =	vor.u32 $0x100, v17;
	[tilespmem:v6+s5+$0x0] =	vst.idx.msk $0xffff, v3  }
0x561: {  	v18 =	vor.u32 $0x180, v18;
	v7 =	vor.u32 $0x100, v8;
	v15 =	vor.u32 $0x80, v13;
	[tilespmem:v14+s5+$0x0] =	vst.idx.msk $0xffff, v3  }
0x562: {  	[tilespmem:v17+s5+$0x0] =	vst.idx.msk $0xffff, v3  }
0x563: {  	[tilespmem:v22+s5+$0x0] =	vst.idx.msk $0xffff, v3  }
.Ltmp12:
0x564: {  	v9 =	vor.u32 $0x180, v17;
	v14 =	vor.u32 $0x100, v13;
	[tilespmem:v21+s5+$0x0] =	vst.idx.msk $0xffff, v3;
	(pc) =	sbr.rel @p1 .LBB2_23-.Ltmp12, $4  }
0x565: {  	v12 =	vor.u32 $0x180, v13;
	[tilespmem:v19+s5+$0x0] =	vst.idx.msk $0xffff, v3  }
0x566: {  	[tilespmem:v20+s5+$0x0] =	vst.idx.msk $0xffff, v3  }
0x567: {  	[tilespmem:v23+s5+$0x0] =	vst.idx.msk $0xffff, v3  }
0x568: {  	s1 =	sadd.s32 $0x80, s1;
	v17 =	vor.u32 $0x80, v4;
	[tilespmem:v18+s5+$0x0] =	vst.idx.msk $0xffff, v3  }
0x569: {  	_ =	sdelay $0x3  }
0x56a: {  	[tilespmem:v16+s5+$0x0] =	vst.idx.msk $0xffff, v3  }
0x56b: {  	[tilespmem:v13+s5+$0x0] =	vst.idx.msk $0xffff, v3  }
0x56c: {  	[tilespmem:v8+s5+$0x0] =	vst.idx.msk $0xffff, v3  }
0x56d: {  	[tilespmem:v17+s5+$0x0] =	vst.idx.msk $0xffff, v3  }
0x56e: {  	[tilespmem:v11+s5+$0x0] =	vst.idx.msk $0xffff, v3  }
0x56f: {  	[tilespmem:v5+s5+$0x0] =	vst.idx.msk $0xffff, v3  }
0x570: {  	[tilespmem:v15+s5+$0x0] =	vst.idx.msk $0xffff, v3  }
0x571: {  	v35 =	vor.u32 $0x100, v4;
	[tilespmem:v10+s5+$0x0] =	vst.idx.msk $0xffff, v3  }
0x572: {  	v6 =	vor.u32 $0x180, v6;
	[tilespmem:v9+s5+$0x0] =	vst.idx.msk $0xffff, v3  }
0x573: {  	v5 =	vor.u32 $0x180, v8;
	[tilespmem:v14+s5+$0x0] =	vst.idx.msk $0xffff, v3  }
0x574: {  	v4 =	vor.u32 $0x180, v4;
	[tilespmem:v7+s5+$0x0] =	vst.idx.msk $0xffff, v3  }
0x575: {  	[tilespmem:v12+s5+$0x0] =	vst.idx.msk $0xffff, v3  }
0x576: {  	[tilespmem:v35+s5+$0x0] =	vst.idx.msk $0xffff, v3  }
0x577: {  	[tilespmem:v6+s5+$0x0] =	vst.idx.msk $0xffff, v3  }
0x578: {  	[tilespmem:v5+s5+$0x0] =	vst.idx.msk $0xffff, v3  }
0x579: {  	[tilespmem:v4+s5+$0x0] =	vst.idx.msk $0xffff, v3  }
0x57a: {  	_ =	swait.ge [sflag:s25], $0x4000  }
0x57b: {  	[sflag:s25] =	ssyncset.done $0x0  }
0x57c: {  	s0 =	simm.s32 $0x1440;
	[sflag:s25] =	ssyncadd.s32 $0xFFFFC000  }
0x57d: {  	v4 =	vld [tilespmem:s0+$0x30]  }
0x57e: {  	v5 =	vld [tilespmem:s0+$0xFFFFFFD0]  }
0x57f: {  	v6 =	vld [tilespmem:s0+$0xFFFFFFE0]  }
0x580: {  	v7 =	vld [tilespmem:s0+$0xFFFFFFF0]  }
0x581: {  	v36 =	vld [tilespmem:s0+$0x0]  }
0x582: {  	v37 =	vld [tilespmem:s0+$0x10]  }
0x583: {  	v39 =	vld [tilespmem:s0+$0x20]  }
0x584: {  	s9 =	simm.s32 $0x1940;
	v40 =	vld [tilespmem:s0+$0xFFFFFFC0]  }
0x585: {  	v41 =	vld [tilespmem:s9+$0xFFFFFFC0]  }
0x586: {  	v42 =	vld [tilespmem:s9+$0xFFFFFFD0]  }
0x587: {  	s20 =	simm.s32 $0x1E40;
	v44 =	vld [tilespmem:s9+$0xFFFFFFE0];
	v38 =	vshll.u32 v4, $0x2;
	v4 =	vand.u32 $0x7F, v4  }
0x588: {  	v20 =	vld [tilespmem:s20+$0x30];
	v43 =	vshll.u32 v5, $0x2;
	v45 =	vshll.u32 v6, $0x2;
	v5 =	vand.u32 $0x7F, v5  }
0x589: {  	v22 =	vld [tilespmem:s9+$0xFFFFFFF0];
	v21 =	vshll.u32 v7, $0x2;
	v23 =	vand.u32 $0x7F, v6;
	v6 =	vshll.u32 v40, $0x2  }
0x58a: {  	v24 =	vld [tilespmem:s9+$0x0];
	v27 =	vshll.u32 v36, $0x2;
	v29 =	vand.u32 $0x7F, v7;
	v50 =	vshll.u32 v37, $0x2  }
0x58b: {  	v26 =	vld [tilespmem:s9+$0x10];
	v51 =	vand.u32 $0x7F, v36;
	v53 =	vshll.u32 v39, $0x2;
	v10 =	vand.u32 $0xFFFFFE00, v38  }
0x58c: {  	v28 =	vld [tilespmem:s9+$0x20];
	v54 =	vand.u32 $0x7F, v37;
	v19 =	vand.u32 $0xFFFFFE00, v45;
	v17 =	vor.u32 v4, v10  }
0x58d: {  	v11 =	vand.u32 $0x7F, v39;
	v21 =	vand.u32 $0xFFFFFE00, v21;
	v4 =	vld [tilespmem:s9+$0x30];
	v7 =	vor.u32 v23, v19  }
0x58e: {  	v14 =	vld [tilespmem:s20+$0xFFFFFFF0];
	v31 =	vshll.u32 v41, $0x2;
	v49 =	vand.u32 $0xFFFFFE00, v27;
	v8 =	vor.u32 v29, v21  }
0x58f: {  	v15 =	vld [tilespmem:s20+$0x0];
	v33 =	vshll.u32 v42, $0x2;
	v55 =	vand.u32 $0xFFFFFE00, v53;
	v9 =	vor.u32 v51, v49  }
0x590: {  	v16 =	vld [tilespmem:s20+$0x10];
	v35 =	vshll.u32 v44, $0x2;
	v36 =	vshll.u32 v22, $0x2;
	v11 =	vor.u32 v11, v55  }
0x591: {  	v63 =	vshll.u32 v24, $0x2;
	v22 =	vand.u32 $0x7F, v22;
	v24 =	vand.u32 $0x7F, v24;
	v18 =	vld.idx.msk [tilespmem:v17+s30+$0x0], $0xffff  }
0x592: {  	v6 =	vand.u32 $0xFFFFFE00, v6;
	v52 =	vand.u32 $0xFFFFFE00, v50;
	v46 =	vshll.u32 v4, $0x2;
	v58 =	vld.idx.msk [tilespmem:v7+s30+$0x0], $0xffff  }
0x593: {  	v33 =	vand.u32 $0xFFFFFE00, v33;
	v4 =	vand.u32 $0x7F, v4;
	v60 =	vld.idx.msk [tilespmem:v8+s30+$0x0], $0xffff;
	v13 =	vand.u32 $0xFFFFFE00, v46  }
0x594: {  	v62 =	vand.u32 $0xFFFFFE00, v35;
	v36 =	vand.u32 $0xFFFFFE00, v36;
	v30 =	vld.idx.msk [tilespmem:v9+s30+$0x0], $0xffff;
	v25 =	vor.u32 v4, v13  }
0x595: {  	v10 =	vand.u32 $0xFFFFFE00, v43;
	v47 =	vor.u32 $0x80, v17;
	v34 =	vld.idx.msk [tilespmem:v11+s30+$0x0], $0xffff;
	v4 =	vand.u32 $0x7F, v40  }
0x596: {  	v22 =	vor.u32 v22, v36;
	v40 =	vand.u32 $0x7F, v41;
	v13 =	vor.u32 v4, v6;
	v4 =	vld [tilespmem:s20+$0xFFFFFFC0]  }
0x597: {  	v41 =	vand.u32 $0x7F, v42;
	v6 =	vor.u32 v5, v10;
	v5 =	vld [tilespmem:s20+$0xFFFFFFD0];
	v48 =	vmul.f32 v18, v20  }
0x598: {  	v61 =	vor.u32 $0x100, v17;
	v33 =	vor.u32 v41, v33;
	v41 =	vor.u32 $0x180, v17;
	v17 =	vld [tilespmem:s20+$0x20]  }
0x599: {  	v35 =	vand.u32 $0xFFFFFE00, v63;
	v10 =	vor.u32 v54, v52;
	v46 =	vmul.f32 v60, v14;
	[tilespmem:v25+s5+$0x0] =	vst.idx.add.f32.msk $0xffff, v48  }
0x59a: {  	v24 =	vor.u32 v24, v35;
	v12 =	vld.idx.msk [tilespmem:v47+s30+$0x0], $0xffff  }
0x59b: {  	v54 =	vor.u32 $0x80, v8;
	[tilespmem:v22+s5+$0x0] =	vst.idx.add.f32.msk $0xffff, v46  }
0x59c: {  	v59 =	vor.u32 $0x80, v25;
	v56 =	vld.idx.msk [tilespmem:v13+s30+$0x0], $0xffff  }
0x59d: {  	v31 =	vand.u32 $0xFFFFFE00, v31;
	v49 =	vmul.f32 v30, v15;
	v57 =	vld.idx.msk [tilespmem:v6+s30+$0x0], $0xffff  }
0x59e: {  	v42 =	vshll.u32 v26, $0x2;
	v31 =	vor.u32 v40, v31;
	v32 =	vld.idx.msk [tilespmem:v10+s30+$0x0], $0xffff  }
0x59f: {  	v26 =	vand.u32 $0x7F, v26;
	v37 =	vand.u32 $0xFFFFFE00, v42;
	[tilespmem:v24+s5+$0x0] =	vst.idx.add.f32.msk $0xffff, v49;
	v12 =	vmul.f32 v12, v20  }
0x5a0: {  	v26 =	vor.u32 v26, v37;
	v30 =	vld.idx.msk [tilespmem:v54+s30+$0x0], $0xffff  }
0x5a1: {  	v55 =	vor.u32 $0x80, v9;
	v19 =	vmul.f32 v56, v4;
	[tilespmem:v59+s5+$0x0] =	vst.idx.add.f32.msk $0xffff, v12  }
0x5a2: {  	v36 =	vor.u32 $0x80, v22;
	v18 =	vmul.f32 v57, v5;
	v12 =	vld [tilespmem:s20+$0xFFFFFFE0]  }
0x5a3: {  	v38 =	vshll.u32 v28, $0x2;
	v51 =	vmul.f32 v32, v16;
	[tilespmem:v31+s5+$0x0] =	vst.idx.add.f32.msk $0xffff, v19  }
0x5a4: {  	v45 =	vand.u32 $0x7F, v28;
	v40 =	vand.u32 $0x7F, v44;
	v48 =	vor.u32 $0x80, v13;
	[tilespmem:v33+s5+$0x0] =	vst.idx.add.f32.msk $0xffff, v18  }
0x5a5: {  	v44 =	vand.u32 $0xFFFFFE00, v38;
	v56 =	vor.u32 $0x80, v10;
	v42 =	vmul.f32 v30, v14;
	[tilespmem:v26+s5+$0x0] =	vst.idx.add.f32.msk $0xffff, v51  }
0x5a6: {  	v18 =	vor.u32 v45, v44;
	v19 =	vld.idx.msk [tilespmem:v55+s30+$0x0], $0xffff  }
0x5a7: {  	v57 =	vor.u32 $0x80, v11;
	[tilespmem:v36+s5+$0x0] =	vst.idx.add.f32.msk $0xffff, v42  }
0x5a8: {  	v45 =	vor.u32 $0x100, v8;
	v29 =	vld.idx.msk [tilespmem:v61+s30+$0x0], $0xffff  }
0x5a9: {  	v23 =	vor.u32 v40, v62;
	v52 =	vmul.f32 v34, v17;
	v28 =	vld.idx.msk [tilespmem:v48+s30+$0x0], $0xffff  }
0x5aa: {  	v50 =	vor.u32 $0x80, v6;
	v27 =	vld.idx.msk [tilespmem:v56+s30+$0x0], $0xffff  }
0x5ab: {  	v63 =	vor.u32 $0x80, v24;
	[tilespmem:v18+s5+$0x0] =	vst.idx.add.f32.msk $0xffff, v52  }
0x5ac: {  	v39 =	vor.u32 $0x100, v25;
	v21 =	vmul.f32 v58, v12;
	v32 =	vld.idx.msk [tilespmem:v57+s30+$0x0], $0xffff  }
0x5ad: {  	v53 =	vor.u32 $0x80, v7;
	v43 =	vmul.f32 v29, v20;
	v29 =	vld.idx.msk [tilespmem:v45+s30+$0x0], $0xffff  }
0x5ae: {  	v19 =	vmul.f32 v19, v15;
	[tilespmem:v23+s5+$0x0] =	vst.idx.add.f32.msk $0xffff, v21  }
0x5af: {  	v58 =	vor.u32 $0x80, v31;
	v21 =	vld.idx.msk [tilespmem:v50+s30+$0x0], $0xffff  }
0x5b0: {  	v61 =	vor.u32 $0x100, v13;
	[tilespmem:v63+s5+$0x0] =	vst.idx.add.f32.msk $0xffff, v19  }
0x5b1: {  	[tilespmem:v39+s5+$0x0] =	vst.idx.add.f32.msk $0xffff, v43;
	v39 =	vor.u32 $0x80, v26  }
0x5b2: {  	v54 =	vor.u32 $0x100, v22;
	v28 =	vmul.f32 v28, v4;
	v59 =	vld.idx.msk [tilespmem:v53+s30+$0x0], $0xffff  }
0x5b3: {  	v60 =	vor.u32 $0x80, v33;
	v47 =	vld.idx.msk [tilespmem:v41+s30+$0x0], $0xffff  }
0x5b4: {  	v27 =	vmul.f32 v27, v16;
	v41 =	vor.u32 $0x80, v18;
	[tilespmem:v58+s5+$0x0] =	vst.idx.add.f32.msk $0xffff, v28  }
0x5b5: {  	v8 =	vor.u32 $0x180, v8;
	v28 =	vld.idx.msk [tilespmem:v61+s30+$0x0], $0xffff;
	v58 =	vmul.f32 v29, v14  }
0x5b6: {  	v62 =	vor.u32 $0x80, v23;
	v21 =	vmul.f32 v21, v5;
	[tilespmem:v39+s5+$0x0] =	vst.idx.add.f32.msk $0xffff, v27  }
0x5b7: {  	v43 =	vor.u32 $0x100, v6;
	v46 =	vmul.f32 v32, v17;
	[tilespmem:v54+s5+$0x0] =	vst.idx.add.f32.msk $0xffff, v58  }
0x5b8: {  	v49 =	vor.u32 $0x100, v11;
	[tilespmem:v60+s5+$0x0] =	vst.idx.add.f32.msk $0xffff, v21  }
0x5b9: {  	v25 =	vor.u32 $0x180, v25;
	v40 =	vmul.f32 v59, v12;
	[tilespmem:v41+s5+$0x0] =	vst.idx.add.f32.msk $0xffff, v46  }
0x5ba: {  	v44 =	vor.u32 $0x100, v7;
	v8 =	vld.idx.msk [tilespmem:v8+s30+$0x0], $0xffff  }
0x5bb: {  	v48 =	vor.u32 $0x100, v10;
	[tilespmem:v62+s5+$0x0] =	vst.idx.add.f32.msk $0xffff, v40  }
0x5bc: {  	v51 =	vor.u32 $0x100, v31;
	v20 =	vmul.f32 v47, v20;
	v50 =	vld.idx.msk [tilespmem:v43+s30+$0x0], $0xffff  }
0x5bd: {  	v47 =	vor.u32 $0x100, v9;
	v19 =	vld.idx.msk [tilespmem:v49+s30+$0x0], $0xffff  }
0x5be: {  	v13 =	vor.u32 $0x180, v13;
	[tilespmem:v25+s5+$0x0] =	vst.idx.add.f32.msk $0xffff, v20  }
0x5bf: {  	v52 =	vor.u32 $0x100, v33;
	v21 =	vld.idx.msk [tilespmem:v44+s30+$0x0], $0xffff;
	v28 =	vmul.f32 v28, v4  }
0x5c0: {  	v57 =	vor.u32 $0x100, v18;
	v20 =	vld.idx.msk [tilespmem:v48+s30+$0x0], $0xffff  }
0x5c1: {  	v53 =	vor.u32 $0x100, v23;
	[tilespmem:v51+s5+$0x0] =	vst.idx.add.f32.msk $0xffff, v28  }
0x5c2: {  	v56 =	vor.u32 $0x100, v26;
	v32 =	vld.idx.msk [tilespmem:v47+s30+$0x0], $0xffff;
	v25 =	vmul.f32 v50, v5  }
0x5c3: {  	v6 =	vor.u32 $0x180, v6;
	v13 =	vld.idx.msk [tilespmem:v13+s30+$0x0], $0xffff;
	v19 =	vmul.f32 v19, v17  }
0x5c4: {  	v7 =	vor.u32 $0x180, v7;
	v21 =	vmul.f32 v21, v12;
	[tilespmem:v52+s5+$0x0] =	vst.idx.add.f32.msk $0xffff, v25  }
0x5c5: {  	v10 =	vor.u32 $0x180, v10;
	v20 =	vmul.f32 v20, v16;
	[tilespmem:v57+s5+$0x0] =	vst.idx.add.f32.msk $0xffff, v19  }
0x5c6: {  	v55 =	vor.u32 $0x100, v24;
	[tilespmem:v53+s5+$0x0] =	vst.idx.add.f32.msk $0xffff, v21  }
0x5c7: {  	v9 =	vor.u32 $0x180, v9;
	[tilespmem:v56+s5+$0x0] =	vst.idx.add.f32.msk $0xffff, v20  }
0x5c8: {  	v11 =	vor.u32 $0x180, v11;
	v6 =	vld.idx.msk [tilespmem:v6+s30+$0x0], $0xffff  }
0x5c9: {  	v60 =	vor.u32 $0x180, v31;
	v59 =	vmul.f32 v32, v15;
	v7 =	vld.idx.msk [tilespmem:v7+s30+$0x0], $0xffff  }
0x5ca: {  	v61 =	vor.u32 $0x180, v33;
	v10 =	vld.idx.msk [tilespmem:v10+s30+$0x0], $0xffff  }
0x5cb: {  	v62 =	vor.u32 $0x180, v23;
	[tilespmem:v55+s5+$0x0] =	vst.idx.add.f32.msk $0xffff, v59  }
0x5cc: {  	v22 =	vor.u32 $0x180, v22;
	v4 =	vmul.f32 v13, v4;
	v9 =	vld.idx.msk [tilespmem:v9+s30+$0x0], $0xffff  }
0x5cd: {  	v11 =	vld.idx.msk [tilespmem:v11+s30+$0x0], $0xffff;
	v5 =	vmul.f32 v6, v5;
	v6 =	vor.u32 $0x180, v26  }
0x5ce: {  	v63 =	vor.u32 $0x180, v24;
	[tilespmem:v60+s5+$0x0] =	vst.idx.add.f32.msk $0xffff, v4;
	v4 =	vmul.f32 v7, v12  }
0x5cf: {  	[tilespmem:v61+s5+$0x0] =	vst.idx.add.f32.msk $0xffff, v5;
	v5 =	vmul.f32 v8, v14  }
0x5d0: {  	v7 =	vmul.f32 v10, v16;
	[tilespmem:v62+s5+$0x0] =	vst.idx.add.f32.msk $0xffff, v4  }
0x5d1: {  	v4 =	vmul.f32 v9, v15;
	[tilespmem:v22+s5+$0x0] =	vst.idx.add.f32.msk $0xffff, v5  }
0x5d2: {  	[tilespmem:v6+s5+$0x0] =	vst.idx.add.f32.msk $0xffff, v7  }
0x5d3: {  	s1 =	simm.s32 $0x0;
	s3 =	simm.s32 $0x14C0;
	v5 =	vmul.f32 v11, v17;
	[tilespmem:v63+s5+$0x0] =	vst.idx.add.f32.msk $0xffff, v4;
	v4 =	vor.u32 $0x180, v18  }
.LBB2_25:
0x5d4: {  	v6 =	vld [tilespmem:s3+$0x30];
	s1 =	sadd.s32 $0x8, s1  }
0x5d5: {  	v7 =	vld [tilespmem:s3+$0xFFFFFFD0];
	p1 =	slt.u32 s1, $0x48  }
0x5d6: {  	v8 =	vld [tilespmem:s3+$0xFFFFFFE0]  }
0x5d7: {  	v9 =	vld [tilespmem:s3+$0xFFFFFFF0]  }
0x5d8: {  	v10 =	vld [tilespmem:s3+$0x0]  }
0x5d9: {  	v11 =	vld [tilespmem:s3+$0x10];
	v12 =	vshll.u32 v6, $0x2  }
0x5da: {  	v6 =	vand.u32 $0x7F, v6;
	v13 =	vshll.u32 v7, $0x2;
	v14 =	vld [tilespmem:s3+$0x20];
	v12 =	vand.u32 $0xFFFFFE00, v12  }
0x5db: {  	s9 =	sadd.s32 $0x80, s9;
	v15 =	vld [tilespmem:s3+$0xFFFFFFC0];
	v17 =	vand.u32 $0xFFFFFE00, v13;
	v16 =	vshll.u32 v8, $0x2;
	v13 =	vor.u32 v6, v12  }
0x5dc: {  	v6 =	vand.u32 $0x7F, v7;
	v7 =	vand.u32 $0xFFFFFE00, v16;
	v12 =	vshll.u32 v9, $0x2;
	v16 =	vld [tilespmem:s9+$0x30]  }
0x5dd: {  	v8 =	vand.u32 $0x7F, v8;
	v22 =	vld [tilespmem:s9+$0xFFFFFFC0];
	v12 =	vand.u32 $0xFFFFFE00, v12;
	v18 =	vshll.u32 v10, $0x2  }
0x5de: {  	v9 =	vand.u32 $0x7F, v9;
	v23 =	vld [tilespmem:s9+$0xFFFFFFD0];
	v20 =	vand.u32 $0xFFFFFE00, v18;
	v18 =	vshll.u32 v11, $0x2  }
0x5df: {  	v10 =	vand.u32 $0x7F, v10;
	v24 =	vld [tilespmem:s9+$0xFFFFFFE0];
	v21 =	vand.u32 $0xFFFFFE00, v18;
	v18 =	vshll.u32 v14, $0x2  }
0x5e0: {  	s20 =	sadd.s32 $0x80, s20;
	v19 =	vand.u32 $0x7F, v15;
	v15 =	vshll.u32 v15, $0x2;
	v25 =	vand.u32 $0xFFFFFE00, v18;
	v26 =	vld.idx.msk [tilespmem:v13+s30+$0x0], $0xffff  }
0x5e1: {  	v27 =	vand.u32 $0x7F, v11;
	v15 =	vand.u32 $0xFFFFFE00, v15;
	v11 =	vld [tilespmem:s20+$0x30];
	v18 =	vshll.u32 v16, $0x2  }
0x5e2: {  	v29 =	vand.u32 $0x7F, v14;
	v14 =	vand.u32 $0x7F, v16;
	v28 =	vld [tilespmem:s9+$0xFFFFFFF0];
	v18 =	vand.u32 $0xFFFFFE00, v18  }
0x5e3: {  	v17 =	vor.u32 v6, v17;
	v16 =	vor.u32 v19, v15;
	v30 =	vld [tilespmem:s9+$0x0];
	v14 =	vor.u32 v14, v18  }
0x5e4: {  	v19 =	vor.u32 v9, v12;
	v9 =	vor.u32 $0x80, v13;
	v18 =	vor.u32 v8, v7;
	v8 =	vld [tilespmem:s9+$0x10]  }
0x5e5: {  	v20 =	vor.u32 v10, v20;
	v15 =	vor.u32 v27, v21;
	v21 =	vor.u32 v29, v25;
	v10 =	vld [tilespmem:s9+$0x20]  }
0x5e6: {  	v6 =	vshll.u32 v22, $0x2;
	v12 =	vshll.u32 v23, $0x2;
	v7 =	vld [tilespmem:s20+$0xFFFFFFC0];
	v25 =	vmul.f32 v26, v11  }
0x5e7: {  	v27 =	vshll.u32 v24, $0x2;
	v26 =	vand.u32 $0xFFFFFE00, v6;
	v6 =	vld [tilespmem:s20+$0xFFFFFFD0];
	v29 =	vshll.u32 v28, $0x2  }
0x5e8: {  	v12 =	vand.u32 $0xFFFFFE00, v12;
	v27 =	vand.u32 $0xFFFFFE00, v27;
	v31 =	vshll.u32 v30, $0x2;
	[tilespmem:v14+s5+$0x0] =	vst.idx.add.f32.msk $0xffff, v25  }
0x5e9: {  	v25 =	vand.u32 $0xFFFFFE00, v29;
	v29 =	vand.u32 $0xFFFFFE00, v31;
	v31 =	vshll.u32 v8, $0x2;
	v9 =	vld.idx.msk [tilespmem:v9+s30+$0x0], $0xffff  }
0x5ea: {  	v22 =	vand.u32 $0x7F, v22;
	v32 =	vld.idx.msk [tilespmem:v16+s30+$0x0], $0xffff;
	v31 =	vand.u32 $0xFFFFFE00, v31;
	v33 =	vshll.u32 v10, $0x2  }
0x5eb: {  	v23 =	vand.u32 $0x7F, v23;
	v24 =	vand.u32 $0x7F, v24;
	v34 =	vld.idx.msk [tilespmem:v17+s30+$0x0], $0xffff;
	v33 =	vand.u32 $0xFFFFFE00, v33  }
0x5ec: {  	v36 =	vor.u32 $0x80, v14;
	v28 =	vand.u32 $0x7F, v28;
	v30 =	vand.u32 $0x7F, v30;
	v35 =	vld.idx.msk [tilespmem:v18+s30+$0x0], $0xffff  }
0x5ed: {  	v38 =	vor.u32 $0x100, v13;
	v8 =	vand.u32 $0x7F, v8;
	v10 =	vand.u32 $0x7F, v10;
	v37 =	vld.idx.msk [tilespmem:v19+s30+$0x0], $0xffff  }
0x5ee: {  	v23 =	vor.u32 v23, v12;
	v24 =	vor.u32 v24, v27;
	v22 =	vor.u32 v22, v26;
	v26 =	vld.idx.msk [tilespmem:v20+s30+$0x0], $0xffff  }
0x5ef: {  	v25 =	vor.u32 v28, v25;
	v27 =	vor.u32 v30, v29;
	v9 =	vmul.f32 v9, v11;
	v28 =	vld.idx.msk [tilespmem:v15+s30+$0x0], $0xffff  }
0x5f0: {  	v30 =	vor.u32 v8, v31;
	v29 =	vmul.f32 v32, v7;
	v32 =	vor.u32 v10, v33;
	v31 =	vld.idx.msk [tilespmem:v21+s30+$0x0], $0xffff  }
0x5f1: {  	v39 =	vor.u32 $0x80, v17;
	v33 =	vor.u32 $0x80, v16;
	v34 =	vmul.f32 v34, v6;
	[tilespmem:v36+s5+$0x0] =	vst.idx.add.f32.msk $0xffff, v9  }
0x5f2: {  	v41 =	vor.u32 $0x80, v20;
	v40 =	vor.u32 $0x80, v19;
	v36 =	vor.u32 $0x80, v18;
	v38 =	vld.idx.msk [tilespmem:v38+s30+$0x0], $0xffff  }
0x5f3: {  	v43 =	vor.u32 $0x80, v15;
	v44 =	vor.u32 $0x80, v21;
	v42 =	vor.u32 $0x80, v22;
	v8 =	vld [tilespmem:s20+$0xFFFFFFE0]  }
0x5f4: {  	v45 =	vor.u32 $0x80, v23;
	v46 =	vor.u32 $0x80, v24;
	v47 =	vor.u32 $0x80, v25;
	v9 =	vld [tilespmem:s20+$0xFFFFFFF0]  }
0x5f5: {  	v50 =	vor.u32 $0x100, v14;
	v48 =	vor.u32 $0x80, v27;
	v49 =	vor.u32 $0x80, v30;
	v10 =	vld [tilespmem:s20+$0x0]  }
0x5f6: {  	v53 =	vor.u32 $0x180, v13;
	v51 =	vor.u32 $0x100, v16;
	v52 =	vor.u32 $0x80, v32;
	v12 =	vld [tilespmem:s20+$0x10]  }
0x5f7: {  	v54 =	vor.u32 $0x100, v17;
	v56 =	vor.u32 $0x100, v19;
	v55 =	vor.u32 $0x100, v18;
	v13 =	vld [tilespmem:s20+$0x20]  }
0x5f8: {  	v38 =	vmul.f32 v38, v11;
	[tilespmem:v22+s5+$0x0] =	vst.idx.add.f32.msk $0xffff, v29;
	v29 =	vmul.f32 v35, v8;
	v35 =	vor.u32 $0x100, v20  }
0x5f9: {  	v57 =	vor.u32 $0x100, v21;
	[tilespmem:v23+s5+$0x0] =	vst.idx.add.f32.msk $0xffff, v34;
	v34 =	vmul.f32 v37, v9;
	v37 =	vor.u32 $0x100, v15  }
0x5fa: {  	v59 =	vor.u32 $0x100, v23;
	v58 =	vor.u32 $0x100, v22;
	v26 =	vmul.f32 v26, v10;
	[tilespmem:v50+s5+$0x0] =	vst.idx.add.f32.msk $0xffff, v38  }
0x5fb: {  	v38 =	vor.u32 $0x100, v24;
	v50 =	vor.u32 $0x100, v25;
	v28 =	vmul.f32 v28, v12;
	v53 =	vld.idx.msk [tilespmem:v53+s30+$0x0], $0xffff  }
0x5fc: {  	v60 =	vor.u32 $0x100, v30;
	[tilespmem:v24+s5+$0x0] =	vst.idx.add.f32.msk $0xffff, v29;
	v29 =	vor.u32 $0x100, v27;
	v31 =	vmul.f32 v31, v13  }
0x5fd: {  	v17 =	vor.u32 $0x180, v17;
	v16 =	vor.u32 $0x180, v16;
	[tilespmem:v25+s5+$0x0] =	vst.idx.add.f32.msk $0xffff, v34;
	v34 =	vor.u32 $0x100, v32  }
0x5fe: {  	v14 =	vor.u32 $0x180, v14;
	v19 =	vor.u32 $0x180, v19;
	v18 =	vor.u32 $0x180, v18;
	[tilespmem:v27+s5+$0x0] =	vst.idx.add.f32.msk $0xffff, v26  }
0x5ff: {  	v21 =	vor.u32 $0x180, v21;
	v20 =	vor.u32 $0x180, v20;
	v15 =	vor.u32 $0x180, v15;
	[tilespmem:v30+s5+$0x0] =	vst.idx.add.f32.msk $0xffff, v28  }
0x600: {  	v22 =	vor.u32 $0x180, v22;
	v23 =	vor.u32 $0x180, v23;
	v24 =	vor.u32 $0x180, v24;
	[tilespmem:v32+s5+$0x0] =	vst.idx.add.f32.msk $0xffff, v31  }
0x601: {  	v25 =	vor.u32 $0x180, v25;
	v27 =	vor.u32 $0x180, v27;
	v11 =	vmul.f32 v53, v11;
	v26 =	vld.idx.msk [tilespmem:v33+s30+$0x0], $0xffff  }
0x602: {  	v30 =	vor.u32 $0x180, v30;
	v31 =	vor.u32 $0x180, v32;
	v28 =	vld.idx.msk [tilespmem:v39+s30+$0x0], $0xffff  }
0x603: {  	[tilespmem:v14+s5+$0x0] =	vst.idx.add.f32.msk $0xffff, v11  }
0x604: {  	v11 =	vld.idx.msk [tilespmem:v36+s30+$0x0], $0xffff  }
0x605: {  	v14 =	vld.idx.msk [tilespmem:v40+s30+$0x0], $0xffff  }
0x606: {  	v32 =	vld.idx.msk [tilespmem:v41+s30+$0x0], $0xffff  }
0x607: {  	v26 =	vmul.f32 v26, v7;
	v33 =	vld.idx.msk [tilespmem:v43+s30+$0x0], $0xffff  }
0x608: {  	v28 =	vmul.f32 v28, v6;
	v36 =	vld.idx.msk [tilespmem:v44+s30+$0x0], $0xffff  }
0x609: {  	[tilespmem:v42+s5+$0x0] =	vst.idx.add.f32.msk $0xffff, v26  }
0x60a: {  	v11 =	vmul.f32 v11, v8;
	[tilespmem:v45+s5+$0x0] =	vst.idx.add.f32.msk $0xffff, v28  }
0x60b: {  	v14 =	vmul.f32 v14, v9;
	v26 =	vld.idx.msk [tilespmem:v51+s30+$0x0], $0xffff  }
0x60c: {  	[tilespmem:v46+s5+$0x0] =	vst.idx.add.f32.msk $0xffff, v11;
	v11 =	vmul.f32 v32, v10  }
0x60d: {  	[tilespmem:v47+s5+$0x0] =	vst.idx.add.f32.msk $0xffff, v14;
	v14 =	vmul.f32 v33, v12  }
0x60e: {  	[tilespmem:v48+s5+$0x0] =	vst.idx.add.f32.msk $0xffff, v11;
	v11 =	vmul.f32 v36, v13  }
0x60f: {  	[tilespmem:v49+s5+$0x0] =	vst.idx.add.f32.msk $0xffff, v14  }
0x610: {  	[tilespmem:v52+s5+$0x0] =	vst.idx.add.f32.msk $0xffff, v11  }
0x611: {  	v11 =	vmul.f32 v26, v7;
	v14 =	vld.idx.msk [tilespmem:v54+s30+$0x0], $0xffff  }
0x612: {  	v26 =	vld.idx.msk [tilespmem:v55+s30+$0x0], $0xffff  }
0x613: {  	v28 =	vld.idx.msk [tilespmem:v56+s30+$0x0], $0xffff  }
0x614: {  	v32 =	vld.idx.msk [tilespmem:v35+s30+$0x0], $0xffff  }
0x615: {  	v33 =	vld.idx.msk [tilespmem:v37+s30+$0x0], $0xffff  }
0x616: {  	v35 =	vld.idx.msk [tilespmem:v57+s30+$0x0], $0xffff  }
0x617: {  	[tilespmem:v58+s5+$0x0] =	vst.idx.add.f32.msk $0xffff, v11;
	v11 =	vmul.f32 v14, v6  }
0x618: {  	v14 =	vld.idx.msk [tilespmem:v16+s30+$0x0], $0xffff;
	v16 =	vmul.f32 v26, v8  }
0x619: {  	[tilespmem:v59+s5+$0x0] =	vst.idx.add.f32.msk $0xffff, v11;
	v11 =	vmul.f32 v28, v9  }
0x61a: {  	[tilespmem:v38+s5+$0x0] =	vst.idx.add.f32.msk $0xffff, v16;
	v16 =	vmul.f32 v32, v10  }
0x61b: {  	[tilespmem:v50+s5+$0x0] =	vst.idx.add.f32.msk $0xffff, v11;
	v11 =	vmul.f32 v33, v12  }
0x61c: {  	[tilespmem:v29+s5+$0x0] =	vst.idx.add.f32.msk $0xffff, v16;
	v16 =	vmul.f32 v35, v13  }
0x61d: {  	[tilespmem:v60+s5+$0x0] =	vst.idx.add.f32.msk $0xffff, v11  }
0x61e: {  	v7 =	vmul.f32 v14, v7;
	[tilespmem:v34+s5+$0x0] =	vst.idx.add.f32.msk $0xffff, v16  }
0x61f: {  	v11 =	vld.idx.msk [tilespmem:v17+s30+$0x0], $0xffff  }
0x620: {  	v14 =	vld.idx.msk [tilespmem:v18+s30+$0x0], $0xffff  }
0x621: {  	v16 =	vld.idx.msk [tilespmem:v19+s30+$0x0], $0xffff  }
0x622: {  	v17 =	vld.idx.msk [tilespmem:v20+s30+$0x0], $0xffff  }
0x623: {  	v15 =	vld.idx.msk [tilespmem:v15+s30+$0x0], $0xffff  }
0x624: {  	v18 =	vld.idx.msk [tilespmem:v21+s30+$0x0], $0xffff  }
0x625: {  	v6 =	vmul.f32 v11, v6;
	[tilespmem:v22+s5+$0x0] =	vst.idx.add.f32.msk $0xffff, v7  }
0x626: {  	v7 =	vmul.f32 v14, v8;
	[tilespmem:v4+s5+$0x0] =	vst.idx.add.f32.msk $0xffff, v5;
	v4 =	vmov v31  }
.Ltmp13:
0x627: {  	v5 =	vmul.f32 v16, v9;
	[tilespmem:v23+s5+$0x0] =	vst.idx.add.f32.msk $0xffff, v6;
	(pc) =	sbr.rel @p1 .LBB2_25-.Ltmp13, $4  }
0x628: {  	v6 =	vmul.f32 v17, v10;
	[tilespmem:v24+s5+$0x0] =	vst.idx.add.f32.msk $0xffff, v7  }
0x629: {  	v7 =	vmul.f32 v15, v12;
	[tilespmem:v25+s5+$0x0] =	vst.idx.add.f32.msk $0xffff, v5  }
0x62a: {  	v5 =	vmul.f32 v18, v13;
	[tilespmem:v27+s5+$0x0] =	vst.idx.add.f32.msk $0xffff, v6  }
0x62b: {  	s3 =	sadd.s32 $0x80, s3;
	[tilespmem:v30+s5+$0x0] =	vst.idx.add.f32.msk $0xffff, v7  }
0x62c: {  	_ = 	snop  }
.Ltmp14:
0x62d: {  	_ = 	snop;
	(pc) =	sbr.rel @p0 .LBB2_28-.Ltmp14, $3  }
0x62e: {  	_ =	sdelay $0x1  }
0x62f: {  	[tilespmem:v4+s5+$0x0] =	vst.idx.add.f32.msk $0xffff, v5;
	s0 =	sadd.s32 s7, s11  }
0x630: {  	[hbm4b:s0+s16] =	stream.strided.scatter [tilespmem:s5], [sflag:$0x6], $0x4000, s17, s16, $0x38;
	[tilespmem:$0x1A300] =	vst v63  }
.Ltmp15:
0x631: {  	(pc) =	sbr.rel .LBB2_6-.Ltmp15, $3  }
0x632: {  	_ =	sdelay $0x1  }
0x633: {  	s0 =	sadd.s32 s18, s14;
	s31 =	sadd.s32 $0x1, s31  }
0x634: {  	[tilespmem:s30], [sflag:$0x4] =	stream.strided.gather [hbm4b:s0+s16], $0x4000, s17, s16, $0x38;
	[tilespmem:$0x1A300] =	vst v63  }
.LBB2_29:
0x635: {  	_ =	sfence.sel $0x180000  }
0x636: {  	[bflag:$0x0] =	sbarrier.arrive $0xFFFF  }
0x637: {  	_ =	strace $0x90000047  }
0x638: {  	s0 =	stileid.u32;
	[bflag:$0x2] =	sbarrier.arrive $0xFFFF  }
0x639: {  	p0 =	sne.s32 s0, $0x0;
	s0 =	rddreg [dreg:$0x6]  }
0x63a: {  	s0 =	sadd.s32 @!p0 $0x100000, s0  }
0x63b: {  	[sflag:s0] =	ssyncadd.tile.s32 @!p0 $0x1;
	_ =	shalt  }
.Lfunc_end2:
_tile_overlayer_lowered:
.L_overlay_start_2:
0x63c: {  	(tag) =	ssettag $0x2  }
0x63d: {  	s0 =	rddreg [dreg:$0x0];
	s2 =	stileid.u32  }
0x63e: {  	s1 =	rddreg [dreg:$0x1];
	p0 =	sne.s32 s2, $0x0  }
0x63f: {  	s3 =	rddreg [dreg:$0x2];
	[bflag:$0x3] =	sbarrier.arrive $0xFFFF;
	s2 =	simm.s32 @!p0 $0x1C07  }
0x640: {  	[timem:s3], [sflag:s2] =	dma.local @!p0 [hbm:s0], s1  }
0x641: {  	s0 =	simm.s32 @!p0 $0x7  }
0x642: {  	_ =	swait.ge @!p0 [sflag:s0], s1  }
0x643: {  	s1 =	ssub.s32 @!p0 $0x0, s1;
	[sflag:s0] =	ssyncset.done @!p0 $0x0  }
0x644: {  	[sflag:s0] =	ssyncadd.s32 @!p0 s1  }
0x645: {  	[bflag:$0x3] =	sbarrier.arrive $0xFFFF  }
0x646: {  	_ =	shalt  }

</sc_bundles>
